<compile_context>
chip_gen: v7x
topology: tpu7x:2x2x1
jax: 0.10.2.dev20260603
libtpu: 0.0.44.dev20260713+nightly
codegen_flags: <defaults>
</compile_context>

<pallas_src>
import functools

import jax
import jax.numpy as jnp
from jax import lax
from jax.experimental import pallas as pl
from jax.experimental.pallas import tpu as pltpu
from jax.experimental.pallas import tpu_sc as plsc

PMT = 16
D = 64


def _sc_gather(table_t, cell_idx):
    d, v = table_t.shape
    b = cell_idx.shape[0]
    info = plsc.get_sparse_core_info()
    nw = info.num_cores * info.num_subcores
    bpw = b // nw
    chunk = 8
    mesh = plsc.VectorSubcoreMesh(core_axis_name="c", subcore_axis_name="s")

    @functools.partial(
        pl.kernel,
        mesh=mesh,
        out_type=jax.ShapeDtypeStruct((d, b), jnp.float32),
        scratch_types=[
            pltpu.VMEM((bpw,), jnp.int32),
            pltpu.VMEM((d, chunk * 128), jnp.float32),
            pltpu.VMEM((d, bpw), jnp.float32),
            pltpu.SemaphoreType.DMA,
        ],
        compiler_params=pltpu.CompilerParams(use_tc_tiling_on_sc=True,
                                             needs_layout_passes=False),
    )
    def k(table_hbm, idx_hbm, out_hbm, idx_v, stage_v, tile_v, sem):
        wid = lax.axis_index("s") * info.num_cores + lax.axis_index("c")
        base = wid * bpw
        pltpu.sync_copy(idx_hbm.at[pl.ds(base, bpw)], idx_v)

        def body(j0, carry):
            vec = idx_v[pl.ds(j0 * 16, 16)]
            for half in range(2):
                for s in range(chunk):
                    t = half * chunk + s
                    col0 = pl.multiple_of((vec[t] // 128) * 128, 128)
                    pltpu.async_copy(
                        table_hbm.at[:, pl.ds(col0, 128)],
                        stage_v.at[:, pl.ds(s * 128, 128)],
                        sem,
                    )
                for s in range(chunk):
                    pltpu.make_async_copy(
                        table_hbm.at[:, pl.ds(0, 128)],
                        stage_v.at[:, pl.ds(s * 128, 128)],
                        sem,
                    ).wait()
                for s in range(chunk):
                    t = half * chunk + s
                    lane = vec[t] % 128
                    j = j0 * 16 + t
                    for g in range(d // 16):
                        rows = jnp.arange(16, dtype=jnp.int32) + g * 16
                        vals = plsc.load_gather(
                            stage_v, [rows, jnp.full((16,), s * 128 + lane,
                                                     jnp.int32)])
                        plsc.store_scatter(
                            tile_v, [rows, jnp.full((16,), j, jnp.int32)],
                            vals)
            return carry

        lax.fori_loop(0, bpw // 16, body, 0)
        pltpu.sync_copy(tile_v, out_hbm.at[:, pl.ds(base, bpw)])

    return k(table_t, cell_idx)


def _tc_src_copy(src_t):
    seq, d, b = src_t.shape
    tot = PMT + seq
    tb = 8
    grid = (seq // tb,)
    off = PMT // tb

    def body(src_ref, x_ref):
        x_ref[...] = src_ref[...]

    return pl.pallas_call(
        body,
        grid=grid,
        in_specs=[
            pl.BlockSpec((tb, d, b), lambda i: (i, 0, 0)),
        ],
        out_specs=pl.BlockSpec((tb, d, b), lambda i: (i + off, 0, 0)),
        out_shape=jax.ShapeDtypeStruct((tot, d, b), src_t.dtype),
    )(src_t)


def _tc_prompt_fill(x_part, cell_vec_t, prompt_base):
    tot, d, b = x_part.shape
    tb = 8
    grid = (PMT // tb,)

    def body(x_in, cvt_ref, pb_ref, x_ref):
        x_ref[...] = pb_ref[...][:, :, None] + cvt_ref[...][None, :, :]

    return pl.pallas_call(
        body,
        grid=grid,
        in_specs=[
            pl.BlockSpec(memory_space=pl.ANY),
            pl.BlockSpec((d, b), lambda i: (0, 0)),
            pl.BlockSpec((tb, d), lambda i: (i, 0)),
        ],
        out_specs=pl.BlockSpec((tb, d, b), lambda i: (i, 0, 0)),
        out_shape=jax.ShapeDtypeStruct((tot, d, b), x_part.dtype),
        input_output_aliases={0: 0},
    )(x_part, cell_vec_t, prompt_base)


def kernel(src_embs, src_mask, cell_idx, prompt_base, cell_embed_weight):
    table_t = cell_embed_weight.T
    src_t = jnp.transpose(src_embs, (1, 2, 0))
    mask_t = src_mask.T
    cell_vec_t = _sc_gather(table_t, cell_idx.astype(jnp.int32))
    x_p = _tc_src_copy(src_t)
    x_t = _tc_prompt_fill(x_p, cell_vec_t, prompt_base)
    x = jnp.transpose(x_t, (2, 0, 1))
    new_mask_t = jnp.concatenate(
        [jnp.ones((PMT, mask_t.shape[1]), mask_t.dtype), mask_t], axis=0)
    new_mask = new_mask_t.T
    return (x, new_mask)

# --- scband reference (transcript-rebuilt; emitter-appended) ---
"""Pipeline reference for scband-add-prompt-embedding-3212635537758 (READ-ONLY COPY).

The authoritative reference and input builder live on the scoring server;
editing this copy changes nothing except your own understanding.
"""

import jax, jax.numpy as jnp
import numpy as np

PMT_LEN = 16
NUM_CELLS = 1000000
D_MODEL = 64
PROMPT_SCALE = 1.0
BS = 4096
SEQ_LEN = 200


def setup_inputs(seed: int = 0) -> dict:
    key = jax.random.key(seed)
    k1, k2, k3, k4 = jax.random.split(key, 4)
    src_embs = jax.random.normal(k1, (BS, SEQ_LEN, D_MODEL), dtype=jnp.float32)
    src_mask = jnp.ones((BS, SEQ_LEN), dtype=jnp.bool_)
    cell_idx = jax.random.randint(k2, (BS,), 0, NUM_CELLS + 1, dtype=jnp.int64 if jax.config.jax_enable_x64 else jnp.int32)
    prompt_base = jax.random.normal(k3, (PMT_LEN, D_MODEL), dtype=jnp.float32) * 0.02
    cell_embed_weight = jax.random.normal(k4, (NUM_CELLS + 1, D_MODEL), dtype=jnp.float32) * 0.02
    return {"src_embs": src_embs, "src_mask": src_mask, "cell_idx": cell_idx,
            "prompt_base": prompt_base, "cell_embed_weight": cell_embed_weight}


def reference(src_embs, src_mask, cell_idx, prompt_base, cell_embed_weight):
    bs = src_embs.shape[0]
    # embedding lookup (gather)
    cell_vec = jnp.take(cell_embed_weight, cell_idx, axis=0)  # (bs, d_model)
    pb = jnp.broadcast_to(prompt_base[None, :, :], (bs, PMT_LEN, D_MODEL))
    prompt_tokens = pb + cell_vec[:, None, :] * PROMPT_SCALE  # (bs, pmt_len, d_model)
    x = jnp.concatenate([prompt_tokens, src_embs], axis=1)  # (bs, pmt_len+seq_len, d_model)
    prompt_mask = jnp.ones((bs, PMT_LEN), dtype=src_mask.dtype)
    new_mask = jnp.concatenate([prompt_mask, src_mask], axis=1)
    return (x, new_mask)

if __name__ == "__main__":
    import jax
    _d = setup_inputs()
    print(jax.jit(kernel)(*tuple(_d.values())))

</pallas_src>

<mosaic_0001>
#map = affine_map<(d0, d1) -> (0, 0)>
#map1 = affine_map<(d0, d1) -> (0)>
module attributes {stable_mosaic.version = 14 : i64} {
  func.func @k(%arg0: i32, %arg1: i32, %arg2: memref<64x1000001xf32, #tpu.memory_space<hbm>>, %arg3: memref<4096xi32, #tpu.memory_space<hbm>>, %arg4: memref<64x4096xf32, #tpu.memory_space<hbm>>, %arg5: memref<128xi32, #tpu.memory_space<vmem>>, %arg6: memref<64x1024xf32, #tpu.memory_space<vmem>>, %arg7: memref<64x128xf32, #tpu.memory_space<vmem>>, %arg8: memref<!tpu.dma_semaphore, #tpu.memory_space<semaphore_mem>>) attributes {dimension_semantics = [#tpu.dimension_semantics<core_parallel>, #tpu.dimension_semantics<subcore_parallel>], iteration_bounds = array<i64: 2, 16>, scalar_prefetch = 0 : i64, scratch_operands = 4 : i64, tpu.core_type = #tpu.core_type<sc_vector_subcore>, window_params = [{transform_indices = #map}, {transform_indices = #map1}, {transform_indices = #map}]} {
    %mul3A = arith.constant 2 : i32
    %mul3A_0 = arith.muli %arg1, %mul3A : i32
    %add3A = arith.addi %mul3A_0, %arg0 : i32
    %mul3A_1 = arith.constant 128 : i32
    %mul3A_2 = arith.muli %add3A, %mul3A_1 : i32
    "tpu.region"() ({
      %run_scoped3A = tpu.sem_alloc : memref<!tpu.dma_semaphore, #tpu.memory_space<semaphore_mem>>
      %dma_start3A = tpu.memref_slice %arg3[%mul3A_2] : memref<4096xi32, #tpu.memory_space<hbm>> -> memref<128xi32, #tpu.memory_space<hbm>>
      %dma_start3A_8 = tpu.memref_slice %arg3[%mul3A_2] : memref<4096xi32, #tpu.memory_space<hbm>> -> memref<128xi32, #tpu.memory_space<hbm>>
      tpu.enqueue_dma source(%dma_start3A_8 : memref<128xi32, #tpu.memory_space<hbm>>) target(%arg5 : memref<128xi32, #tpu.memory_space<vmem>>) target_semaphore(%run_scoped3A : memref<!tpu.dma_semaphore, #tpu.memory_space<semaphore_mem>>)
      %dma_wait3A = tpu.memref_slice %arg3[%mul3A_2] : memref<4096xi32, #tpu.memory_space<hbm>> -> memref<128xi32, #tpu.memory_space<hbm>>
      %dma_wait3A_9 = tpu.memref_slice %arg3[%mul3A_2] : memref<4096xi32, #tpu.memory_space<hbm>> -> memref<128xi32, #tpu.memory_space<hbm>>
      tpu.wait_dma2 semaphore(%run_scoped3A : memref<!tpu.dma_semaphore, #tpu.memory_space<semaphore_mem>>) src(%dma_wait3A_9 : memref<128xi32, #tpu.memory_space<hbm>>) dst(%arg5 : memref<128xi32, #tpu.memory_space<vmem>>)
      tpu.yield
    }) : () -> ()
    %scan3A = arith.constant 0 : i32
    %scan3A_3 = arith.constant 0 : i32
    %scan3A_4 = arith.constant 8 : i32
    %scan3A_5 = arith.addi %scan3A_3, %scan3A_4 : i32
    %scan3A_6 = arith.constant 1 : i32
    scf.for %scan3A_8 = %scan3A_3 to %scan3A_5 step %scan3A_6  : i32 {
      %mul3A_9 = arith.constant 16 : i32
      %mul3A_10 = arith.muli %scan3A_8, %mul3A_9 : i32
      %get3A = arith.index_cast %mul3A_10 : i32 to index
      %get3A_11 = tpu.vector_load %arg5[%get3A] {strides = array<i32>} : memref<128xi32, #tpu.memory_space<vmem>>, vector<16xi32>,
      %slice3A = vector.extract_strided_slice %get3A_11 {offsets = [0], sizes = [1], strides = [1]} : vector<16xi32> to vector<1xi32>
      %squeeze3A = vector.extract %slice3A[0] : i32 from vector<1xi32>
      %jit3A = arith.constant 128 : i32
      %div3A = arith.divsi %squeeze3A, %jit3A : i32
      %sign3A = arith.constant 0 : i32
      %sign3A_12 = arith.cmpi sgt, %squeeze3A, %sign3A : i32
      %sign3A_13 = arith.extui %sign3A_12 : i1 to i32
      %sign3A_14 = arith.constant 0 : i32
      %sign3A_15 = arith.cmpi slt, %squeeze3A, %sign3A_14 : i32
      %sign3A_16 = arith.extui %sign3A_15 : i1 to i32
      %sign3A_17 = arith.subi %sign3A_13, %sign3A_16 : i32
      %sign3A_18 = arith.constant 0 : i32
      %sign3A_19 = arith.cmpi sgt, %jit3A, %sign3A_18 : i32
      %sign3A_20 = arith.extui %sign3A_19 : i1 to i32
      %sign3A_21 = arith.constant 0 : i32
      %sign3A_22 = arith.cmpi slt, %jit3A, %sign3A_21 : i32
      %sign3A_23 = arith.extui %sign3A_22 : i1 to i32
      %sign3A_24 = arith.subi %sign3A_20, %sign3A_23 : i32
      %ne3A = arith.cmpi ne, %sign3A_17, %sign3A_24 : i32
      %rem3A = arith.remsi %squeeze3A, %jit3A : i32
      %ne3A_25 = arith.constant 0 : i32
      %ne3A_26 = arith.cmpi ne, %rem3A, %ne3A_25 : i32
      %and3A = arith.andi %ne3A, %ne3A_26 : i1
      %sub3A = arith.constant 1 : i32
      %sub3A_27 = arith.subi %div3A, %sub3A : i32
      %select_n3A = arith.select %and3A, %sub3A_27, %div3A : i32
      %mul3A_28 = arith.constant 128 : i32
      %mul3A_29 = arith.muli %select_n3A, %mul3A_28 : i32
      %multiple_of3A = tpu.assume_multiple %mul3A_29, 128 : i32
      %dma_start3A = arith.constant 0 : i32
      %dma_start3A_30 = arith.constant 0 : i32
      %dma_start3A_31 = tpu.memref_slice %arg6[%dma_start3A, %dma_start3A_30] : memref<64x1024xf32, #tpu.memory_space<vmem>> -> memref<64x128xf32, #tpu.memory_space<vmem>>
      %dma_start3A_32 = arith.constant 0 : i32
      %dma_start3A_33 = tpu.memref_slice %arg2[%dma_start3A_32, %multiple_of3A] : memref<64x1000001xf32, #tpu.memory_space<hbm>> -> memref<64x128xf32, #tpu.memory_space<hbm>>
      %dma_start3A_34 = arith.constant 0 : i32
      %dma_start3A_35 = arith.constant 0 : i32
      %dma_start3A_36 = tpu.memref_slice %arg6[%dma_start3A_34, %dma_start3A_35] : memref<64x1024xf32, #tpu.memory_space<vmem>> -> memref<64x128xf32, #tpu.memory_space<vmem>>
      %dma_start3A_37 = arith.constant 0 : i32
      %dma_start3A_38 = tpu.memref_slice %arg2[%dma_start3A_37, %multiple_of3A] : memref<64x1000001xf32, #tpu.memory_space<hbm>> -> memref<64x128xf32, #tpu.memory_space<hbm>>
      tpu.enqueue_dma source(%dma_start3A_38 : memref<64x128xf32, #tpu.memory_space<hbm>>) target(%dma_start3A_36 : memref<64x128xf32, #tpu.memory_space<vmem>>) target_semaphore(%arg8 : memref<!tpu.dma_semaphore, #tpu.memory_space<semaphore_mem>>)
      %slice3A_39 = vector.extract_strided_slice %get3A_11 {offsets = [1], sizes = [1], strides = [1]} : vector<16xi32> to vector<1xi32>
      %squeeze3A_40 = vector.extract %slice3A_39[0] : i32 from vector<1xi32>
      %jit3A_41 = arith.constant 128 : i32
      %div3A_42 = arith.divsi %squeeze3A_40, %jit3A_41 : i32
      %sign3A_43 = arith.constant 0 : i32
      %sign3A_44 = arith.cmpi sgt, %squeeze3A_40, %sign3A_43 : i32
      %sign3A_45 = arith.extui %sign3A_44 : i1 to i32
      %sign3A_46 = arith.constant 0 : i32
      %sign3A_47 = arith.cmpi slt, %squeeze3A_40, %sign3A_46 : i32
      %sign3A_48 = arith.extui %sign3A_47 : i1 to i32
      %sign3A_49 = arith.subi %sign3A_45, %sign3A_48 : i32
      %sign3A_50 = arith.constant 0 : i32
      %sign3A_51 = arith.cmpi sgt, %jit3A_41, %sign3A_50 : i32
      %sign3A_52 = arith.extui %sign3A_51 : i1 to i32
      %sign3A_53 = arith.constant 0 : i32
      %sign3A_54 = arith.cmpi slt, %jit3A_41, %sign3A_53 : i32
      %sign3A_55 = arith.extui %sign3A_54 : i1 to i32
      %sign3A_56 = arith.subi %sign3A_52, %sign3A_55 : i32
      %ne3A_57 = arith.cmpi ne, %sign3A_49, %sign3A_56 : i32
      %rem3A_58 = arith.remsi %squeeze3A_40, %jit3A_41 : i32
      %ne3A_59 = arith.constant 0 : i32
      %ne3A_60 = arith.cmpi ne, %rem3A_58, %ne3A_59 : i32
      %and3A_61 = arith.andi %ne3A_57, %ne3A_60 : i1
      %sub3A_62 = arith.constant 1 : i32
      %sub3A_63 = arith.subi %div3A_42, %sub3A_62 : i32
      %select_n3A_64 = arith.select %and3A_61, %sub3A_63, %div3A_42 : i32
      %mul3A_65 = arith.constant 128 : i32
      %mul3A_66 = arith.muli %select_n3A_64, %mul3A_65 : i32
      %multiple_of3A_67 = tpu.assume_multiple %mul3A_66, 128 : i32
      %dma_start3A_68 = arith.constant 0 : i32
      %dma_start3A_69 = arith.constant 128 : i32
      %dma_start3A_70 = tpu.memref_slice %arg6[%dma_start3A_68, %dma_start3A_69] : memref<64x1024xf32, #tpu.memory_space<vmem>> -> memref<64x128xf32, #tpu.memory_space<vmem>>
      %dma_start3A_71 = arith.constant 0 : i32
      %dma_start3A_72 = tpu.memref_slice %arg2[%dma_start3A_71, %multiple_of3A_67] : memref<64x1000001xf32, #tpu.memory_space<hbm>> -> memref<64x128xf32, #tpu.memory_space<hbm>>
      %dma_start3A_73 = arith.constant 0 : i32
      %dma_start3A_74 = arith.constant 128 : i32
      %dma_start3A_75 = tpu.memref_slice %arg6[%dma_start3A_73, %dma_start3A_74] : memref<64x1024xf32, #tpu.memory_space<vmem>> -> memref<64x128xf32, #tpu.memory_space<vmem>>
      %dma_start3A_76 = arith.constant 0 : i32
      %dma_start3A_77 = tpu.memref_slice %arg2[%dma_start3A_76, %multiple_of3A_67] : memref<64x1000001xf32, #tpu.memory_space<hbm>> -> memref<64x128xf32, #tpu.memory_space<hbm>>
      tpu.enqueue_dma source(%dma_start3A_77 : memref<64x128xf32, #tpu.memory_space<hbm>>) target(%dma_start3A_75 : memref<64x128xf32, #tpu.memory_space<vmem>>) target_semaphore(%arg8 : memref<!tpu.dma_semaphore, #tpu.memory_space<semaphore_mem>>)
      %slice3A_78 = vector.extract_strided_slice %get3A_11 {offsets = [2], sizes = [1], strides = [1]} : vector<16xi32> to vector<1xi32>
      %squeeze3A_79 = vector.extract %slice3A_78[0] : i32 from vector<1xi32>
      %jit3A_80 = arith.constant 128 : i32
      %div3A_81 = arith.divsi %squeeze3A_79, %jit3A_80 : i32
      %sign3A_82 = arith.constant 0 : i32
      %sign3A_83 = arith.cmpi sgt, %squeeze3A_79, %sign3A_82 : i32
      %sign3A_84 = arith.extui %sign3A_83 : i1 to i32
      %sign3A_85 = arith.constant 0 : i32
      %sign3A_86 = arith.cmpi slt, %squeeze3A_79, %sign3A_85 : i32
      %sign3A_87 = arith.extui %sign3A_86 : i1 to i32
      %sign3A_88 = arith.subi %sign3A_84, %sign3A_87 : i32
      %sign3A_89 = arith.constant 0 : i32
      %sign3A_90 = arith.cmpi sgt, %jit3A_80, %sign3A_89 : i32
      %sign3A_91 = arith.extui %sign3A_90 : i1 to i32
      %sign3A_92 = arith.constant 0 : i32
      %sign3A_93 = arith.cmpi slt, %jit3A_80, %sign3A_92 : i32
      %sign3A_94 = arith.extui %sign3A_93 : i1 to i32
      %sign3A_95 = arith.subi %sign3A_91, %sign3A_94 : i32
      %ne3A_96 = arith.cmpi ne, %sign3A_88, %sign3A_95 : i32
      %rem3A_97 = arith.remsi %squeeze3A_79, %jit3A_80 : i32
      %ne3A_98 = arith.constant 0 : i32
      %ne3A_99 = arith.cmpi ne, %rem3A_97, %ne3A_98 : i32
      %and3A_100 = arith.andi %ne3A_96, %ne3A_99 : i1
      %sub3A_101 = arith.constant 1 : i32
      %sub3A_102 = arith.subi %div3A_81, %sub3A_101 : i32
      %select_n3A_103 = arith.select %and3A_100, %sub3A_102, %div3A_81 : i32
      %mul3A_104 = arith.constant 128 : i32
      %mul3A_105 = arith.muli %select_n3A_103, %mul3A_104 : i32
      %multiple_of3A_106 = tpu.assume_multiple %mul3A_105, 128 : i32
      %dma_start3A_107 = arith.constant 0 : i32
      %dma_start3A_108 = arith.constant 256 : i32
      %dma_start3A_109 = tpu.memref_slice %arg6[%dma_start3A_107, %dma_start3A_108] : memref<64x1024xf32, #tpu.memory_space<vmem>> -> memref<64x128xf32, #tpu.memory_space<vmem>>
      %dma_start3A_110 = arith.constant 0 : i32
      %dma_start3A_111 = tpu.memref_slice %arg2[%dma_start3A_110, %multiple_of3A_106] : memref<64x1000001xf32, #tpu.memory_space<hbm>> -> memref<64x128xf32, #tpu.memory_space<hbm>>
      %dma_start3A_112 = arith.constant 0 : i32
      %dma_start3A_113 = arith.constant 256 : i32
      %dma_start3A_114 = tpu.memref_slice %arg6[%dma_start3A_112, %dma_start3A_113] : memref<64x1024xf32, #tpu.memory_space<vmem>> -> memref<64x128xf32, #tpu.memory_space<vmem>>
      %dma_start3A_115 = arith.constant 0 : i32
      %dma_start3A_116 = tpu.memref_slice %arg2[%dma_start3A_115, %multiple_of3A_106] : memref<64x1000001xf32, #tpu.memory_space<hbm>> -> memref<64x128xf32, #tpu.memory_space<hbm>>
      tpu.enqueue_dma source(%dma_start3A_116 : memref<64x128xf32, #tpu.memory_space<hbm>>) target(%dma_start3A_114 : memref<64x128xf32, #tpu.memory_space<vmem>>) target_semaphore(%arg8 : memref<!tpu.dma_semaphore, #tpu.memory_space<semaphore_mem>>)
      %slice3A_117 = vector.extract_strided_slice %get3A_11 {offsets = [3], sizes = [1], strides = [1]} : vector<16xi32> to vector<1xi32>
      %squeeze3A_118 = vector.extract %slice3A_117[0] : i32 from vector<1xi32>
      %jit3A_119 = arith.constant 128 : i32
      %div3A_120 = arith.divsi %squeeze3A_118, %jit3A_119 : i32
      %sign3A_121 = arith.constant 0 : i32
      %sign3A_122 = arith.cmpi sgt, %squeeze3A_118, %sign3A_121 : i32
      %sign3A_123 = arith.extui %sign3A_122 : i1 to i32
      %sign3A_124 = arith.constant 0 : i32
      %sign3A_125 = arith.cmpi slt, %squeeze3A_118, %sign3A_124 : i32
      %sign3A_126 = arith.extui %sign3A_125 : i1 to i32
      %sign3A_127 = arith.subi %sign3A_123, %sign3A_126 : i32
      %sign3A_128 = arith.constant 0 : i32
      %sign3A_129 = arith.cmpi sgt, %jit3A_119, %sign3A_128 : i32
      %sign3A_130 = arith.extui %sign3A_129 : i1 to i32
      %sign3A_131 = arith.constant 0 : i32
      %sign3A_132 = arith.cmpi slt, %jit3A_119, %sign3A_131 : i32
      %sign3A_133 = arith.extui %sign3A_132 : i1 to i32
      %sign3A_134 = arith.subi %sign3A_130, %sign3A_133 : i32
      %ne3A_135 = arith.cmpi ne, %sign3A_127, %sign3A_134 : i32
      %rem3A_136 = arith.remsi %squeeze3A_118, %jit3A_119 : i32
      %ne3A_137 = arith.constant 0 : i32
      %ne3A_138 = arith.cmpi ne, %rem3A_136, %ne3A_137 : i32
      %and3A_139 = arith.andi %ne3A_135, %ne3A_138 : i1
      %sub3A_140 = arith.constant 1 : i32
      %sub3A_141 = arith.subi %div3A_120, %sub3A_140 : i32
      %select_n3A_142 = arith.select %and3A_139, %sub3A_141, %div3A_120 : i32
      %mul3A_143 = arith.constant 128 : i32
      %mul3A_144 = arith.muli %select_n3A_142, %mul3A_143 : i32
      %multiple_of3A_145 = tpu.assume_multiple %mul3A_144, 128 : i32
      %dma_start3A_146 = arith.constant 0 : i32
      %dma_start3A_147 = arith.constant 384 : i32
      %dma_start3A_148 = tpu.memref_slice %arg6[%dma_start3A_146, %dma_start3A_147] : memref<64x1024xf32, #tpu.memory_space<vmem>> -> memref<64x128xf32, #tpu.memory_space<vmem>>
      %dma_start3A_149 = arith.constant 0 : i32
      %dma_start3A_150 = tpu.memref_slice %arg2[%dma_start3A_149, %multiple_of3A_145] : memref<64x1000001xf32, #tpu.memory_space<hbm>> -> memref<64x128xf32, #tpu.memory_space<hbm>>
      %dma_start3A_151 = arith.constant 0 : i32
      %dma_start3A_152 = arith.constant 384 : i32
      %dma_start3A_153 = tpu.memref_slice %arg6[%dma_start3A_151, %dma_start3A_152] : memref<64x1024xf32, #tpu.memory_space<vmem>> -> memref<64x128xf32, #tpu.memory_space<vmem>>
      %dma_start3A_154 = arith.constant 0 : i32
      %dma_start3A_155 = tpu.memref_slice %arg2[%dma_start3A_154, %multiple_of3A_145] : memref<64x1000001xf32, #tpu.memory_space<hbm>> -> memref<64x128xf32, #tpu.memory_space<hbm>>
      tpu.enqueue_dma source(%dma_start3A_155 : memref<64x128xf32, #tpu.memory_space<hbm>>) target(%dma_start3A_153 : memref<64x128xf32, #tpu.memory_space<vmem>>) target_semaphore(%arg8 : memref<!tpu.dma_semaphore, #tpu.memory_space<semaphore_mem>>)
      %slice3A_156 = vector.extract_strided_slice %get3A_11 {offsets = [4], sizes = [1], strides = [1]} : vector<16xi32> to vector<1xi32>
      %squeeze3A_157 = vector.extract %slice3A_156[0] : i32 from vector<1xi32>
      %jit3A_158 = arith.constant 128 : i32
      %div3A_159 = arith.divsi %squeeze3A_157, %jit3A_158 : i32
      %sign3A_160 = arith.constant 0 : i32
      %sign3A_161 = arith.cmpi sgt, %squeeze3A_157, %sign3A_160 : i32
      %sign3A_162 = arith.extui %sign3A_161 : i1 to i32
      %sign3A_163 = arith.constant 0 : i32
      %sign3A_164 = arith.cmpi slt, %squeeze3A_157, %sign3A_163 : i32
      %sign3A_165 = arith.extui %sign3A_164 : i1 to i32
      %sign3A_166 = arith.subi %sign3A_162, %sign3A_165 : i32
      %sign3A_167 = arith.constant 0 : i32
      %sign3A_168 = arith.cmpi sgt, %jit3A_158, %sign3A_167 : i32
      %sign3A_169 = arith.extui %sign3A_168 : i1 to i32
      %sign3A_170 = arith.constant 0 : i32
      %sign3A_171 = arith.cmpi slt, %jit3A_158, %sign3A_170 : i32
      %sign3A_172 = arith.extui %sign3A_171 : i1 to i32
      %sign3A_173 = arith.subi %sign3A_169, %sign3A_172 : i32
      %ne3A_174 = arith.cmpi ne, %sign3A_166, %sign3A_173 : i32
      %rem3A_175 = arith.remsi %squeeze3A_157, %jit3A_158 : i32
      %ne3A_176 = arith.constant 0 : i32
      %ne3A_177 = arith.cmpi ne, %rem3A_175, %ne3A_176 : i32
      %and3A_178 = arith.andi %ne3A_174, %ne3A_177 : i1
      %sub3A_179 = arith.constant 1 : i32
      %sub3A_180 = arith.subi %div3A_159, %sub3A_179 : i32
      %select_n3A_181 = arith.select %and3A_178, %sub3A_180, %div3A_159 : i32
      %mul3A_182 = arith.constant 128 : i32
      %mul3A_183 = arith.muli %select_n3A_181, %mul3A_182 : i32
      %multiple_of3A_184 = tpu.assume_multiple %mul3A_183, 128 : i32
      %dma_start3A_185 = arith.constant 0 : i32
      %dma_start3A_186 = arith.constant 512 : i32
      %dma_start3A_187 = tpu.memref_slice %arg6[%dma_start3A_185, %dma_start3A_186] : memref<64x1024xf32, #tpu.memory_space<vmem>> -> memref<64x128xf32, #tpu.memory_space<vmem>>
      %dma_start3A_188 = arith.constant 0 : i32
      %dma_start3A_189 = tpu.memref_slice %arg2[%dma_start3A_188, %multiple_of3A_184] : memref<64x1000001xf32, #tpu.memory_space<hbm>> -> memref<64x128xf32, #tpu.memory_space<hbm>>
      %dma_start3A_190 = arith.constant 0 : i32
      %dma_start3A_191 = arith.constant 512 : i32
      %dma_start3A_192 = tpu.memref_slice %arg6[%dma_start3A_190, %dma_start3A_191] : memref<64x1024xf32, #tpu.memory_space<vmem>> -> memref<64x128xf32, #tpu.memory_space<vmem>>
      %dma_start3A_193 = arith.constant 0 : i32
      %dma_start3A_194 = tpu.memref_slice %arg2[%dma_start3A_193, %multiple_of3A_184] : memref<64x1000001xf32, #tpu.memory_space<hbm>> -> memref<64x128xf32, #tpu.memory_space<hbm>>
      tpu.enqueue_dma source(%dma_start3A_194 : memref<64x128xf32, #tpu.memory_space<hbm>>) target(%dma_start3A_192 : memref<64x128xf32, #tpu.memory_space<vmem>>) target_semaphore(%arg8 : memref<!tpu.dma_semaphore, #tpu.memory_space<semaphore_mem>>)
      %slice3A_195 = vector.extract_strided_slice %get3A_11 {offsets = [5], sizes = [1], strides = [1]} : vector<16xi32> to vector<1xi32>
      %squeeze3A_196 = vector.extract %slice3A_195[0] : i32 from vector<1xi32>
      %jit3A_197 = arith.constant 128 : i32
      %div3A_198 = arith.divsi %squeeze3A_196, %jit3A_197 : i32
      %sign3A_199 = arith.constant 0 : i32
      %sign3A_200 = arith.cmpi sgt, %squeeze3A_196, %sign3A_199 : i32
      %sign3A_201 = arith.extui %sign3A_200 : i1 to i32
      %sign3A_202 = arith.constant 0 : i32
      %sign3A_203 = arith.cmpi slt, %squeeze3A_196, %sign3A_202 : i32
      %sign3A_204 = arith.extui %sign3A_203 : i1 to i32
      %sign3A_205 = arith.subi %sign3A_201, %sign3A_204 : i32
      %sign3A_206 = arith.constant 0 : i32
      %sign3A_207 = arith.cmpi sgt, %jit3A_197, %sign3A_206 : i32
      %sign3A_208 = arith.extui %sign3A_207 : i1 to i32
      %sign3A_209 = arith.constant 0 : i32
      %sign3A_210 = arith.cmpi slt, %jit3A_197, %sign3A_209 : i32
      %sign3A_211 = arith.extui %sign3A_210 : i1 to i32
      %sign3A_212 = arith.subi %sign3A_208, %sign3A_211 : i32
      %ne3A_213 = arith.cmpi ne, %sign3A_205, %sign3A_212 : i32
      %rem3A_214 = arith.remsi %squeeze3A_196, %jit3A_197 : i32
      %ne3A_215 = arith.constant 0 : i32
      %ne3A_216 = arith.cmpi ne, %rem3A_214, %ne3A_215 : i32
      %and3A_217 = arith.andi %ne3A_213, %ne3A_216 : i1
      %sub3A_218 = arith.constant 1 : i32
      %sub3A_219 = arith.subi %div3A_198, %sub3A_218 : i32
      %select_n3A_220 = arith.select %and3A_217, %sub3A_219, %div3A_198 : i32
      %mul3A_221 = arith.constant 128 : i32
      %mul3A_222 = arith.muli %select_n3A_220, %mul3A_221 : i32
      %multiple_of3A_223 = tpu.assume_multiple %mul3A_222, 128 : i32
      %dma_start3A_224 = arith.constant 0 : i32
      %dma_start3A_225 = arith.constant 640 : i32
      %dma_start3A_226 = tpu.memref_slice %arg6[%dma_start3A_224, %dma_start3A_225] : memref<64x1024xf32, #tpu.memory_space<vmem>> -> memref<64x128xf32, #tpu.memory_space<vmem>>
      %dma_start3A_227 = arith.constant 0 : i32
      %dma_start3A_228 = tpu.memref_slice %arg2[%dma_start3A_227, %multiple_of3A_223] : memref<64x1000001xf32, #tpu.memory_space<hbm>> -> memref<64x128xf32, #tpu.memory_space<hbm>>
      %dma_start3A_229 = arith.constant 0 : i32
      %dma_start3A_230 = arith.constant 640 : i32
      %dma_start3A_231 = tpu.memref_slice %arg6[%dma_start3A_229, %dma_start3A_230] : memref<64x1024xf32, #tpu.memory_space<vmem>> -> memref<64x128xf32, #tpu.memory_space<vmem>>
      %dma_start3A_232 = arith.constant 0 : i32
      %dma_start3A_233 = tpu.memref_slice %arg2[%dma_start3A_232, %multiple_of3A_223] : memref<64x1000001xf32, #tpu.memory_space<hbm>> -> memref<64x128xf32, #tpu.memory_space<hbm>>
      tpu.enqueue_dma source(%dma_start3A_233 : memref<64x128xf32, #tpu.memory_space<hbm>>) target(%dma_start3A_231 : memref<64x128xf32, #tpu.memory_space<vmem>>) target_semaphore(%arg8 : memref<!tpu.dma_semaphore, #tpu.memory_space<semaphore_mem>>)
      %slice3A_234 = vector.extract_strided_slice %get3A_11 {offsets = [6], sizes = [1], strides = [1]} : vector<16xi32> to vector<1xi32>
      %squeeze3A_235 = vector.extract %slice3A_234[0] : i32 from vector<1xi32>
      %jit3A_236 = arith.constant 128 : i32
      %div3A_237 = arith.divsi %squeeze3A_235, %jit3A_236 : i32
      %sign3A_238 = arith.constant 0 : i32
      %sign3A_239 = arith.cmpi sgt, %squeeze3A_235, %sign3A_238 : i32
      %sign3A_240 = arith.extui %sign3A_239 : i1 to i32
      %sign3A_241 = arith.constant 0 : i32
      %sign3A_242 = arith.cmpi slt, %squeeze3A_235, %sign3A_241 : i32
      %sign3A_243 = arith.extui %sign3A_242 : i1 to i32
      %sign3A_244 = arith.subi %sign3A_240, %sign3A_243 : i32
      %sign3A_245 = arith.constant 0 : i32
      %sign3A_246 = arith.cmpi sgt, %jit3A_236, %sign3A_245 : i32
      %sign3A_247 = arith.extui %sign3A_246 : i1 to i32
      %sign3A_248 = arith.constant 0 : i32
      %sign3A_249 = arith.cmpi slt, %jit3A_236, %sign3A_248 : i32
      %sign3A_250 = arith.extui %sign3A_249 : i1 to i32
      %sign3A_251 = arith.subi %sign3A_247, %sign3A_250 : i32
      %ne3A_252 = arith.cmpi ne, %sign3A_244, %sign3A_251 : i32
      %rem3A_253 = arith.remsi %squeeze3A_235, %jit3A_236 : i32
      %ne3A_254 = arith.constant 0 : i32
      %ne3A_255 = arith.cmpi ne, %rem3A_253, %ne3A_254 : i32
      %and3A_256 = arith.andi %ne3A_252, %ne3A_255 : i1
      %sub3A_257 = arith.constant 1 : i32
      %sub3A_258 = arith.subi %div3A_237, %sub3A_257 : i32
      %select_n3A_259 = arith.select %and3A_256, %sub3A_258, %div3A_237 : i32
      %mul3A_260 = arith.constant 128 : i32
      %mul3A_261 = arith.muli %select_n3A_259, %mul3A_260 : i32
      %multiple_of3A_262 = tpu.assume_multiple %mul3A_261, 128 : i32
      %dma_start3A_263 = arith.constant 0 : i32
      %dma_start3A_264 = arith.constant 768 : i32
      %dma_start3A_265 = tpu.memref_slice %arg6[%dma_start3A_263, %dma_start3A_264] : memref<64x1024xf32, #tpu.memory_space<vmem>> -> memref<64x128xf32, #tpu.memory_space<vmem>>
      %dma_start3A_266 = arith.constant 0 : i32
      %dma_start3A_267 = tpu.memref_slice %arg2[%dma_start3A_266, %multiple_of3A_262] : memref<64x1000001xf32, #tpu.memory_space<hbm>> -> memref<64x128xf32, #tpu.memory_space<hbm>>
      %dma_start3A_268 = arith.constant 0 : i32
      %dma_start3A_269 = arith.constant 768 : i32
      %dma_start3A_270 = tpu.memref_slice %arg6[%dma_start3A_268, %dma_start3A_269] : memref<64x1024xf32, #tpu.memory_space<vmem>> -> memref<64x128xf32, #tpu.memory_space<vmem>>
      %dma_start3A_271 = arith.constant 0 : i32
      %dma_start3A_272 = tpu.memref_slice %arg2[%dma_start3A_271, %multiple_of3A_262] : memref<64x1000001xf32, #tpu.memory_space<hbm>> -> memref<64x128xf32, #tpu.memory_space<hbm>>
      tpu.enqueue_dma source(%dma_start3A_272 : memref<64x128xf32, #tpu.memory_space<hbm>>) target(%dma_start3A_270 : memref<64x128xf32, #tpu.memory_space<vmem>>) target_semaphore(%arg8 : memref<!tpu.dma_semaphore, #tpu.memory_space<semaphore_mem>>)
      %slice3A_273 = vector.extract_strided_slice %get3A_11 {offsets = [7], sizes = [1], strides = [1]} : vector<16xi32> to vector<1xi32>
      %squeeze3A_274 = vector.extract %slice3A_273[0] : i32 from vector<1xi32>
      %jit3A_275 = arith.constant 128 : i32
      %div3A_276 = arith.divsi %squeeze3A_274, %jit3A_275 : i32
      %sign3A_277 = arith.constant 0 : i32
      %sign3A_278 = arith.cmpi sgt, %squeeze3A_274, %sign3A_277 : i32
      %sign3A_279 = arith.extui %sign3A_278 : i1 to i32
      %sign3A_280 = arith.constant 0 : i32
      %sign3A_281 = arith.cmpi slt, %squeeze3A_274, %sign3A_280 : i32
      %sign3A_282 = arith.extui %sign3A_281 : i1 to i32
      %sign3A_283 = arith.subi %sign3A_279, %sign3A_282 : i32
      %sign3A_284 = arith.constant 0 : i32
      %sign3A_285 = arith.cmpi sgt, %jit3A_275, %sign3A_284 : i32
      %sign3A_286 = arith.extui %sign3A_285 : i1 to i32
      %sign3A_287 = arith.constant 0 : i32
      %sign3A_288 = arith.cmpi slt, %jit3A_275, %sign3A_287 : i32
      %sign3A_289 = arith.extui %sign3A_288 : i1 to i32
      %sign3A_290 = arith.subi %sign3A_286, %sign3A_289 : i32
      %ne3A_291 = arith.cmpi ne, %sign3A_283, %sign3A_290 : i32
      %rem3A_292 = arith.remsi %squeeze3A_274, %jit3A_275 : i32
      %ne3A_293 = arith.constant 0 : i32
      %ne3A_294 = arith.cmpi ne, %rem3A_292, %ne3A_293 : i32
      %and3A_295 = arith.andi %ne3A_291, %ne3A_294 : i1
      %sub3A_296 = arith.constant 1 : i32
      %sub3A_297 = arith.subi %div3A_276, %sub3A_296 : i32
      %select_n3A_298 = arith.select %and3A_295, %sub3A_297, %div3A_276 : i32
      %mul3A_299 = arith.constant 128 : i32
      %mul3A_300 = arith.muli %select_n3A_298, %mul3A_299 : i32
      %multiple_of3A_301 = tpu.assume_multiple %mul3A_300, 128 : i32
      %dma_start3A_302 = arith.constant 0 : i32
      %dma_start3A_303 = arith.constant 896 : i32
      %dma_start3A_304 = tpu.memref_slice %arg6[%dma_start3A_302, %dma_start3A_303] : memref<64x1024xf32, #tpu.memory_space<vmem>> -> memref<64x128xf32, #tpu.memory_space<vmem>>
      %dma_start3A_305 = arith.constant 0 : i32
      %dma_start3A_306 = tpu.memref_slice %arg2[%dma_start3A_305, %multiple_of3A_301] : memref<64x1000001xf32, #tpu.memory_space<hbm>> -> memref<64x128xf32, #tpu.memory_space<hbm>>
      %dma_start3A_307 = arith.constant 0 : i32
      %dma_start3A_308 = arith.constant 896 : i32
      %dma_start3A_309 = tpu.memref_slice %arg6[%dma_start3A_307, %dma_start3A_308] : memref<64x1024xf32, #tpu.memory_space<vmem>> -> memref<64x128xf32, #tpu.memory_space<vmem>>
      %dma_start3A_310 = arith.constant 0 : i32
      %dma_start3A_311 = tpu.memref_slice %arg2[%dma_start3A_310, %multiple_of3A_301] : memref<64x1000001xf32, #tpu.memory_space<hbm>> -> memref<64x128xf32, #tpu.memory_space<hbm>>
      tpu.enqueue_dma source(%dma_start3A_311 : memref<64x128xf32, #tpu.memory_space<hbm>>) target(%dma_start3A_309 : memref<64x128xf32, #tpu.memory_space<vmem>>) target_semaphore(%arg8 : memref<!tpu.dma_semaphore, #tpu.memory_space<semaphore_mem>>)
      %dma_wait3A = arith.constant 0 : i32
      %dma_wait3A_312 = arith.constant 0 : i32
      %dma_wait3A_313 = tpu.memref_slice %arg6[%dma_wait3A, %dma_wait3A_312] : memref<64x1024xf32, #tpu.memory_space<vmem>> -> memref<64x128xf32, #tpu.memory_space<vmem>>
      %dma_wait3A_314 = arith.constant 0 : i32
      %dma_wait3A_315 = arith.constant 0 : i32
      %dma_wait3A_316 = tpu.memref_slice %arg2[%dma_wait3A_314, %dma_wait3A_315] : memref<64x1000001xf32, #tpu.memory_space<hbm>> -> memref<64x128xf32, #tpu.memory_space<hbm>>
      %dma_wait3A_317 = arith.constant 0 : i32
      %dma_wait3A_318 = arith.constant 0 : i32
      %dma_wait3A_319 = tpu.memref_slice %arg6[%dma_wait3A_317, %dma_wait3A_318] : memref<64x1024xf32, #tpu.memory_space<vmem>> -> memref<64x128xf32, #tpu.memory_space<vmem>>
      %dma_wait3A_320 = arith.constant 0 : i32
      %dma_wait3A_321 = arith.constant 0 : i32
      %dma_wait3A_322 = tpu.memref_slice %arg2[%dma_wait3A_320, %dma_wait3A_321] : memref<64x1000001xf32, #tpu.memory_space<hbm>> -> memref<64x128xf32, #tpu.memory_space<hbm>>
      tpu.wait_dma2 semaphore(%arg8 : memref<!tpu.dma_semaphore, #tpu.memory_space<semaphore_mem>>) src(%dma_wait3A_322 : memref<64x128xf32, #tpu.memory_space<hbm>>) dst(%dma_wait3A_319 : memref<64x128xf32, #tpu.memory_space<vmem>>)
      %dma_wait3A_323 = arith.constant 0 : i32
      %dma_wait3A_324 = arith.constant 128 : i32
      %dma_wait3A_325 = tpu.memref_slice %arg6[%dma_wait3A_323, %dma_wait3A_324] : memref<64x1024xf32, #tpu.memory_space<vmem>> -> memref<64x128xf32, #tpu.memory_space<vmem>>
      %dma_wait3A_326 = arith.constant 0 : i32
      %dma_wait3A_327 = arith.constant 0 : i32
      %dma_wait3A_328 = tpu.memref_slice %arg2[%dma_wait3A_326, %dma_wait3A_327] : memref<64x1000001xf32, #tpu.memory_space<hbm>> -> memref<64x128xf32, #tpu.memory_space<hbm>>
      %dma_wait3A_329 = arith.constant 0 : i32
      %dma_wait3A_330 = arith.constant 128 : i32
      %dma_wait3A_331 = tpu.memref_slice %arg6[%dma_wait3A_329, %dma_wait3A_330] : memref<64x1024xf32, #tpu.memory_space<vmem>> -> memref<64x128xf32, #tpu.memory_space<vmem>>
      %dma_wait3A_332 = arith.constant 0 : i32
      %dma_wait3A_333 = arith.constant 0 : i32
      %dma_wait3A_334 = tpu.memref_slice %arg2[%dma_wait3A_332, %dma_wait3A_333] : memref<64x1000001xf32, #tpu.memory_space<hbm>> -> memref<64x128xf32, #tpu.memory_space<hbm>>
      tpu.wait_dma2 semaphore(%arg8 : memref<!tpu.dma_semaphore, #tpu.memory_space<semaphore_mem>>) src(%dma_wait3A_334 : memref<64x128xf32, #tpu.memory_space<hbm>>) dst(%dma_wait3A_331 : memref<64x128xf32, #tpu.memory_space<vmem>>)
      %dma_wait3A_335 = arith.constant 0 : i32
      %dma_wait3A_336 = arith.constant 256 : i32
      %dma_wait3A_337 = tpu.memref_slice %arg6[%dma_wait3A_335, %dma_wait3A_336] : memref<64x1024xf32, #tpu.memory_space<vmem>> -> memref<64x128xf32, #tpu.memory_space<vmem>>
      %dma_wait3A_338 = arith.constant 0 : i32
      %dma_wait3A_339 = arith.constant 0 : i32
      %dma_wait3A_340 = tpu.memref_slice %arg2[%dma_wait3A_338, %dma_wait3A_339] : memref<64x1000001xf32, #tpu.memory_space<hbm>> -> memref<64x128xf32, #tpu.memory_space<hbm>>
      %dma_wait3A_341 = arith.constant 0 : i32
      %dma_wait3A_342 = arith.constant 256 : i32
      %dma_wait3A_343 = tpu.memref_slice %arg6[%dma_wait3A_341, %dma_wait3A_342] : memref<64x1024xf32, #tpu.memory_space<vmem>> -> memref<64x128xf32, #tpu.memory_space<vmem>>
      %dma_wait3A_344 = arith.constant 0 : i32
      %dma_wait3A_345 = arith.constant 0 : i32
      %dma_wait3A_346 = tpu.memref_slice %arg2[%dma_wait3A_344, %dma_wait3A_345] : memref<64x1000001xf32, #tpu.memory_space<hbm>> -> memref<64x128xf32, #tpu.memory_space<hbm>>
      tpu.wait_dma2 semaphore(%arg8 : memref<!tpu.dma_semaphore, #tpu.memory_space<semaphore_mem>>) src(%dma_wait3A_346 : memref<64x128xf32, #tpu.memory_space<hbm>>) dst(%dma_wait3A_343 : memref<64x128xf32, #tpu.memory_space<vmem>>)
      %dma_wait3A_347 = arith.constant 0 : i32
      %dma_wait3A_348 = arith.constant 384 : i32
      %dma_wait3A_349 = tpu.memref_slice %arg6[%dma_wait3A_347, %dma_wait3A_348] : memref<64x1024xf32, #tpu.memory_space<vmem>> -> memref<64x128xf32, #tpu.memory_space<vmem>>
      %dma_wait3A_350 = arith.constant 0 : i32
      %dma_wait3A_351 = arith.constant 0 : i32
      %dma_wait3A_352 = tpu.memref_slice %arg2[%dma_wait3A_350, %dma_wait3A_351] : memref<64x1000001xf32, #tpu.memory_space<hbm>> -> memref<64x128xf32, #tpu.memory_space<hbm>>
      %dma_wait3A_353 = arith.constant 0 : i32
      %dma_wait3A_354 = arith.constant 384 : i32
      %dma_wait3A_355 = tpu.memref_slice %arg6[%dma_wait3A_353, %dma_wait3A_354] : memref<64x1024xf32, #tpu.memory_space<vmem>> -> memref<64x128xf32, #tpu.memory_space<vmem>>
      %dma_wait3A_356 = arith.constant 0 : i32
      %dma_wait3A_357 = arith.constant 0 : i32
      %dma_wait3A_358 = tpu.memref_slice %arg2[%dma_wait3A_356, %dma_wait3A_357] : memref<64x1000001xf32, #tpu.memory_space<hbm>> -> memref<64x128xf32, #tpu.memory_space<hbm>>
      tpu.wait_dma2 semaphore(%arg8 : memref<!tpu.dma_semaphore, #tpu.memory_space<semaphore_mem>>) src(%dma_wait3A_358 : memref<64x128xf32, #tpu.memory_space<hbm>>) dst(%dma_wait3A_355 : memref<64x128xf32, #tpu.memory_space<vmem>>)
      %dma_wait3A_359 = arith.constant 0 : i32
      %dma_wait3A_360 = arith.constant 512 : i32
      %dma_wait3A_361 = tpu.memref_slice %arg6[%dma_wait3A_359, %dma_wait3A_360] : memref<64x1024xf32, #tpu.memory_space<vmem>> -> memref<64x128xf32, #tpu.memory_space<vmem>>
      %dma_wait3A_362 = arith.constant 0 : i32
      %dma_wait3A_363 = arith.constant 0 : i32
      %dma_wait3A_364 = tpu.memref_slice %arg2[%dma_wait3A_362, %dma_wait3A_363] : memref<64x1000001xf32, #tpu.memory_space<hbm>> -> memref<64x128xf32, #tpu.memory_space<hbm>>
      %dma_wait3A_365 = arith.constant 0 : i32
      %dma_wait3A_366 = arith.constant 512 : i32
      %dma_wait3A_367 = tpu.memref_slice %arg6[%dma_wait3A_365, %dma_wait3A_366] : memref<64x1024xf32, #tpu.memory_space<vmem>> -> memref<64x128xf32, #tpu.memory_space<vmem>>
      %dma_wait3A_368 = arith.constant 0 : i32
      %dma_wait3A_369 = arith.constant 0 : i32
      %dma_wait3A_370 = tpu.memref_slice %arg2[%dma_wait3A_368, %dma_wait3A_369] : memref<64x1000001xf32, #tpu.memory_space<hbm>> -> memref<64x128xf32, #tpu.memory_space<hbm>>
      tpu.wait_dma2 semaphore(%arg8 : memref<!tpu.dma_semaphore, #tpu.memory_space<semaphore_mem>>) src(%dma_wait3A_370 : memref<64x128xf32, #tpu.memory_space<hbm>>) dst(%dma_wait3A_367 : memref<64x128xf32, #tpu.memory_space<vmem>>)
      %dma_wait3A_371 = arith.constant 0 : i32
      %dma_wait3A_372 = arith.constant 640 : i32
      %dma_wait3A_373 = tpu.memref_slice %arg6[%dma_wait3A_371, %dma_wait3A_372] : memref<64x1024xf32, #tpu.memory_space<vmem>> -> memref<64x128xf32, #tpu.memory_space<vmem>>
      %dma_wait3A_374 = arith.constant 0 : i32
      %dma_wait3A_375 = arith.constant 0 : i32
      %dma_wait3A_376 = tpu.memref_slice %arg2[%dma_wait3A_374, %dma_wait3A_375] : memref<64x1000001xf32, #tpu.memory_space<hbm>> -> memref<64x128xf32, #tpu.memory_space<hbm>>
      %dma_wait3A_377 = arith.constant 0 : i32
      %dma_wait3A_378 = arith.constant 640 : i32
      %dma_wait3A_379 = tpu.memref_slice %arg6[%dma_wait3A_377, %dma_wait3A_378] : memref<64x1024xf32, #tpu.memory_space<vmem>> -> memref<64x128xf32, #tpu.memory_space<vmem>>
      %dma_wait3A_380 = arith.constant 0 : i32
      %dma_wait3A_381 = arith.constant 0 : i32
      %dma_wait3A_382 = tpu.memref_slice %arg2[%dma_wait3A_380, %dma_wait3A_381] : memref<64x1000001xf32, #tpu.memory_space<hbm>> -> memref<64x128xf32, #tpu.memory_space<hbm>>
      tpu.wait_dma2 semaphore(%arg8 : memref<!tpu.dma_semaphore, #tpu.memory_space<semaphore_mem>>) src(%dma_wait3A_382 : memref<64x128xf32, #tpu.memory_space<hbm>>) dst(%dma_wait3A_379 : memref<64x128xf32, #tpu.memory_space<vmem>>)
      %dma_wait3A_383 = arith.constant 0 : i32
      %dma_wait3A_384 = arith.constant 768 : i32
      %dma_wait3A_385 = tpu.memref_slice %arg6[%dma_wait3A_383, %dma_wait3A_384] : memref<64x1024xf32, #tpu.memory_space<vmem>> -> memref<64x128xf32, #tpu.memory_space<vmem>>
      %dma_wait3A_386 = arith.constant 0 : i32
      %dma_wait3A_387 = arith.constant 0 : i32
      %dma_wait3A_388 = tpu.memref_slice %arg2[%dma_wait3A_386, %dma_wait3A_387] : memref<64x1000001xf32, #tpu.memory_space<hbm>> -> memref<64x128xf32, #tpu.memory_space<hbm>>
      %dma_wait3A_389 = arith.constant 0 : i32
      %dma_wait3A_390 = arith.constant 768 : i32
      %dma_wait3A_391 = tpu.memref_slice %arg6[%dma_wait3A_389, %dma_wait3A_390] : memref<64x1024xf32, #tpu.memory_space<vmem>> -> memref<64x128xf32, #tpu.memory_space<vmem>>
      %dma_wait3A_392 = arith.constant 0 : i32
      %dma_wait3A_393 = arith.constant 0 : i32
      %dma_wait3A_394 = tpu.memref_slice %arg2[%dma_wait3A_392, %dma_wait3A_393] : memref<64x1000001xf32, #tpu.memory_space<hbm>> -> memref<64x128xf32, #tpu.memory_space<hbm>>
      tpu.wait_dma2 semaphore(%arg8 : memref<!tpu.dma_semaphore, #tpu.memory_space<semaphore_mem>>) src(%dma_wait3A_394 : memref<64x128xf32, #tpu.memory_space<hbm>>) dst(%dma_wait3A_391 : memref<64x128xf32, #tpu.memory_space<vmem>>)
      %dma_wait3A_395 = arith.constant 0 : i32
      %dma_wait3A_396 = arith.constant 896 : i32
      %dma_wait3A_397 = tpu.memref_slice %arg6[%dma_wait3A_395, %dma_wait3A_396] : memref<64x1024xf32, #tpu.memory_space<vmem>> -> memref<64x128xf32, #tpu.memory_space<vmem>>
      %dma_wait3A_398 = arith.constant 0 : i32
      %dma_wait3A_399 = arith.constant 0 : i32
      %dma_wait3A_400 = tpu.memref_slice %arg2[%dma_wait3A_398, %dma_wait3A_399] : memref<64x1000001xf32, #tpu.memory_space<hbm>> -> memref<64x128xf32, #tpu.memory_space<hbm>>
      %dma_wait3A_401 = arith.constant 0 : i32
      %dma_wait3A_402 = arith.constant 896 : i32
      %dma_wait3A_403 = tpu.memref_slice %arg6[%dma_wait3A_401, %dma_wait3A_402] : memref<64x1024xf32, #tpu.memory_space<vmem>> -> memref<64x128xf32, #tpu.memory_space<vmem>>
      %dma_wait3A_404 = arith.constant 0 : i32
      %dma_wait3A_405 = arith.constant 0 : i32
      %dma_wait3A_406 = tpu.memref_slice %arg2[%dma_wait3A_404, %dma_wait3A_405] : memref<64x1000001xf32, #tpu.memory_space<hbm>> -> memref<64x128xf32, #tpu.memory_space<hbm>>
      tpu.wait_dma2 semaphore(%arg8 : memref<!tpu.dma_semaphore, #tpu.memory_space<semaphore_mem>>) src(%dma_wait3A_406 : memref<64x128xf32, #tpu.memory_space<hbm>>) dst(%dma_wait3A_403 : memref<64x128xf32, #tpu.memory_space<vmem>>)
      %slice3A_407 = vector.extract_strided_slice %get3A_11 {offsets = [0], sizes = [1], strides = [1]} : vector<16xi32> to vector<1xi32>
      %squeeze3A_408 = vector.extract %slice3A_407[0] : i32 from vector<1xi32>
      %jit3A_409 = arith.constant 128 : i32
      %eq3A = arith.constant 0 : i32
      %eq3A_410 = arith.cmpi eq, %jit3A_409, %eq3A : i32
      %jit3A_411 = arith.constant 1 : i32
      %select_n3A_412 = arith.select %eq3A_410, %jit3A_411, %jit3A_409 : i32
      %rem3A_413 = arith.remsi %squeeze3A_408, %select_n3A_412 : i32
      %ne3A_414 = arith.constant 0 : i32
      %ne3A_415 = arith.cmpi ne, %rem3A_413, %ne3A_414 : i32
      %lt3A = arith.constant 0 : i32
      %lt3A_416 = arith.cmpi slt, %rem3A_413, %lt3A : i32
      %lt3A_417 = arith.constant 0 : i32
      %lt3A_418 = arith.cmpi slt, %select_n3A_412, %lt3A_417 : i32
      %ne3A_419 = arith.xori %lt3A_416, %lt3A_418 : i1
      %and3A_420 = arith.andi %ne3A_419, %ne3A_415 : i1
      %add3A_421 = arith.addi %rem3A_413, %select_n3A_412 : i32
      %select_n3A_422 = arith.select %and3A_420, %add3A_421, %rem3A_413 : i32
      %mul3A_423 = arith.constant 16 : i32
      %mul3A_424 = arith.muli %scan3A_8, %mul3A_423 : i32
      %add3A_425 = arith.constant 0 : i32
      %add3A_426 = arith.addi %mul3A_424, %add3A_425 : i32
      %iota3A = tpu.iota {dimensions = array<i32: 0>} : vector<16xi32>
      %add3A_427 = arith.constant 0 : i32
      %add3A_428 = vector.broadcast %add3A_427 : i32 to vector<16xi32>
      %add3A_429 = arith.addi %iota3A, %add3A_428 : vector<16xi32>
      %add3A_430 = arith.constant 0 : i32
      %add3A_431 = arith.addi %add3A_430, %select_n3A_422 : i32
      %broadcast_in_dim3A = vector.broadcast %add3A_431 : i32 to vector<16xi32>
      %gather3A = tpu.vector_load_idx %arg6[%add3A_429, %broadcast_in_dim3A] : memref<64x1024xf32, #tpu.memory_space<vmem>>[vector<16xi32>, vector<16xi32>], vector<16xf32>,
      %broadcast_in_dim3A_432 = vector.broadcast %add3A_426 : i32 to vector<16xi32>
      tpu.vector_store_idx %arg7[%add3A_429, %broadcast_in_dim3A_432], %gather3A : memref<64x128xf32, #tpu.memory_space<vmem>>[vector<16xi32>, vector<16xi32>], vector<16xf32>,
      %iota3A_433 = tpu.iota {dimensions = array<i32: 0>} : vector<16xi32>
      %add3A_434 = arith.constant 16 : i32
      %add3A_435 = vector.broadcast %add3A_434 : i32 to vector<16xi32>
      %add3A_436 = arith.addi %iota3A_433, %add3A_435 : vector<16xi32>
      %add3A_437 = arith.constant 0 : i32
      %add3A_438 = arith.addi %add3A_437, %select_n3A_422 : i32
      %broadcast_in_dim3A_439 = vector.broadcast %add3A_438 : i32 to vector<16xi32>
      %gather3A_440 = tpu.vector_load_idx %arg6[%add3A_436, %broadcast_in_dim3A_439] : memref<64x1024xf32, #tpu.memory_space<vmem>>[vector<16xi32>, vector<16xi32>], vector<16xf32>,
      %broadcast_in_dim3A_441 = vector.broadcast %add3A_426 : i32 to vector<16xi32>
      tpu.vector_store_idx %arg7[%add3A_436, %broadcast_in_dim3A_441], %gather3A_440 : memref<64x128xf32, #tpu.memory_space<vmem>>[vector<16xi32>, vector<16xi32>], vector<16xf32>,
      %iota3A_442 = tpu.iota {dimensions = array<i32: 0>} : vector<16xi32>
      %add3A_443 = arith.constant 32 : i32
      %add3A_444 = vector.broadcast %add3A_443 : i32 to vector<16xi32>
      %add3A_445 = arith.addi %iota3A_442, %add3A_444 : vector<16xi32>
      %add3A_446 = arith.constant 0 : i32
      %add3A_447 = arith.addi %add3A_446, %select_n3A_422 : i32
      %broadcast_in_dim3A_448 = vector.broadcast %add3A_447 : i32 to vector<16xi32>
      %gather3A_449 = tpu.vector_load_idx %arg6[%add3A_445, %broadcast_in_dim3A_448] : memref<64x1024xf32, #tpu.memory_space<vmem>>[vector<16xi32>, vector<16xi32>], vector<16xf32>,
      %broadcast_in_dim3A_450 = vector.broadcast %add3A_426 : i32 to vector<16xi32>
      tpu.vector_store_idx %arg7[%add3A_445, %broadcast_in_dim3A_450], %gather3A_449 : memref<64x128xf32, #tpu.memory_space<vmem>>[vector<16xi32>, vector<16xi32>], vector<16xf32>,
      %iota3A_451 = tpu.iota {dimensions = array<i32: 0>} : vector<16xi32>
      %add3A_452 = arith.constant 48 : i32
      %add3A_453 = vector.broadcast %add3A_452 : i32 to vector<16xi32>
      %add3A_454 = arith.addi %iota3A_451, %add3A_453 : vector<16xi32>
      %add3A_455 = arith.constant 0 : i32
      %add3A_456 = arith.addi %add3A_455, %select_n3A_422 : i32
      %broadcast_in_dim3A_457 = vector.broadcast %add3A_456 : i32 to vector<16xi32>
      %gather3A_458 = tpu.vector_load_idx %arg6[%add3A_454, %broadcast_in_dim3A_457] : memref<64x1024xf32, #tpu.memory_space<vmem>>[vector<16xi32>, vector<16xi32>], vector<16xf32>,
      %broadcast_in_dim3A_459 = vector.broadcast %add3A_426 : i32 to vector<16xi32>
      tpu.vector_store_idx %arg7[%add3A_454, %broadcast_in_dim3A_459], %gather3A_458 : memref<64x128xf32, #tpu.memory_space<vmem>>[vector<16xi32>, vector<16xi32>], vector<16xf32>,
      %slice3A_460 = vector.extract_strided_slice %get3A_11 {offsets = [1], sizes = [1], strides = [1]} : vector<16xi32> to vector<1xi32>
      %squeeze3A_461 = vector.extract %slice3A_460[0] : i32 from vector<1xi32>
      %jit3A_462 = arith.constant 128 : i32
      %eq3A_463 = arith.constant 0 : i32
      %eq3A_464 = arith.cmpi eq, %jit3A_462, %eq3A_463 : i32
      %jit3A_465 = arith.constant 1 : i32
      %select_n3A_466 = arith.select %eq3A_464, %jit3A_465, %jit3A_462 : i32
      %rem3A_467 = arith.remsi %squeeze3A_461, %select_n3A_466 : i32
      %ne3A_468 = arith.constant 0 : i32
      %ne3A_469 = arith.cmpi ne, %rem3A_467, %ne3A_468 : i32
      %lt3A_470 = arith.constant 0 : i32
      %lt3A_471 = arith.cmpi slt, %rem3A_467, %lt3A_470 : i32
      %lt3A_472 = arith.constant 0 : i32
      %lt3A_473 = arith.cmpi slt, %select_n3A_466, %lt3A_472 : i32
      %ne3A_474 = arith.xori %lt3A_471, %lt3A_473 : i1
      %and3A_475 = arith.andi %ne3A_474, %ne3A_469 : i1
      %add3A_476 = arith.addi %rem3A_467, %select_n3A_466 : i32
      %select_n3A_477 = arith.select %and3A_475, %add3A_476, %rem3A_467 : i32
      %mul3A_478 = arith.constant 16 : i32
      %mul3A_479 = arith.muli %scan3A_8, %mul3A_478 : i32
      %add3A_480 = arith.constant 1 : i32
      %add3A_481 = arith.addi %mul3A_479, %add3A_480 : i32
      %iota3A_482 = tpu.iota {dimensions = array<i32: 0>} : vector<16xi32>
      %add3A_483 = arith.constant 0 : i32
      %add3A_484 = vector.broadcast %add3A_483 : i32 to vector<16xi32>
      %add3A_485 = arith.addi %iota3A_482, %add3A_484 : vector<16xi32>
      %add3A_486 = arith.constant 128 : i32
      %add3A_487 = arith.addi %add3A_486, %select_n3A_477 : i32
      %broadcast_in_dim3A_488 = vector.broadcast %add3A_487 : i32 to vector<16xi32>
      %gather3A_489 = tpu.vector_load_idx %arg6[%add3A_485, %broadcast_in_dim3A_488] : memref<64x1024xf32, #tpu.memory_space<vmem>>[vector<16xi32>, vector<16xi32>], vector<16xf32>,
      %broadcast_in_dim3A_490 = vector.broadcast %add3A_481 : i32 to vector<16xi32>
      tpu.vector_store_idx %arg7[%add3A_485, %broadcast_in_dim3A_490], %gather3A_489 : memref<64x128xf32, #tpu.memory_space<vmem>>[vector<16xi32>, vector<16xi32>], vector<16xf32>,
      %iota3A_491 = tpu.iota {dimensions = array<i32: 0>} : vector<16xi32>
      %add3A_492 = arith.constant 16 : i32
      %add3A_493 = vector.broadcast %add3A_492 : i32 to vector<16xi32>
      %add3A_494 = arith.addi %iota3A_491, %add3A_493 : vector<16xi32>
      %add3A_495 = arith.constant 128 : i32
      %add3A_496 = arith.addi %add3A_495, %select_n3A_477 : i32
      %broadcast_in_dim3A_497 = vector.broadcast %add3A_496 : i32 to vector<16xi32>
      %gather3A_498 = tpu.vector_load_idx %arg6[%add3A_494, %broadcast_in_dim3A_497] : memref<64x1024xf32, #tpu.memory_space<vmem>>[vector<16xi32>, vector<16xi32>], vector<16xf32>,
      %broadcast_in_dim3A_499 = vector.broadcast %add3A_481 : i32 to vector<16xi32>
      tpu.vector_store_idx %arg7[%add3A_494, %broadcast_in_dim3A_499], %gather3A_498 : memref<64x128xf32, #tpu.memory_space<vmem>>[vector<16xi32>, vector<16xi32>], vector<16xf32>,
      %iota3A_500 = tpu.iota {dimensions = array<i32: 0>} : vector<16xi32>
      %add3A_501 = arith.constant 32 : i32
      %add3A_502 = vector.broadcast %add3A_501 : i32 to vector<16xi32>
      %add3A_503 = arith.addi %iota3A_500, %add3A_502 : vector<16xi32>
      %add3A_504 = arith.constant 128 : i32
      %add3A_505 = arith.addi %add3A_504, %select_n3A_477 : i32
      %broadcast_in_dim3A_506 = vector.broadcast %add3A_505 : i32 to vector<16xi32>
      %gather3A_507 = tpu.vector_load_idx %arg6[%add3A_503, %broadcast_in_dim3A_506] : memref<64x1024xf32, #tpu.memory_space<vmem>>[vector<16xi32>, vector<16xi32>], vector<16xf32>,
      %broadcast_in_dim3A_508 = vector.broadcast %add3A_481 : i32 to vector<16xi32>
      tpu.vector_store_idx %arg7[%add3A_503, %broadcast_in_dim3A_508], %gather3A_507 : memref<64x128xf32, #tpu.memory_space<vmem>>[vector<16xi32>, vector<16xi32>], vector<16xf32>,
      %iota3A_509 = tpu.iota {dimensions = array<i32: 0>} : vector<16xi32>
      %add3A_510 = arith.constant 48 : i32
      %add3A_511 = vector.broadcast %add3A_510 : i32 to vector<16xi32>
      %add3A_512 = arith.addi %iota3A_509, %add3A_511 : vector<16xi32>
      %add3A_513 = arith.constant 128 : i32
      %add3A_514 = arith.addi %add3A_513, %select_n3A_477 : i32
      %broadcast_in_dim3A_515 = vector.broadcast %add3A_514 : i32 to vector<16xi32>
      %gather3A_516 = tpu.vector_load_idx %arg6[%add3A_512, %broadcast_in_dim3A_515] : memref<64x1024xf32, #tpu.memory_space<vmem>>[vector<16xi32>, vector<16xi32>], vector<16xf32>,
      %broadcast_in_dim3A_517 = vector.broadcast %add3A_481 : i32 to vector<16xi32>
      tpu.vector_store_idx %arg7[%add3A_512, %broadcast_in_dim3A_517], %gather3A_516 : memref<64x128xf32, #tpu.memory_space<vmem>>[vector<16xi32>, vector<16xi32>], vector<16xf32>,
      %slice3A_518 = vector.extract_strided_slice %get3A_11 {offsets = [2], sizes = [1], strides = [1]} : vector<16xi32> to vector<1xi32>
      %squeeze3A_519 = vector.extract %slice3A_518[0] : i32 from vector<1xi32>
      %jit3A_520 = arith.constant 128 : i32
      %eq3A_521 = arith.constant 0 : i32
      %eq3A_522 = arith.cmpi eq, %jit3A_520, %eq3A_521 : i32
      %jit3A_523 = arith.constant 1 : i32
      %select_n3A_524 = arith.select %eq3A_522, %jit3A_523, %jit3A_520 : i32
      %rem3A_525 = arith.remsi %squeeze3A_519, %select_n3A_524 : i32
      %ne3A_526 = arith.constant 0 : i32
      %ne3A_527 = arith.cmpi ne, %rem3A_525, %ne3A_526 : i32
      %lt3A_528 = arith.constant 0 : i32
      %lt3A_529 = arith.cmpi slt, %rem3A_525, %lt3A_528 : i32
      %lt3A_530 = arith.constant 0 : i32
      %lt3A_531 = arith.cmpi slt, %select_n3A_524, %lt3A_530 : i32
      %ne3A_532 = arith.xori %lt3A_529, %lt3A_531 : i1
      %and3A_533 = arith.andi %ne3A_532, %ne3A_527 : i1
      %add3A_534 = arith.addi %rem3A_525, %select_n3A_524 : i32
      %select_n3A_535 = arith.select %and3A_533, %add3A_534, %rem3A_525 : i32
      %mul3A_536 = arith.constant 16 : i32
      %mul3A_537 = arith.muli %scan3A_8, %mul3A_536 : i32
      %add3A_538 = arith.constant 2 : i32
      %add3A_539 = arith.addi %mul3A_537, %add3A_538 : i32
      %iota3A_540 = tpu.iota {dimensions = array<i32: 0>} : vector<16xi32>
      %add3A_541 = arith.constant 0 : i32
      %add3A_542 = vector.broadcast %add3A_541 : i32 to vector<16xi32>
      %add3A_543 = arith.addi %iota3A_540, %add3A_542 : vector<16xi32>
      %add3A_544 = arith.constant 256 : i32
      %add3A_545 = arith.addi %add3A_544, %select_n3A_535 : i32
      %broadcast_in_dim3A_546 = vector.broadcast %add3A_545 : i32 to vector<16xi32>
      %gather3A_547 = tpu.vector_load_idx %arg6[%add3A_543, %broadcast_in_dim3A_546] : memref<64x1024xf32, #tpu.memory_space<vmem>>[vector<16xi32>, vector<16xi32>], vector<16xf32>,
      %broadcast_in_dim3A_548 = vector.broadcast %add3A_539 : i32 to vector<16xi32>
      tpu.vector_store_idx %arg7[%add3A_543, %broadcast_in_dim3A_548], %gather3A_547 : memref<64x128xf32, #tpu.memory_space<vmem>>[vector<16xi32>, vector<16xi32>], vector<16xf32>,
      %iota3A_549 = tpu.iota {dimensions = array<i32: 0>} : vector<16xi32>
      %add3A_550 = arith.constant 16 : i32
      %add3A_551 = vector.broadcast %add3A_550 : i32 to vector<16xi32>
      %add3A_552 = arith.addi %iota3A_549, %add3A_551 : vector<16xi32>
      %add3A_553 = arith.constant 256 : i32
      %add3A_554 = arith.addi %add3A_553, %select_n3A_535 : i32
      %broadcast_in_dim3A_555 = vector.broadcast %add3A_554 : i32 to vector<16xi32>
      %gather3A_556 = tpu.vector_load_idx %arg6[%add3A_552, %broadcast_in_dim3A_555] : memref<64x1024xf32, #tpu.memory_space<vmem>>[vector<16xi32>, vector<16xi32>], vector<16xf32>,
      %broadcast_in_dim3A_557 = vector.broadcast %add3A_539 : i32 to vector<16xi32>
      tpu.vector_store_idx %arg7[%add3A_552, %broadcast_in_dim3A_557], %gather3A_556 : memref<64x128xf32, #tpu.memory_space<vmem>>[vector<16xi32>, vector<16xi32>], vector<16xf32>,
      %iota3A_558 = tpu.iota {dimensions = array<i32: 0>} : vector<16xi32>
      %add3A_559 = arith.constant 32 : i32
      %add3A_560 = vector.broadcast %add3A_559 : i32 to vector<16xi32>
      %add3A_561 = arith.addi %iota3A_558, %add3A_560 : vector<16xi32>
      %add3A_562 = arith.constant 256 : i32
      %add3A_563 = arith.addi %add3A_562, %select_n3A_535 : i32
      %broadcast_in_dim3A_564 = vector.broadcast %add3A_563 : i32 to vector<16xi32>
      %gather3A_565 = tpu.vector_load_idx %arg6[%add3A_561, %broadcast_in_dim3A_564] : memref<64x1024xf32, #tpu.memory_space<vmem>>[vector<16xi32>, vector<16xi32>], vector<16xf32>,
      %broadcast_in_dim3A_566 = vector.broadcast %add3A_539 : i32 to vector<16xi32>
      tpu.vector_store_idx %arg7[%add3A_561, %broadcast_in_dim3A_566], %gather3A_565 : memref<64x128xf32, #tpu.memory_space<vmem>>[vector<16xi32>, vector<16xi32>], vector<16xf32>,
      %iota3A_567 = tpu.iota {dimensions = array<i32: 0>} : vector<16xi32>
      %add3A_568 = arith.constant 48 : i32
      %add3A_569 = vector.broadcast %add3A_568 : i32 to vector<16xi32>
      %add3A_570 = arith.addi %iota3A_567, %add3A_569 : vector<16xi32>
      %add3A_571 = arith.constant 256 : i32
      %add3A_572 = arith.addi %add3A_571, %select_n3A_535 : i32
      %broadcast_in_dim3A_573 = vector.broadcast %add3A_572 : i32 to vector<16xi32>
      %gather3A_574 = tpu.vector_load_idx %arg6[%add3A_570, %broadcast_in_dim3A_573] : memref<64x1024xf32, #tpu.memory_space<vmem>>[vector<16xi32>, vector<16xi32>], vector<16xf32>,
      %broadcast_in_dim3A_575 = vector.broadcast %add3A_539 : i32 to vector<16xi32>
      tpu.vector_store_idx %arg7[%add3A_570, %broadcast_in_dim3A_575], %gather3A_574 : memref<64x128xf32, #tpu.memory_space<vmem>>[vector<16xi32>, vector<16xi32>], vector<16xf32>,
      %slice3A_576 = vector.extract_strided_slice %get3A_11 {offsets = [3], sizes = [1], strides = [1]} : vector<16xi32> to vector<1xi32>
      %squeeze3A_577 = vector.extract %slice3A_576[0] : i32 from vector<1xi32>
      %jit3A_578 = arith.constant 128 : i32
      %eq3A_579 = arith.constant 0 : i32
      %eq3A_580 = arith.cmpi eq, %jit3A_578, %eq3A_579 : i32
      %jit3A_581 = arith.constant 1 : i32
      %select_n3A_582 = arith.select %eq3A_580, %jit3A_581, %jit3A_578 : i32
      %rem3A_583 = arith.remsi %squeeze3A_577, %select_n3A_582 : i32
      %ne3A_584 = arith.constant 0 : i32
      %ne3A_585 = arith.cmpi ne, %rem3A_583, %ne3A_584 : i32
      %lt3A_586 = arith.constant 0 : i32
      %lt3A_587 = arith.cmpi slt, %rem3A_583, %lt3A_586 : i32
      %lt3A_588 = arith.constant 0 : i32
      %lt3A_589 = arith.cmpi slt, %select_n3A_582, %lt3A_588 : i32
      %ne3A_590 = arith.xori %lt3A_587, %lt3A_589 : i1
      %and3A_591 = arith.andi %ne3A_590, %ne3A_585 : i1
      %add3A_592 = arith.addi %rem3A_583, %select_n3A_582 : i32
      %select_n3A_593 = arith.select %and3A_591, %add3A_592, %rem3A_583 : i32
      %mul3A_594 = arith.constant 16 : i32
      %mul3A_595 = arith.muli %scan3A_8, %mul3A_594 : i32
      %add3A_596 = arith.constant 3 : i32
      %add3A_597 = arith.addi %mul3A_595, %add3A_596 : i32
      %iota3A_598 = tpu.iota {dimensions = array<i32: 0>} : vector<16xi32>
      %add3A_599 = arith.constant 0 : i32
      %add3A_600 = vector.broadcast %add3A_599 : i32 to vector<16xi32>
      %add3A_601 = arith.addi %iota3A_598, %add3A_600 : vector<16xi32>
      %add3A_602 = arith.constant 384 : i32
      %add3A_603 = arith.addi %add3A_602, %select_n3A_593 : i32
      %broadcast_in_dim3A_604 = vector.broadcast %add3A_603 : i32 to vector<16xi32>
      %gather3A_605 = tpu.vector_load_idx %arg6[%add3A_601, %broadcast_in_dim3A_604] : memref<64x1024xf32, #tpu.memory_space<vmem>>[vector<16xi32>, vector<16xi32>], vector<16xf32>,
      %broadcast_in_dim3A_606 = vector.broadcast %add3A_597 : i32 to vector<16xi32>
      tpu.vector_store_idx %arg7[%add3A_601, %broadcast_in_dim3A_606], %gather3A_605 : memref<64x128xf32, #tpu.memory_space<vmem>>[vector<16xi32>, vector<16xi32>], vector<16xf32>,
      %iota3A_607 = tpu.iota {dimensions = array<i32: 0>} : vector<16xi32>
      %add3A_608 = arith.constant 16 : i32
      %add3A_609 = vector.broadcast %add3A_608 : i32 to vector<16xi32>
      %add3A_610 = arith.addi %iota3A_607, %add3A_609 : vector<16xi32>
      %add3A_611 = arith.constant 384 : i32
      %add3A_612 = arith.addi %add3A_611, %select_n3A_593 : i32
      %broadcast_in_dim3A_613 = vector.broadcast %add3A_612 : i32 to vector<16xi32>
      %gather3A_614 = tpu.vector_load_idx %arg6[%add3A_610, %broadcast_in_dim3A_613] : memref<64x1024xf32, #tpu.memory_space<vmem>>[vector<16xi32>, vector<16xi32>], vector<16xf32>,
      %broadcast_in_dim3A_615 = vector.broadcast %add3A_597 : i32 to vector<16xi32>
      tpu.vector_store_idx %arg7[%add3A_610, %broadcast_in_dim3A_615], %gather3A_614 : memref<64x128xf32, #tpu.memory_space<vmem>>[vector<16xi32>, vector<16xi32>], vector<16xf32>,
      %iota3A_616 = tpu.iota {dimensions = array<i32: 0>} : vector<16xi32>
      %add3A_617 = arith.constant 32 : i32
      %add3A_618 = vector.broadcast %add3A_617 : i32 to vector<16xi32>
      %add3A_619 = arith.addi %iota3A_616, %add3A_618 : vector<16xi32>
      %add3A_620 = arith.constant 384 : i32
      %add3A_621 = arith.addi %add3A_620, %select_n3A_593 : i32
      %broadcast_in_dim3A_622 = vector.broadcast %add3A_621 : i32 to vector<16xi32>
      %gather3A_623 = tpu.vector_load_idx %arg6[%add3A_619, %broadcast_in_dim3A_622] : memref<64x1024xf32, #tpu.memory_space<vmem>>[vector<16xi32>, vector<16xi32>], vector<16xf32>,
      %broadcast_in_dim3A_624 = vector.broadcast %add3A_597 : i32 to vector<16xi32>
      tpu.vector_store_idx %arg7[%add3A_619, %broadcast_in_dim3A_624], %gather3A_623 : memref<64x128xf32, #tpu.memory_space<vmem>>[vector<16xi32>, vector<16xi32>], vector<16xf32>,
      %iota3A_625 = tpu.iota {dimensions = array<i32: 0>} : vector<16xi32>
      %add3A_626 = arith.constant 48 : i32
      %add3A_627 = vector.broadcast %add3A_626 : i32 to vector<16xi32>
      %add3A_628 = arith.addi %iota3A_625, %add3A_627 : vector<16xi32>
      %add3A_629 = arith.constant 384 : i32
      %add3A_630 = arith.addi %add3A_629, %select_n3A_593 : i32
      %broadcast_in_dim3A_631 = vector.broadcast %add3A_630 : i32 to vector<16xi32>
      %gather3A_632 = tpu.vector_load_idx %arg6[%add3A_628, %broadcast_in_dim3A_631] : memref<64x1024xf32, #tpu.memory_space<vmem>>[vector<16xi32>, vector<16xi32>], vector<16xf32>,
      %broadcast_in_dim3A_633 = vector.broadcast %add3A_597 : i32 to vector<16xi32>
      tpu.vector_store_idx %arg7[%add3A_628, %broadcast_in_dim3A_633], %gather3A_632 : memref<64x128xf32, #tpu.memory_space<vmem>>[vector<16xi32>, vector<16xi32>], vector<16xf32>,
      %slice3A_634 = vector.extract_strided_slice %get3A_11 {offsets = [4], sizes = [1], strides = [1]} : vector<16xi32> to vector<1xi32>
      %squeeze3A_635 = vector.extract %slice3A_634[0] : i32 from vector<1xi32>
      %jit3A_636 = arith.constant 128 : i32
      %eq3A_637 = arith.constant 0 : i32
      %eq3A_638 = arith.cmpi eq, %jit3A_636, %eq3A_637 : i32
      %jit3A_639 = arith.constant 1 : i32
      %select_n3A_640 = arith.select %eq3A_638, %jit3A_639, %jit3A_636 : i32
      %rem3A_641 = arith.remsi %squeeze3A_635, %select_n3A_640 : i32
      %ne3A_642 = arith.constant 0 : i32
      %ne3A_643 = arith.cmpi ne, %rem3A_641, %ne3A_642 : i32
      %lt3A_644 = arith.constant 0 : i32
      %lt3A_645 = arith.cmpi slt, %rem3A_641, %lt3A_644 : i32
      %lt3A_646 = arith.constant 0 : i32
      %lt3A_647 = arith.cmpi slt, %select_n3A_640, %lt3A_646 : i32
      %ne3A_648 = arith.xori %lt3A_645, %lt3A_647 : i1
      %and3A_649 = arith.andi %ne3A_648, %ne3A_643 : i1
      %add3A_650 = arith.addi %rem3A_641, %select_n3A_640 : i32
      %select_n3A_651 = arith.select %and3A_649, %add3A_650, %rem3A_641 : i32
      %mul3A_652 = arith.constant 16 : i32
      %mul3A_653 = arith.muli %scan3A_8, %mul3A_652 : i32
      %add3A_654 = arith.constant 4 : i32
      %add3A_655 = arith.addi %mul3A_653, %add3A_654 : i32
      %iota3A_656 = tpu.iota {dimensions = array<i32: 0>} : vector<16xi32>
      %add3A_657 = arith.constant 0 : i32
      %add3A_658 = vector.broadcast %add3A_657 : i32 to vector<16xi32>
      %add3A_659 = arith.addi %iota3A_656, %add3A_658 : vector<16xi32>
      %add3A_660 = arith.constant 512 : i32
      %add3A_661 = arith.addi %add3A_660, %select_n3A_651 : i32
      %broadcast_in_dim3A_662 = vector.broadcast %add3A_661 : i32 to vector<16xi32>
      %gather3A_663 = tpu.vector_load_idx %arg6[%add3A_659, %broadcast_in_dim3A_662] : memref<64x1024xf32, #tpu.memory_space<vmem>>[vector<16xi32>, vector<16xi32>], vector<16xf32>,
      %broadcast_in_dim3A_664 = vector.broadcast %add3A_655 : i32 to vector<16xi32>
      tpu.vector_store_idx %arg7[%add3A_659, %broadcast_in_dim3A_664], %gather3A_663 : memref<64x128xf32, #tpu.memory_space<vmem>>[vector<16xi32>, vector<16xi32>], vector<16xf32>,
      %iota3A_665 = tpu.iota {dimensions = array<i32: 0>} : vector<16xi32>
      %add3A_666 = arith.constant 16 : i32
      %add3A_667 = vector.broadcast %add3A_666 : i32 to vector<16xi32>
      %add3A_668 = arith.addi %iota3A_665, %add3A_667 : vector<16xi32>
      %add3A_669 = arith.constant 512 : i32
      %add3A_670 = arith.addi %add3A_669, %select_n3A_651 : i32
      %broadcast_in_dim3A_671 = vector.broadcast %add3A_670 : i32 to vector<16xi32>
      %gather3A_672 = tpu.vector_load_idx %arg6[%add3A_668, %broadcast_in_dim3A_671] : memref<64x1024xf32, #tpu.memory_space<vmem>>[vector<16xi32>, vector<16xi32>], vector<16xf32>,
      %broadcast_in_dim3A_673 = vector.broadcast %add3A_655 : i32 to vector<16xi32>
      tpu.vector_store_idx %arg7[%add3A_668, %broadcast_in_dim3A_673], %gather3A_672 : memref<64x128xf32, #tpu.memory_space<vmem>>[vector<16xi32>, vector<16xi32>], vector<16xf32>,
      %iota3A_674 = tpu.iota {dimensions = array<i32: 0>} : vector<16xi32>
      %add3A_675 = arith.constant 32 : i32
      %add3A_676 = vector.broadcast %add3A_675 : i32 to vector<16xi32>
      %add3A_677 = arith.addi %iota3A_674, %add3A_676 : vector<16xi32>
      %add3A_678 = arith.constant 512 : i32
      %add3A_679 = arith.addi %add3A_678, %select_n3A_651 : i32
      %broadcast_in_dim3A_680 = vector.broadcast %add3A_679 : i32 to vector<16xi32>
      %gather3A_681 = tpu.vector_load_idx %arg6[%add3A_677, %broadcast_in_dim3A_680] : memref<64x1024xf32, #tpu.memory_space<vmem>>[vector<16xi32>, vector<16xi32>], vector<16xf32>,
      %broadcast_in_dim3A_682 = vector.broadcast %add3A_655 : i32 to vector<16xi32>
      tpu.vector_store_idx %arg7[%add3A_677, %broadcast_in_dim3A_682], %gather3A_681 : memref<64x128xf32, #tpu.memory_space<vmem>>[vector<16xi32>, vector<16xi32>], vector<16xf32>,
      %iota3A_683 = tpu.iota {dimensions = array<i32: 0>} : vector<16xi32>
      %add3A_684 = arith.constant 48 : i32
      %add3A_685 = vector.broadcast %add3A_684 : i32 to vector<16xi32>
      %add3A_686 = arith.addi %iota3A_683, %add3A_685 : vector<16xi32>
      %add3A_687 = arith.constant 512 : i32
      %add3A_688 = arith.addi %add3A_687, %select_n3A_651 : i32
      %broadcast_in_dim3A_689 = vector.broadcast %add3A_688 : i32 to vector<16xi32>
      %gather3A_690 = tpu.vector_load_idx %arg6[%add3A_686, %broadcast_in_dim3A_689] : memref<64x1024xf32, #tpu.memory_space<vmem>>[vector<16xi32>, vector<16xi32>], vector<16xf32>,
      %broadcast_in_dim3A_691 = vector.broadcast %add3A_655 : i32 to vector<16xi32>
      tpu.vector_store_idx %arg7[%add3A_686, %broadcast_in_dim3A_691], %gather3A_690 : memref<64x128xf32, #tpu.memory_space<vmem>>[vector<16xi32>, vector<16xi32>], vector<16xf32>,
      %slice3A_692 = vector.extract_strided_slice %get3A_11 {offsets = [5], sizes = [1], strides = [1]} : vector<16xi32> to vector<1xi32>
      %squeeze3A_693 = vector.extract %slice3A_692[0] : i32 from vector<1xi32>
      %jit3A_694 = arith.constant 128 : i32
      %eq3A_695 = arith.constant 0 : i32
      %eq3A_696 = arith.cmpi eq, %jit3A_694, %eq3A_695 : i32
      %jit3A_697 = arith.constant 1 : i32
      %select_n3A_698 = arith.select %eq3A_696, %jit3A_697, %jit3A_694 : i32
      %rem3A_699 = arith.remsi %squeeze3A_693, %select_n3A_698 : i32
      %ne3A_700 = arith.constant 0 : i32
      %ne3A_701 = arith.cmpi ne, %rem3A_699, %ne3A_700 : i32
      %lt3A_702 = arith.constant 0 : i32
      %lt3A_703 = arith.cmpi slt, %rem3A_699, %lt3A_702 : i32
      %lt3A_704 = arith.constant 0 : i32
      %lt3A_705 = arith.cmpi slt, %select_n3A_698, %lt3A_704 : i32
      %ne3A_706 = arith.xori %lt3A_703, %lt3A_705 : i1
      %and3A_707 = arith.andi %ne3A_706, %ne3A_701 : i1
      %add3A_708 = arith.addi %rem3A_699, %select_n3A_698 : i32
      %select_n3A_709 = arith.select %and3A_707, %add3A_708, %rem3A_699 : i32
      %mul3A_710 = arith.constant 16 : i32
      %mul3A_711 = arith.muli %scan3A_8, %mul3A_710 : i32
      %add3A_712 = arith.constant 5 : i32
      %add3A_713 = arith.addi %mul3A_711, %add3A_712 : i32
      %iota3A_714 = tpu.iota {dimensions = array<i32: 0>} : vector<16xi32>
      %add3A_715 = arith.constant 0 : i32
      %add3A_716 = vector.broadcast %add3A_715 : i32 to vector<16xi32>
      %add3A_717 = arith.addi %iota3A_714, %add3A_716 : vector<16xi32>
      %add3A_718 = arith.constant 640 : i32
      %add3A_719 = arith.addi %add3A_718, %select_n3A_709 : i32
      %broadcast_in_dim3A_720 = vector.broadcast %add3A_719 : i32 to vector<16xi32>
      %gather3A_721 = tpu.vector_load_idx %arg6[%add3A_717, %broadcast_in_dim3A_720] : memref<64x1024xf32, #tpu.memory_space<vmem>>[vector<16xi32>, vector<16xi32>], vector<16xf32>,
      %broadcast_in_dim3A_722 = vector.broadcast %add3A_713 : i32 to vector<16xi32>
      tpu.vector_store_idx %arg7[%add3A_717, %broadcast_in_dim3A_722], %gather3A_721 : memref<64x128xf32, #tpu.memory_space<vmem>>[vector<16xi32>, vector<16xi32>], vector<16xf32>,
      %iota3A_723 = tpu.iota {dimensions = array<i32: 0>} : vector<16xi32>
      %add3A_724 = arith.constant 16 : i32
      %add3A_725 = vector.broadcast %add3A_724 : i32 to vector<16xi32>
      %add3A_726 = arith.addi %iota3A_723, %add3A_725 : vector<16xi32>
      %add3A_727 = arith.constant 640 : i32
      %add3A_728 = arith.addi %add3A_727, %select_n3A_709 : i32
      %broadcast_in_dim3A_729 = vector.broadcast %add3A_728 : i32 to vector<16xi32>
      %gather3A_730 = tpu.vector_load_idx %arg6[%add3A_726, %broadcast_in_dim3A_729] : memref<64x1024xf32, #tpu.memory_space<vmem>>[vector<16xi32>, vector<16xi32>], vector<16xf32>,
      %broadcast_in_dim3A_731 = vector.broadcast %add3A_713 : i32 to vector<16xi32>
      tpu.vector_store_idx %arg7[%add3A_726, %broadcast_in_dim3A_731], %gather3A_730 : memref<64x128xf32, #tpu.memory_space<vmem>>[vector<16xi32>, vector<16xi32>], vector<16xf32>,
      %iota3A_732 = tpu.iota {dimensions = array<i32: 0>} : vector<16xi32>
      %add3A_733 = arith.constant 32 : i32
      %add3A_734 = vector.broadcast %add3A_733 : i32 to vector<16xi32>
      %add3A_735 = arith.addi %iota3A_732, %add3A_734 : vector<16xi32>
      %add3A_736 = arith.constant 640 : i32
      %add3A_737 = arith.addi %add3A_736, %select_n3A_709 : i32
      %broadcast_in_dim3A_738 = vector.broadcast %add3A_737 : i32 to vector<16xi32>
      %gather3A_739 = tpu.vector_load_idx %arg6[%add3A_735, %broadcast_in_dim3A_738] : memref<64x1024xf32, #tpu.memory_space<vmem>>[vector<16xi32>, vector<16xi32>], vector<16xf32>,
      %broadcast_in_dim3A_740 = vector.broadcast %add3A_713 : i32 to vector<16xi32>
      tpu.vector_store_idx %arg7[%add3A_735, %broadcast_in_dim3A_740], %gather3A_739 : memref<64x128xf32, #tpu.memory_space<vmem>>[vector<16xi32>, vector<16xi32>], vector<16xf32>,
      %iota3A_741 = tpu.iota {dimensions = array<i32: 0>} : vector<16xi32>
      %add3A_742 = arith.constant 48 : i32
      %add3A_743 = vector.broadcast %add3A_742 : i32 to vector<16xi32>
      %add3A_744 = arith.addi %iota3A_741, %add3A_743 : vector<16xi32>
      %add3A_745 = arith.constant 640 : i32
      %add3A_746 = arith.addi %add3A_745, %select_n3A_709 : i32
      %broadcast_in_dim3A_747 = vector.broadcast %add3A_746 : i32 to vector<16xi32>
      %gather3A_748 = tpu.vector_load_idx %arg6[%add3A_744, %broadcast_in_dim3A_747] : memref<64x1024xf32, #tpu.memory_space<vmem>>[vector<16xi32>, vector<16xi32>], vector<16xf32>,
      %broadcast_in_dim3A_749 = vector.broadcast %add3A_713 : i32 to vector<16xi32>
      tpu.vector_store_idx %arg7[%add3A_744, %broadcast_in_dim3A_749], %gather3A_748 : memref<64x128xf32, #tpu.memory_space<vmem>>[vector<16xi32>, vector<16xi32>], vector<16xf32>,
      %slice3A_750 = vector.extract_strided_slice %get3A_11 {offsets = [6], sizes = [1], strides = [1]} : vector<16xi32> to vector<1xi32>
      %squeeze3A_751 = vector.extract %slice3A_750[0] : i32 from vector<1xi32>
      %jit3A_752 = arith.constant 128 : i32
      %eq3A_753 = arith.constant 0 : i32
      %eq3A_754 = arith.cmpi eq, %jit3A_752, %eq3A_753 : i32
      %jit3A_755 = arith.constant 1 : i32
      %select_n3A_756 = arith.select %eq3A_754, %jit3A_755, %jit3A_752 : i32
      %rem3A_757 = arith.remsi %squeeze3A_751, %select_n3A_756 : i32
      %ne3A_758 = arith.constant 0 : i32
      %ne3A_759 = arith.cmpi ne, %rem3A_757, %ne3A_758 : i32
      %lt3A_760 = arith.constant 0 : i32
      %lt3A_761 = arith.cmpi slt, %rem3A_757, %lt3A_760 : i32
      %lt3A_762 = arith.constant 0 : i32
      %lt3A_763 = arith.cmpi slt, %select_n3A_756, %lt3A_762 : i32
      %ne3A_764 = arith.xori %lt3A_761, %lt3A_763 : i1
      %and3A_765 = arith.andi %ne3A_764, %ne3A_759 : i1
      %add3A_766 = arith.addi %rem3A_757, %select_n3A_756 : i32
      %select_n3A_767 = arith.select %and3A_765, %add3A_766, %rem3A_757 : i32
      %mul3A_768 = arith.constant 16 : i32
      %mul3A_769 = arith.muli %scan3A_8, %mul3A_768 : i32
      %add3A_770 = arith.constant 6 : i32
      %add3A_771 = arith.addi %mul3A_769, %add3A_770 : i32
      %iota3A_772 = tpu.iota {dimensions = array<i32: 0>} : vector<16xi32>
      %add3A_773 = arith.constant 0 : i32
      %add3A_774 = vector.broadcast %add3A_773 : i32 to vector<16xi32>
      %add3A_775 = arith.addi %iota3A_772, %add3A_774 : vector<16xi32>
      %add3A_776 = arith.constant 768 : i32
      %add3A_777 = arith.addi %add3A_776, %select_n3A_767 : i32
      %broadcast_in_dim3A_778 = vector.broadcast %add3A_777 : i32 to vector<16xi32>
      %gather3A_779 = tpu.vector_load_idx %arg6[%add3A_775, %broadcast_in_dim3A_778] : memref<64x1024xf32, #tpu.memory_space<vmem>>[vector<16xi32>, vector<16xi32>], vector<16xf32>,
      %broadcast_in_dim3A_780 = vector.broadcast %add3A_771 : i32 to vector<16xi32>
      tpu.vector_store_idx %arg7[%add3A_775, %broadcast_in_dim3A_780], %gather3A_779 : memref<64x128xf32, #tpu.memory_space<vmem>>[vector<16xi32>, vector<16xi32>], vector<16xf32>,
      %iota3A_781 = tpu.iota {dimensions = array<i32: 0>} : vector<16xi32>
      %add3A_782 = arith.constant 16 : i32
      %add3A_783 = vector.broadcast %add3A_782 : i32 to vector<16xi32>
      %add3A_784 = arith.addi %iota3A_781, %add3A_783 : vector<16xi32>
      %add3A_785 = arith.constant 768 : i32
      %add3A_786 = arith.addi %add3A_785, %select_n3A_767 : i32
      %broadcast_in_dim3A_787 = vector.broadcast %add3A_786 : i32 to vector<16xi32>
      %gather3A_788 = tpu.vector_load_idx %arg6[%add3A_784, %broadcast_in_dim3A_787] : memref<64x1024xf32, #tpu.memory_space<vmem>>[vector<16xi32>, vector<16xi32>], vector<16xf32>,
      %broadcast_in_dim3A_789 = vector.broadcast %add3A_771 : i32 to vector<16xi32>
      tpu.vector_store_idx %arg7[%add3A_784, %broadcast_in_dim3A_789], %gather3A_788 : memref<64x128xf32, #tpu.memory_space<vmem>>[vector<16xi32>, vector<16xi32>], vector<16xf32>,
      %iota3A_790 = tpu.iota {dimensions = array<i32: 0>} : vector<16xi32>
      %add3A_791 = arith.constant 32 : i32
      %add3A_792 = vector.broadcast %add3A_791 : i32 to vector<16xi32>
      %add3A_793 = arith.addi %iota3A_790, %add3A_792 : vector<16xi32>
      %add3A_794 = arith.constant 768 : i32
      %add3A_795 = arith.addi %add3A_794, %select_n3A_767 : i32
      %broadcast_in_dim3A_796 = vector.broadcast %add3A_795 : i32 to vector<16xi32>
      %gather3A_797 = tpu.vector_load_idx %arg6[%add3A_793, %broadcast_in_dim3A_796] : memref<64x1024xf32, #tpu.memory_space<vmem>>[vector<16xi32>, vector<16xi32>], vector<16xf32>,
      %broadcast_in_dim3A_798 = vector.broadcast %add3A_771 : i32 to vector<16xi32>
      tpu.vector_store_idx %arg7[%add3A_793, %broadcast_in_dim3A_798], %gather3A_797 : memref<64x128xf32, #tpu.memory_space<vmem>>[vector<16xi32>, vector<16xi32>], vector<16xf32>,
      %iota3A_799 = tpu.iota {dimensions = array<i32: 0>} : vector<16xi32>
      %add3A_800 = arith.constant 48 : i32
      %add3A_801 = vector.broadcast %add3A_800 : i32 to vector<16xi32>
      %add3A_802 = arith.addi %iota3A_799, %add3A_801 : vector<16xi32>
      %add3A_803 = arith.constant 768 : i32
      %add3A_804 = arith.addi %add3A_803, %select_n3A_767 : i32
      %broadcast_in_dim3A_805 = vector.broadcast %add3A_804 : i32 to vector<16xi32>
      %gather3A_806 = tpu.vector_load_idx %arg6[%add3A_802, %broadcast_in_dim3A_805] : memref<64x1024xf32, #tpu.memory_space<vmem>>[vector<16xi32>, vector<16xi32>], vector<16xf32>,
      %broadcast_in_dim3A_807 = vector.broadcast %add3A_771 : i32 to vector<16xi32>
      tpu.vector_store_idx %arg7[%add3A_802, %broadcast_in_dim3A_807], %gather3A_806 : memref<64x128xf32, #tpu.memory_space<vmem>>[vector<16xi32>, vector<16xi32>], vector<16xf32>,
      %slice3A_808 = vector.extract_strided_slice %get3A_11 {offsets = [7], sizes = [1], strides = [1]} : vector<16xi32> to vector<1xi32>
      %squeeze3A_809 = vector.extract %slice3A_808[0] : i32 from vector<1xi32>
      %jit3A_810 = arith.constant 128 : i32
      %eq3A_811 = arith.constant 0 : i32
      %eq3A_812 = arith.cmpi eq, %jit3A_810, %eq3A_811 : i32
      %jit3A_813 = arith.constant 1 : i32
      %select_n3A_814 = arith.select %eq3A_812, %jit3A_813, %jit3A_810 : i32
      %rem3A_815 = arith.remsi %squeeze3A_809, %select_n3A_814 : i32
      %ne3A_816 = arith.constant 0 : i32
      %ne3A_817 = arith.cmpi ne, %rem3A_815, %ne3A_816 : i32
      %lt3A_818 = arith.constant 0 : i32
      %lt3A_819 = arith.cmpi slt, %rem3A_815, %lt3A_818 : i32
      %lt3A_820 = arith.constant 0 : i32
      %lt3A_821 = arith.cmpi slt, %select_n3A_814, %lt3A_820 : i32
      %ne3A_822 = arith.xori %lt3A_819, %lt3A_821 : i1
      %and3A_823 = arith.andi %ne3A_822, %ne3A_817 : i1
      %add3A_824 = arith.addi %rem3A_815, %select_n3A_814 : i32
      %select_n3A_825 = arith.select %and3A_823, %add3A_824, %rem3A_815 : i32
      %mul3A_826 = arith.constant 16 : i32
      %mul3A_827 = arith.muli %scan3A_8, %mul3A_826 : i32
      %add3A_828 = arith.constant 7 : i32
      %add3A_829 = arith.addi %mul3A_827, %add3A_828 : i32
      %iota3A_830 = tpu.iota {dimensions = array<i32: 0>} : vector<16xi32>
      %add3A_831 = arith.constant 0 : i32
      %add3A_832 = vector.broadcast %add3A_831 : i32 to vector<16xi32>
      %add3A_833 = arith.addi %iota3A_830, %add3A_832 : vector<16xi32>
      %add3A_834 = arith.constant 896 : i32
      %add3A_835 = arith.addi %add3A_834, %select_n3A_825 : i32
      %broadcast_in_dim3A_836 = vector.broadcast %add3A_835 : i32 to vector<16xi32>
      %gather3A_837 = tpu.vector_load_idx %arg6[%add3A_833, %broadcast_in_dim3A_836] : memref<64x1024xf32, #tpu.memory_space<vmem>>[vector<16xi32>, vector<16xi32>], vector<16xf32>,
      %broadcast_in_dim3A_838 = vector.broadcast %add3A_829 : i32 to vector<16xi32>
      tpu.vector_store_idx %arg7[%add3A_833, %broadcast_in_dim3A_838], %gather3A_837 : memref<64x128xf32, #tpu.memory_space<vmem>>[vector<16xi32>, vector<16xi32>], vector<16xf32>,
      %iota3A_839 = tpu.iota {dimensions = array<i32: 0>} : vector<16xi32>
      %add3A_840 = arith.constant 16 : i32
      %add3A_841 = vector.broadcast %add3A_840 : i32 to vector<16xi32>
      %add3A_842 = arith.addi %iota3A_839, %add3A_841 : vector<16xi32>
      %add3A_843 = arith.constant 896 : i32
      %add3A_844 = arith.addi %add3A_843, %select_n3A_825 : i32
      %broadcast_in_dim3A_845 = vector.broadcast %add3A_844 : i32 to vector<16xi32>
      %gather3A_846 = tpu.vector_load_idx %arg6[%add3A_842, %broadcast_in_dim3A_845] : memref<64x1024xf32, #tpu.memory_space<vmem>>[vector<16xi32>, vector<16xi32>], vector<16xf32>,
      %broadcast_in_dim3A_847 = vector.broadcast %add3A_829 : i32 to vector<16xi32>
      tpu.vector_store_idx %arg7[%add3A_842, %broadcast_in_dim3A_847], %gather3A_846 : memref<64x128xf32, #tpu.memory_space<vmem>>[vector<16xi32>, vector<16xi32>], vector<16xf32>,
      %iota3A_848 = tpu.iota {dimensions = array<i32: 0>} : vector<16xi32>
      %add3A_849 = arith.constant 32 : i32
      %add3A_850 = vector.broadcast %add3A_849 : i32 to vector<16xi32>
      %add3A_851 = arith.addi %iota3A_848, %add3A_850 : vector<16xi32>
      %add3A_852 = arith.constant 896 : i32
      %add3A_853 = arith.addi %add3A_852, %select_n3A_825 : i32
      %broadcast_in_dim3A_854 = vector.broadcast %add3A_853 : i32 to vector<16xi32>
      %gather3A_855 = tpu.vector_load_idx %arg6[%add3A_851, %broadcast_in_dim3A_854] : memref<64x1024xf32, #tpu.memory_space<vmem>>[vector<16xi32>, vector<16xi32>], vector<16xf32>,
      %broadcast_in_dim3A_856 = vector.broadcast %add3A_829 : i32 to vector<16xi32>
      tpu.vector_store_idx %arg7[%add3A_851, %broadcast_in_dim3A_856], %gather3A_855 : memref<64x128xf32, #tpu.memory_space<vmem>>[vector<16xi32>, vector<16xi32>], vector<16xf32>,
      %iota3A_857 = tpu.iota {dimensions = array<i32: 0>} : vector<16xi32>
      %add3A_858 = arith.constant 48 : i32
      %add3A_859 = vector.broadcast %add3A_858 : i32 to vector<16xi32>
      %add3A_860 = arith.addi %iota3A_857, %add3A_859 : vector<16xi32>
      %add3A_861 = arith.constant 896 : i32
      %add3A_862 = arith.addi %add3A_861, %select_n3A_825 : i32
      %broadcast_in_dim3A_863 = vector.broadcast %add3A_862 : i32 to vector<16xi32>
      %gather3A_864 = tpu.vector_load_idx %arg6[%add3A_860, %broadcast_in_dim3A_863] : memref<64x1024xf32, #tpu.memory_space<vmem>>[vector<16xi32>, vector<16xi32>], vector<16xf32>,
      %broadcast_in_dim3A_865 = vector.broadcast %add3A_829 : i32 to vector<16xi32>
      tpu.vector_store_idx %arg7[%add3A_860, %broadcast_in_dim3A_865], %gather3A_864 : memref<64x128xf32, #tpu.memory_space<vmem>>[vector<16xi32>, vector<16xi32>], vector<16xf32>,
      %slice3A_866 = vector.extract_strided_slice %get3A_11 {offsets = [8], sizes = [1], strides = [1]} : vector<16xi32> to vector<1xi32>
      %squeeze3A_867 = vector.extract %slice3A_866[0] : i32 from vector<1xi32>
      %jit3A_868 = arith.constant 128 : i32
      %div3A_869 = arith.divsi %squeeze3A_867, %jit3A_868 : i32
      %sign3A_870 = arith.constant 0 : i32
      %sign3A_871 = arith.cmpi sgt, %squeeze3A_867, %sign3A_870 : i32
      %sign3A_872 = arith.extui %sign3A_871 : i1 to i32
      %sign3A_873 = arith.constant 0 : i32
      %sign3A_874 = arith.cmpi slt, %squeeze3A_867, %sign3A_873 : i32
      %sign3A_875 = arith.extui %sign3A_874 : i1 to i32
      %sign3A_876 = arith.subi %sign3A_872, %sign3A_875 : i32
      %sign3A_877 = arith.constant 0 : i32
      %sign3A_878 = arith.cmpi sgt, %jit3A_868, %sign3A_877 : i32
      %sign3A_879 = arith.extui %sign3A_878 : i1 to i32
      %sign3A_880 = arith.constant 0 : i32
      %sign3A_881 = arith.cmpi slt, %jit3A_868, %sign3A_880 : i32
      %sign3A_882 = arith.extui %sign3A_881 : i1 to i32
      %sign3A_883 = arith.subi %sign3A_879, %sign3A_882 : i32
      %ne3A_884 = arith.cmpi ne, %sign3A_876, %sign3A_883 : i32
      %rem3A_885 = arith.remsi %squeeze3A_867, %jit3A_868 : i32
      %ne3A_886 = arith.constant 0 : i32
      %ne3A_887 = arith.cmpi ne, %rem3A_885, %ne3A_886 : i32
      %and3A_888 = arith.andi %ne3A_884, %ne3A_887 : i1
      %sub3A_889 = arith.constant 1 : i32
      %sub3A_890 = arith.subi %div3A_869, %sub3A_889 : i32
      %select_n3A_891 = arith.select %and3A_888, %sub3A_890, %div3A_869 : i32
      %mul3A_892 = arith.constant 128 : i32
      %mul3A_893 = arith.muli %select_n3A_891, %mul3A_892 : i32
      %multiple_of3A_894 = tpu.assume_multiple %mul3A_893, 128 : i32
      %dma_start3A_895 = arith.constant 0 : i32
      %dma_start3A_896 = arith.constant 0 : i32
      %dma_start3A_897 = tpu.memref_slice %arg6[%dma_start3A_895, %dma_start3A_896] : memref<64x1024xf32, #tpu.memory_space<vmem>> -> memref<64x128xf32, #tpu.memory_space<vmem>>
      %dma_start3A_898 = arith.constant 0 : i32
      %dma_start3A_899 = tpu.memref_slice %arg2[%dma_start3A_898, %multiple_of3A_894] : memref<64x1000001xf32, #tpu.memory_space<hbm>> -> memref<64x128xf32, #tpu.memory_space<hbm>>
      %dma_start3A_900 = arith.constant 0 : i32
      %dma_start3A_901 = arith.constant 0 : i32
      %dma_start3A_902 = tpu.memref_slice %arg6[%dma_start3A_900, %dma_start3A_901] : memref<64x1024xf32, #tpu.memory_space<vmem>> -> memref<64x128xf32, #tpu.memory_space<vmem>>
      %dma_start3A_903 = arith.constant 0 : i32
      %dma_start3A_904 = tpu.memref_slice %arg2[%dma_start3A_903, %multiple_of3A_894] : memref<64x1000001xf32, #tpu.memory_space<hbm>> -> memref<64x128xf32, #tpu.memory_space<hbm>>
      tpu.enqueue_dma source(%dma_start3A_904 : memref<64x128xf32, #tpu.memory_space<hbm>>) target(%dma_start3A_902 : memref<64x128xf32, #tpu.memory_space<vmem>>) target_semaphore(%arg8 : memref<!tpu.dma_semaphore, #tpu.memory_space<semaphore_mem>>)
      %slice3A_905 = vector.extract_strided_slice %get3A_11 {offsets = [9], sizes = [1], strides = [1]} : vector<16xi32> to vector<1xi32>
      %squeeze3A_906 = vector.extract %slice3A_905[0] : i32 from vector<1xi32>
      %jit3A_907 = arith.constant 128 : i32
      %div3A_908 = arith.divsi %squeeze3A_906, %jit3A_907 : i32
      %sign3A_909 = arith.constant 0 : i32
      %sign3A_910 = arith.cmpi sgt, %squeeze3A_906, %sign3A_909 : i32
      %sign3A_911 = arith.extui %sign3A_910 : i1 to i32
      %sign3A_912 = arith.constant 0 : i32
      %sign3A_913 = arith.cmpi slt, %squeeze3A_906, %sign3A_912 : i32
      %sign3A_914 = arith.extui %sign3A_913 : i1 to i32
      %sign3A_915 = arith.subi %sign3A_911, %sign3A_914 : i32
      %sign3A_916 = arith.constant 0 : i32
      %sign3A_917 = arith.cmpi sgt, %jit3A_907, %sign3A_916 : i32
      %sign3A_918 = arith.extui %sign3A_917 : i1 to i32
      %sign3A_919 = arith.constant 0 : i32
      %sign3A_920 = arith.cmpi slt, %jit3A_907, %sign3A_919 : i32
      %sign3A_921 = arith.extui %sign3A_920 : i1 to i32
      %sign3A_922 = arith.subi %sign3A_918, %sign3A_921 : i32
      %ne3A_923 = arith.cmpi ne, %sign3A_915, %sign3A_922 : i32
      %rem3A_924 = arith.remsi %squeeze3A_906, %jit3A_907 : i32
      %ne3A_925 = arith.constant 0 : i32
      %ne3A_926 = arith.cmpi ne, %rem3A_924, %ne3A_925 : i32
      %and3A_927 = arith.andi %ne3A_923, %ne3A_926 : i1
      %sub3A_928 = arith.constant 1 : i32
      %sub3A_929 = arith.subi %div3A_908, %sub3A_928 : i32
      %select_n3A_930 = arith.select %and3A_927, %sub3A_929, %div3A_908 : i32
      %mul3A_931 = arith.constant 128 : i32
      %mul3A_932 = arith.muli %select_n3A_930, %mul3A_931 : i32
      %multiple_of3A_933 = tpu.assume_multiple %mul3A_932, 128 : i32
      %dma_start3A_934 = arith.constant 0 : i32
      %dma_start3A_935 = arith.constant 128 : i32
      %dma_start3A_936 = tpu.memref_slice %arg6[%dma_start3A_934, %dma_start3A_935] : memref<64x1024xf32, #tpu.memory_space<vmem>> -> memref<64x128xf32, #tpu.memory_space<vmem>>
      %dma_start3A_937 = arith.constant 0 : i32
      %dma_start3A_938 = tpu.memref_slice %arg2[%dma_start3A_937, %multiple_of3A_933] : memref<64x1000001xf32, #tpu.memory_space<hbm>> -> memref<64x128xf32, #tpu.memory_space<hbm>>
      %dma_start3A_939 = arith.constant 0 : i32
      %dma_start3A_940 = arith.constant 128 : i32
      %dma_start3A_941 = tpu.memref_slice %arg6[%dma_start3A_939, %dma_start3A_940] : memref<64x1024xf32, #tpu.memory_space<vmem>> -> memref<64x128xf32, #tpu.memory_space<vmem>>
      %dma_start3A_942 = arith.constant 0 : i32
      %dma_start3A_943 = tpu.memref_slice %arg2[%dma_start3A_942, %multiple_of3A_933] : memref<64x1000001xf32, #tpu.memory_space<hbm>> -> memref<64x128xf32, #tpu.memory_space<hbm>>
      tpu.enqueue_dma source(%dma_start3A_943 : memref<64x128xf32, #tpu.memory_space<hbm>>) target(%dma_start3A_941 : memref<64x128xf32, #tpu.memory_space<vmem>>) target_semaphore(%arg8 : memref<!tpu.dma_semaphore, #tpu.memory_space<semaphore_mem>>)
      %slice3A_944 = vector.extract_strided_slice %get3A_11 {offsets = [10], sizes = [1], strides = [1]} : vector<16xi32> to vector<1xi32>
      %squeeze3A_945 = vector.extract %slice3A_944[0] : i32 from vector<1xi32>
      %jit3A_946 = arith.constant 128 : i32
      %div3A_947 = arith.divsi %squeeze3A_945, %jit3A_946 : i32
      %sign3A_948 = arith.constant 0 : i32
      %sign3A_949 = arith.cmpi sgt, %squeeze3A_945, %sign3A_948 : i32
      %sign3A_950 = arith.extui %sign3A_949 : i1 to i32
      %sign3A_951 = arith.constant 0 : i32
      %sign3A_952 = arith.cmpi slt, %squeeze3A_945, %sign3A_951 : i32
      %sign3A_953 = arith.extui %sign3A_952 : i1 to i32
      %sign3A_954 = arith.subi %sign3A_950, %sign3A_953 : i32
      %sign3A_955 = arith.constant 0 : i32
      %sign3A_956 = arith.cmpi sgt, %jit3A_946, %sign3A_955 : i32
      %sign3A_957 = arith.extui %sign3A_956 : i1 to i32
      %sign3A_958 = arith.constant 0 : i32
      %sign3A_959 = arith.cmpi slt, %jit3A_946, %sign3A_958 : i32
      %sign3A_960 = arith.extui %sign3A_959 : i1 to i32
      %sign3A_961 = arith.subi %sign3A_957, %sign3A_960 : i32
      %ne3A_962 = arith.cmpi ne, %sign3A_954, %sign3A_961 : i32
      %rem3A_963 = arith.remsi %squeeze3A_945, %jit3A_946 : i32
      %ne3A_964 = arith.constant 0 : i32
      %ne3A_965 = arith.cmpi ne, %rem3A_963, %ne3A_964 : i32
      %and3A_966 = arith.andi %ne3A_962, %ne3A_965 : i1
      %sub3A_967 = arith.constant 1 : i32
      %sub3A_968 = arith.subi %div3A_947, %sub3A_967 : i32
      %select_n3A_969 = arith.select %and3A_966, %sub3A_968, %div3A_947 : i32
      %mul3A_970 = arith.constant 128 : i32
      %mul3A_971 = arith.muli %select_n3A_969, %mul3A_970 : i32
      %multiple_of3A_972 = tpu.assume_multiple %mul3A_971, 128 : i32
      %dma_start3A_973 = arith.constant 0 : i32
      %dma_start3A_974 = arith.constant 256 : i32
      %dma_start3A_975 = tpu.memref_slice %arg6[%dma_start3A_973, %dma_start3A_974] : memref<64x1024xf32, #tpu.memory_space<vmem>> -> memref<64x128xf32, #tpu.memory_space<vmem>>
      %dma_start3A_976 = arith.constant 0 : i32
      %dma_start3A_977 = tpu.memref_slice %arg2[%dma_start3A_976, %multiple_of3A_972] : memref<64x1000001xf32, #tpu.memory_space<hbm>> -> memref<64x128xf32, #tpu.memory_space<hbm>>
      %dma_start3A_978 = arith.constant 0 : i32
      %dma_start3A_979 = arith.constant 256 : i32
      %dma_start3A_980 = tpu.memref_slice %arg6[%dma_start3A_978, %dma_start3A_979] : memref<64x1024xf32, #tpu.memory_space<vmem>> -> memref<64x128xf32, #tpu.memory_space<vmem>>
      %dma_start3A_981 = arith.constant 0 : i32
      %dma_start3A_982 = tpu.memref_slice %arg2[%dma_start3A_981, %multiple_of3A_972] : memref<64x1000001xf32, #tpu.memory_space<hbm>> -> memref<64x128xf32, #tpu.memory_space<hbm>>
      tpu.enqueue_dma source(%dma_start3A_982 : memref<64x128xf32, #tpu.memory_space<hbm>>) target(%dma_start3A_980 : memref<64x128xf32, #tpu.memory_space<vmem>>) target_semaphore(%arg8 : memref<!tpu.dma_semaphore, #tpu.memory_space<semaphore_mem>>)
      %slice3A_983 = vector.extract_strided_slice %get3A_11 {offsets = [11], sizes = [1], strides = [1]} : vector<16xi32> to vector<1xi32>
      %squeeze3A_984 = vector.extract %slice3A_983[0] : i32 from vector<1xi32>
      %jit3A_985 = arith.constant 128 : i32
      %div3A_986 = arith.divsi %squeeze3A_984, %jit3A_985 : i32
      %sign3A_987 = arith.constant 0 : i32
      %sign3A_988 = arith.cmpi sgt, %squeeze3A_984, %sign3A_987 : i32
      %sign3A_989 = arith.extui %sign3A_988 : i1 to i32
      %sign3A_990 = arith.constant 0 : i32
      %sign3A_991 = arith.cmpi slt, %squeeze3A_984, %sign3A_990 : i32
      %sign3A_992 = arith.extui %sign3A_991 : i1 to i32
      %sign3A_993 = arith.subi %sign3A_989, %sign3A_992 : i32
      %sign3A_994 = arith.constant 0 : i32
      %sign3A_995 = arith.cmpi sgt, %jit3A_985, %sign3A_994 : i32
      %sign3A_996 = arith.extui %sign3A_995 : i1 to i32
      %sign3A_997 = arith.constant 0 : i32
      %sign3A_998 = arith.cmpi slt, %jit3A_985, %sign3A_997 : i32
      %sign3A_999 = arith.extui %sign3A_998 : i1 to i32
      %sign3A_1000 = arith.subi %sign3A_996, %sign3A_999 : i32
      %ne3A_1001 = arith.cmpi ne, %sign3A_993, %sign3A_1000 : i32
      %rem3A_1002 = arith.remsi %squeeze3A_984, %jit3A_985 : i32
      %ne3A_1003 = arith.constant 0 : i32
      %ne3A_1004 = arith.cmpi ne, %rem3A_1002, %ne3A_1003 : i32
      %and3A_1005 = arith.andi %ne3A_1001, %ne3A_1004 : i1
      %sub3A_1006 = arith.constant 1 : i32
      %sub3A_1007 = arith.subi %div3A_986, %sub3A_1006 : i32
      %select_n3A_1008 = arith.select %and3A_1005, %sub3A_1007, %div3A_986 : i32
      %mul3A_1009 = arith.constant 128 : i32
      %mul3A_1010 = arith.muli %select_n3A_1008, %mul3A_1009 : i32
      %multiple_of3A_1011 = tpu.assume_multiple %mul3A_1010, 128 : i32
      %dma_start3A_1012 = arith.constant 0 : i32
      %dma_start3A_1013 = arith.constant 384 : i32
      %dma_start3A_1014 = tpu.memref_slice %arg6[%dma_start3A_1012, %dma_start3A_1013] : memref<64x1024xf32, #tpu.memory_space<vmem>> -> memref<64x128xf32, #tpu.memory_space<vmem>>
      %dma_start3A_1015 = arith.constant 0 : i32
      %dma_start3A_1016 = tpu.memref_slice %arg2[%dma_start3A_1015, %multiple_of3A_1011] : memref<64x1000001xf32, #tpu.memory_space<hbm>> -> memref<64x128xf32, #tpu.memory_space<hbm>>
      %dma_start3A_1017 = arith.constant 0 : i32
      %dma_start3A_1018 = arith.constant 384 : i32
      %dma_start3A_1019 = tpu.memref_slice %arg6[%dma_start3A_1017, %dma_start3A_1018] : memref<64x1024xf32, #tpu.memory_space<vmem>> -> memref<64x128xf32, #tpu.memory_space<vmem>>
      %dma_start3A_1020 = arith.constant 0 : i32
      %dma_start3A_1021 = tpu.memref_slice %arg2[%dma_start3A_1020, %multiple_of3A_1011] : memref<64x1000001xf32, #tpu.memory_space<hbm>> -> memref<64x128xf32, #tpu.memory_space<hbm>>
      tpu.enqueue_dma source(%dma_start3A_1021 : memref<64x128xf32, #tpu.memory_space<hbm>>) target(%dma_start3A_1019 : memref<64x128xf32, #tpu.memory_space<vmem>>) target_semaphore(%arg8 : memref<!tpu.dma_semaphore, #tpu.memory_space<semaphore_mem>>)
      %slice3A_1022 = vector.extract_strided_slice %get3A_11 {offsets = [12], sizes = [1], strides = [1]} : vector<16xi32> to vector<1xi32>
      %squeeze3A_1023 = vector.extract %slice3A_1022[0] : i32 from vector<1xi32>
      %jit3A_1024 = arith.constant 128 : i32
      %div3A_1025 = arith.divsi %squeeze3A_1023, %jit3A_1024 : i32
      %sign3A_1026 = arith.constant 0 : i32
      %sign3A_1027 = arith.cmpi sgt, %squeeze3A_1023, %sign3A_1026 : i32
      %sign3A_1028 = arith.extui %sign3A_1027 : i1 to i32
      %sign3A_1029 = arith.constant 0 : i32
      %sign3A_1030 = arith.cmpi slt, %squeeze3A_1023, %sign3A_1029 : i32
      %sign3A_1031 = arith.extui %sign3A_1030 : i1 to i32
      %sign3A_1032 = arith.subi %sign3A_1028, %sign3A_1031 : i32
      %sign3A_1033 = arith.constant 0 : i32
      %sign3A_1034 = arith.cmpi sgt, %jit3A_1024, %sign3A_1033 : i32
      %sign3A_1035 = arith.extui %sign3A_1034 : i1 to i32
      %sign3A_1036 = arith.constant 0 : i32
      %sign3A_1037 = arith.cmpi slt, %jit3A_1024, %sign3A_1036 : i32
      %sign3A_1038 = arith.extui %sign3A_1037 : i1 to i32
      %sign3A_1039 = arith.subi %sign3A_1035, %sign3A_1038 : i32
      %ne3A_1040 = arith.cmpi ne, %sign3A_1032, %sign3A_1039 : i32
      %rem3A_1041 = arith.remsi %squeeze3A_1023, %jit3A_1024 : i32
      %ne3A_1042 = arith.constant 0 : i32
      %ne3A_1043 = arith.cmpi ne, %rem3A_1041, %ne3A_1042 : i32
      %and3A_1044 = arith.andi %ne3A_1040, %ne3A_1043 : i1
      %sub3A_1045 = arith.constant 1 : i32
      %sub3A_1046 = arith.subi %div3A_1025, %sub3A_1045 : i32
      %select_n3A_1047 = arith.select %and3A_1044, %sub3A_1046, %div3A_1025 : i32
      %mul3A_1048 = arith.constant 128 : i32
      %mul3A_1049 = arith.muli %select_n3A_1047, %mul3A_1048 : i32
      %multiple_of3A_1050 = tpu.assume_multiple %mul3A_1049, 128 : i32
      %dma_start3A_1051 = arith.constant 0 : i32
      %dma_start3A_1052 = arith.constant 512 : i32
      %dma_start3A_1053 = tpu.memref_slice %arg6[%dma_start3A_1051, %dma_start3A_1052] : memref<64x1024xf32, #tpu.memory_space<vmem>> -> memref<64x128xf32, #tpu.memory_space<vmem>>
      %dma_start3A_1054 = arith.constant 0 : i32
      %dma_start3A_1055 = tpu.memref_slice %arg2[%dma_start3A_1054, %multiple_of3A_1050] : memref<64x1000001xf32, #tpu.memory_space<hbm>> -> memref<64x128xf32, #tpu.memory_space<hbm>>
      %dma_start3A_1056 = arith.constant 0 : i32
      %dma_start3A_1057 = arith.constant 512 : i32
      %dma_start3A_1058 = tpu.memref_slice %arg6[%dma_start3A_1056, %dma_start3A_1057] : memref<64x1024xf32, #tpu.memory_space<vmem>> -> memref<64x128xf32, #tpu.memory_space<vmem>>
      %dma_start3A_1059 = arith.constant 0 : i32
      %dma_start3A_1060 = tpu.memref_slice %arg2[%dma_start3A_1059, %multiple_of3A_1050] : memref<64x1000001xf32, #tpu.memory_space<hbm>> -> memref<64x128xf32, #tpu.memory_space<hbm>>
      tpu.enqueue_dma source(%dma_start3A_1060 : memref<64x128xf32, #tpu.memory_space<hbm>>) target(%dma_start3A_1058 : memref<64x128xf32, #tpu.memory_space<vmem>>) target_semaphore(%arg8 : memref<!tpu.dma_semaphore, #tpu.memory_space<semaphore_mem>>)
      %slice3A_1061 = vector.extract_strided_slice %get3A_11 {offsets = [13], sizes = [1], strides = [1]} : vector<16xi32> to vector<1xi32>
      %squeeze3A_1062 = vector.extract %slice3A_1061[0] : i32 from vector<1xi32>
      %jit3A_1063 = arith.constant 128 : i32
      %div3A_1064 = arith.divsi %squeeze3A_1062, %jit3A_1063 : i32
      %sign3A_1065 = arith.constant 0 : i32
      %sign3A_1066 = arith.cmpi sgt, %squeeze3A_1062, %sign3A_1065 : i32
      %sign3A_1067 = arith.extui %sign3A_1066 : i1 to i32
      %sign3A_1068 = arith.constant 0 : i32
      %sign3A_1069 = arith.cmpi slt, %squeeze3A_1062, %sign3A_1068 : i32
      %sign3A_1070 = arith.extui %sign3A_1069 : i1 to i32
      %sign3A_1071 = arith.subi %sign3A_1067, %sign3A_1070 : i32
      %sign3A_1072 = arith.constant 0 : i32
      %sign3A_1073 = arith.cmpi sgt, %jit3A_1063, %sign3A_1072 : i32
      %sign3A_1074 = arith.extui %sign3A_1073 : i1 to i32
      %sign3A_1075 = arith.constant 0 : i32
      %sign3A_1076 = arith.cmpi slt, %jit3A_1063, %sign3A_1075 : i32
      %sign3A_1077 = arith.extui %sign3A_1076 : i1 to i32
      %sign3A_1078 = arith.subi %sign3A_1074, %sign3A_1077 : i32
      %ne3A_1079 = arith.cmpi ne, %sign3A_1071, %sign3A_1078 : i32
      %rem3A_1080 = arith.remsi %squeeze3A_1062, %jit3A_1063 : i32
      %ne3A_1081 = arith.constant 0 : i32
      %ne3A_1082 = arith.cmpi ne, %rem3A_1080, %ne3A_1081 : i32
      %and3A_1083 = arith.andi %ne3A_1079, %ne3A_1082 : i1
      %sub3A_1084 = arith.constant 1 : i32
      %sub3A_1085 = arith.subi %div3A_1064, %sub3A_1084 : i32
      %select_n3A_1086 = arith.select %and3A_1083, %sub3A_1085, %div3A_1064 : i32
      %mul3A_1087 = arith.constant 128 : i32
      %mul3A_1088 = arith.muli %select_n3A_1086, %mul3A_1087 : i32
      %multiple_of3A_1089 = tpu.assume_multiple %mul3A_1088, 128 : i32
      %dma_start3A_1090 = arith.constant 0 : i32
      %dma_start3A_1091 = arith.constant 640 : i32
      %dma_start3A_1092 = tpu.memref_slice %arg6[%dma_start3A_1090, %dma_start3A_1091] : memref<64x1024xf32, #tpu.memory_space<vmem>> -> memref<64x128xf32, #tpu.memory_space<vmem>>
      %dma_start3A_1093 = arith.constant 0 : i32
      %dma_start3A_1094 = tpu.memref_slice %arg2[%dma_start3A_1093, %multiple_of3A_1089] : memref<64x1000001xf32, #tpu.memory_space<hbm>> -> memref<64x128xf32, #tpu.memory_space<hbm>>
      %dma_start3A_1095 = arith.constant 0 : i32
      %dma_start3A_1096 = arith.constant 640 : i32
      %dma_start3A_1097 = tpu.memref_slice %arg6[%dma_start3A_1095, %dma_start3A_1096] : memref<64x1024xf32, #tpu.memory_space<vmem>> -> memref<64x128xf32, #tpu.memory_space<vmem>>
      %dma_start3A_1098 = arith.constant 0 : i32
      %dma_start3A_1099 = tpu.memref_slice %arg2[%dma_start3A_1098, %multiple_of3A_1089] : memref<64x1000001xf32, #tpu.memory_space<hbm>> -> memref<64x128xf32, #tpu.memory_space<hbm>>
      tpu.enqueue_dma source(%dma_start3A_1099 : memref<64x128xf32, #tpu.memory_space<hbm>>) target(%dma_start3A_1097 : memref<64x128xf32, #tpu.memory_space<vmem>>) target_semaphore(%arg8 : memref<!tpu.dma_semaphore, #tpu.memory_space<semaphore_mem>>)
      %slice3A_1100 = vector.extract_strided_slice %get3A_11 {offsets = [14], sizes = [1], strides = [1]} : vector<16xi32> to vector<1xi32>
      %squeeze3A_1101 = vector.extract %slice3A_1100[0] : i32 from vector<1xi32>
      %jit3A_1102 = arith.constant 128 : i32
      %div3A_1103 = arith.divsi %squeeze3A_1101, %jit3A_1102 : i32
      %sign3A_1104 = arith.constant 0 : i32
      %sign3A_1105 = arith.cmpi sgt, %squeeze3A_1101, %sign3A_1104 : i32
      %sign3A_1106 = arith.extui %sign3A_1105 : i1 to i32
      %sign3A_1107 = arith.constant 0 : i32
      %sign3A_1108 = arith.cmpi slt, %squeeze3A_1101, %sign3A_1107 : i32
      %sign3A_1109 = arith.extui %sign3A_1108 : i1 to i32
      %sign3A_1110 = arith.subi %sign3A_1106, %sign3A_1109 : i32
      %sign3A_1111 = arith.constant 0 : i32
      %sign3A_1112 = arith.cmpi sgt, %jit3A_1102, %sign3A_1111 : i32
      %sign3A_1113 = arith.extui %sign3A_1112 : i1 to i32
      %sign3A_1114 = arith.constant 0 : i32
      %sign3A_1115 = arith.cmpi slt, %jit3A_1102, %sign3A_1114 : i32
      %sign3A_1116 = arith.extui %sign3A_1115 : i1 to i32
      %sign3A_1117 = arith.subi %sign3A_1113, %sign3A_1116 : i32
      %ne3A_1118 = arith.cmpi ne, %sign3A_1110, %sign3A_1117 : i32
      %rem3A_1119 = arith.remsi %squeeze3A_1101, %jit3A_1102 : i32
      %ne3A_1120 = arith.constant 0 : i32
      %ne3A_1121 = arith.cmpi ne, %rem3A_1119, %ne3A_1120 : i32
      %and3A_1122 = arith.andi %ne3A_1118, %ne3A_1121 : i1
      %sub3A_1123 = arith.constant 1 : i32
      %sub3A_1124 = arith.subi %div3A_1103, %sub3A_1123 : i32
      %select_n3A_1125 = arith.select %and3A_1122, %sub3A_1124, %div3A_1103 : i32
      %mul3A_1126 = arith.constant 128 : i32
      %mul3A_1127 = arith.muli %select_n3A_1125, %mul3A_1126 : i32
      %multiple_of3A_1128 = tpu.assume_multiple %mul3A_1127, 128 : i32
      %dma_start3A_1129 = arith.constant 0 : i32
      %dma_start3A_1130 = arith.constant 768 : i32
      %dma_start3A_1131 = tpu.memref_slice %arg6[%dma_start3A_1129, %dma_start3A_1130] : memref<64x1024xf32, #tpu.memory_space<vmem>> -> memref<64x128xf32, #tpu.memory_space<vmem>>
      %dma_start3A_1132 = arith.constant 0 : i32
      %dma_start3A_1133 = tpu.memref_slice %arg2[%dma_start3A_1132, %multiple_of3A_1128] : memref<64x1000001xf32, #tpu.memory_space<hbm>> -> memref<64x128xf32, #tpu.memory_space<hbm>>
      %dma_start3A_1134 = arith.constant 0 : i32
      %dma_start3A_1135 = arith.constant 768 : i32
      %dma_start3A_1136 = tpu.memref_slice %arg6[%dma_start3A_1134, %dma_start3A_1135] : memref<64x1024xf32, #tpu.memory_space<vmem>> -> memref<64x128xf32, #tpu.memory_space<vmem>>
      %dma_start3A_1137 = arith.constant 0 : i32
      %dma_start3A_1138 = tpu.memref_slice %arg2[%dma_start3A_1137, %multiple_of3A_1128] : memref<64x1000001xf32, #tpu.memory_space<hbm>> -> memref<64x128xf32, #tpu.memory_space<hbm>>
      tpu.enqueue_dma source(%dma_start3A_1138 : memref<64x128xf32, #tpu.memory_space<hbm>>) target(%dma_start3A_1136 : memref<64x128xf32, #tpu.memory_space<vmem>>) target_semaphore(%arg8 : memref<!tpu.dma_semaphore, #tpu.memory_space<semaphore_mem>>)
      %slice3A_1139 = vector.extract_strided_slice %get3A_11 {offsets = [15], sizes = [1], strides = [1]} : vector<16xi32> to vector<1xi32>
      %squeeze3A_1140 = vector.extract %slice3A_1139[0] : i32 from vector<1xi32>
      %jit3A_1141 = arith.constant 128 : i32
      %div3A_1142 = arith.divsi %squeeze3A_1140, %jit3A_1141 : i32
      %sign3A_1143 = arith.constant 0 : i32
      %sign3A_1144 = arith.cmpi sgt, %squeeze3A_1140, %sign3A_1143 : i32
      %sign3A_1145 = arith.extui %sign3A_1144 : i1 to i32
      %sign3A_1146 = arith.constant 0 : i32
      %sign3A_1147 = arith.cmpi slt, %squeeze3A_1140, %sign3A_1146 : i32
      %sign3A_1148 = arith.extui %sign3A_1147 : i1 to i32
      %sign3A_1149 = arith.subi %sign3A_1145, %sign3A_1148 : i32
      %sign3A_1150 = arith.constant 0 : i32
      %sign3A_1151 = arith.cmpi sgt, %jit3A_1141, %sign3A_1150 : i32
      %sign3A_1152 = arith.extui %sign3A_1151 : i1 to i32
      %sign3A_1153 = arith.constant 0 : i32
      %sign3A_1154 = arith.cmpi slt, %jit3A_1141, %sign3A_1153 : i32
      %sign3A_1155 = arith.extui %sign3A_1154 : i1 to i32
      %sign3A_1156 = arith.subi %sign3A_1152, %sign3A_1155 : i32
      %ne3A_1157 = arith.cmpi ne, %sign3A_1149, %sign3A_1156 : i32
      %rem3A_1158 = arith.remsi %squeeze3A_1140, %jit3A_1141 : i32
      %ne3A_1159 = arith.constant 0 : i32
      %ne3A_1160 = arith.cmpi ne, %rem3A_1158, %ne3A_1159 : i32
      %and3A_1161 = arith.andi %ne3A_1157, %ne3A_1160 : i1
      %sub3A_1162 = arith.constant 1 : i32
      %sub3A_1163 = arith.subi %div3A_1142, %sub3A_1162 : i32
      %select_n3A_1164 = arith.select %and3A_1161, %sub3A_1163, %div3A_1142 : i32
      %mul3A_1165 = arith.constant 128 : i32
      %mul3A_1166 = arith.muli %select_n3A_1164, %mul3A_1165 : i32
      %multiple_of3A_1167 = tpu.assume_multiple %mul3A_1166, 128 : i32
      %dma_start3A_1168 = arith.constant 0 : i32
      %dma_start3A_1169 = arith.constant 896 : i32
      %dma_start3A_1170 = tpu.memref_slice %arg6[%dma_start3A_1168, %dma_start3A_1169] : memref<64x1024xf32, #tpu.memory_space<vmem>> -> memref<64x128xf32, #tpu.memory_space<vmem>>
      %dma_start3A_1171 = arith.constant 0 : i32
      %dma_start3A_1172 = tpu.memref_slice %arg2[%dma_start3A_1171, %multiple_of3A_1167] : memref<64x1000001xf32, #tpu.memory_space<hbm>> -> memref<64x128xf32, #tpu.memory_space<hbm>>
      %dma_start3A_1173 = arith.constant 0 : i32
      %dma_start3A_1174 = arith.constant 896 : i32
      %dma_start3A_1175 = tpu.memref_slice %arg6[%dma_start3A_1173, %dma_start3A_1174] : memref<64x1024xf32, #tpu.memory_space<vmem>> -> memref<64x128xf32, #tpu.memory_space<vmem>>
      %dma_start3A_1176 = arith.constant 0 : i32
      %dma_start3A_1177 = tpu.memref_slice %arg2[%dma_start3A_1176, %multiple_of3A_1167] : memref<64x1000001xf32, #tpu.memory_space<hbm>> -> memref<64x128xf32, #tpu.memory_space<hbm>>
      tpu.enqueue_dma source(%dma_start3A_1177 : memref<64x128xf32, #tpu.memory_space<hbm>>) target(%dma_start3A_1175 : memref<64x128xf32, #tpu.memory_space<vmem>>) target_semaphore(%arg8 : memref<!tpu.dma_semaphore, #tpu.memory_space<semaphore_mem>>)
      %dma_wait3A_1178 = arith.constant 0 : i32
      %dma_wait3A_1179 = arith.constant 0 : i32
      %dma_wait3A_1180 = tpu.memref_slice %arg6[%dma_wait3A_1178, %dma_wait3A_1179] : memref<64x1024xf32, #tpu.memory_space<vmem>> -> memref<64x128xf32, #tpu.memory_space<vmem>>
      %dma_wait3A_1181 = arith.constant 0 : i32
      %dma_wait3A_1182 = arith.constant 0 : i32
      %dma_wait3A_1183 = tpu.memref_slice %arg2[%dma_wait3A_1181, %dma_wait3A_1182] : memref<64x1000001xf32, #tpu.memory_space<hbm>> -> memref<64x128xf32, #tpu.memory_space<hbm>>
      %dma_wait3A_1184 = arith.constant 0 : i32
      %dma_wait3A_1185 = arith.constant 0 : i32
      %dma_wait3A_1186 = tpu.memref_slice %arg6[%dma_wait3A_1184, %dma_wait3A_1185] : memref<64x1024xf32, #tpu.memory_space<vmem>> -> memref<64x128xf32, #tpu.memory_space<vmem>>
      %dma_wait3A_1187 = arith.constant 0 : i32
      %dma_wait3A_1188 = arith.constant 0 : i32
      %dma_wait3A_1189 = tpu.memref_slice %arg2[%dma_wait3A_1187, %dma_wait3A_1188] : memref<64x1000001xf32, #tpu.memory_space<hbm>> -> memref<64x128xf32, #tpu.memory_space<hbm>>
      tpu.wait_dma2 semaphore(%arg8 : memref<!tpu.dma_semaphore, #tpu.memory_space<semaphore_mem>>) src(%dma_wait3A_1189 : memref<64x128xf32, #tpu.memory_space<hbm>>) dst(%dma_wait3A_1186 : memref<64x128xf32, #tpu.memory_space<vmem>>)
      %dma_wait3A_1190 = arith.constant 0 : i32
      %dma_wait3A_1191 = arith.constant 128 : i32
      %dma_wait3A_1192 = tpu.memref_slice %arg6[%dma_wait3A_1190, %dma_wait3A_1191] : memref<64x1024xf32, #tpu.memory_space<vmem>> -> memref<64x128xf32, #tpu.memory_space<vmem>>
      %dma_wait3A_1193 = arith.constant 0 : i32
      %dma_wait3A_1194 = arith.constant 0 : i32
      %dma_wait3A_1195 = tpu.memref_slice %arg2[%dma_wait3A_1193, %dma_wait3A_1194] : memref<64x1000001xf32, #tpu.memory_space<hbm>> -> memref<64x128xf32, #tpu.memory_space<hbm>>
      %dma_wait3A_1196 = arith.constant 0 : i32
      %dma_wait3A_1197 = arith.constant 128 : i32
      %dma_wait3A_1198 = tpu.memref_slice %arg6[%dma_wait3A_1196, %dma_wait3A_1197] : memref<64x1024xf32, #tpu.memory_space<vmem>> -> memref<64x128xf32, #tpu.memory_space<vmem>>
      %dma_wait3A_1199 = arith.constant 0 : i32
      %dma_wait3A_1200 = arith.constant 0 : i32
      %dma_wait3A_1201 = tpu.memref_slice %arg2[%dma_wait3A_1199, %dma_wait3A_1200] : memref<64x1000001xf32, #tpu.memory_space<hbm>> -> memref<64x128xf32, #tpu.memory_space<hbm>>
      tpu.wait_dma2 semaphore(%arg8 : memref<!tpu.dma_semaphore, #tpu.memory_space<semaphore_mem>>) src(%dma_wait3A_1201 : memref<64x128xf32, #tpu.memory_space<hbm>>) dst(%dma_wait3A_1198 : memref<64x128xf32, #tpu.memory_space<vmem>>)
      %dma_wait3A_1202 = arith.constant 0 : i32
      %dma_wait3A_1203 = arith.constant 256 : i32
      %dma_wait3A_1204 = tpu.memref_slice %arg6[%dma_wait3A_1202, %dma_wait3A_1203] : memref<64x1024xf32, #tpu.memory_space<vmem>> -> memref<64x128xf32, #tpu.memory_space<vmem>>
      %dma_wait3A_1205 = arith.constant 0 : i32
      %dma_wait3A_1206 = arith.constant 0 : i32
      %dma_wait3A_1207 = tpu.memref_slice %arg2[%dma_wait3A_1205, %dma_wait3A_1206] : memref<64x1000001xf32, #tpu.memory_space<hbm>> -> memref<64x128xf32, #tpu.memory_space<hbm>>
      %dma_wait3A_1208 = arith.constant 0 : i32
      %dma_wait3A_1209 = arith.constant 256 : i32
      %dma_wait3A_1210 = tpu.memref_slice %arg6[%dma_wait3A_1208, %dma_wait3A_1209] : memref<64x1024xf32, #tpu.memory_space<vmem>> -> memref<64x128xf32, #tpu.memory_space<vmem>>
      %dma_wait3A_1211 = arith.constant 0 : i32
      %dma_wait3A_1212 = arith.constant 0 : i32
      %dma_wait3A_1213 = tpu.memref_slice %arg2[%dma_wait3A_1211, %dma_wait3A_1212] : memref<64x1000001xf32, #tpu.memory_space<hbm>> -> memref<64x128xf32, #tpu.memory_space<hbm>>
      tpu.wait_dma2 semaphore(%arg8 : memref<!tpu.dma_semaphore, #tpu.memory_space<semaphore_mem>>) src(%dma_wait3A_1213 : memref<64x128xf32, #tpu.memory_space<hbm>>) dst(%dma_wait3A_1210 : memref<64x128xf32, #tpu.memory_space<vmem>>)
      %dma_wait3A_1214 = arith.constant 0 : i32
      %dma_wait3A_1215 = arith.constant 384 : i32
      %dma_wait3A_1216 = tpu.memref_slice %arg6[%dma_wait3A_1214, %dma_wait3A_1215] : memref<64x1024xf32, #tpu.memory_space<vmem>> -> memref<64x128xf32, #tpu.memory_space<vmem>>
      %dma_wait3A_1217 = arith.constant 0 : i32
      %dma_wait3A_1218 = arith.constant 0 : i32
      %dma_wait3A_1219 = tpu.memref_slice %arg2[%dma_wait3A_1217, %dma_wait3A_1218] : memref<64x1000001xf32, #tpu.memory_space<hbm>> -> memref<64x128xf32, #tpu.memory_space<hbm>>
      %dma_wait3A_1220 = arith.constant 0 : i32
      %dma_wait3A_1221 = arith.constant 384 : i32
      %dma_wait3A_1222 = tpu.memref_slice %arg6[%dma_wait3A_1220, %dma_wait3A_1221] : memref<64x1024xf32, #tpu.memory_space<vmem>> -> memref<64x128xf32, #tpu.memory_space<vmem>>
      %dma_wait3A_1223 = arith.constant 0 : i32
      %dma_wait3A_1224 = arith.constant 0 : i32
      %dma_wait3A_1225 = tpu.memref_slice %arg2[%dma_wait3A_1223, %dma_wait3A_1224] : memref<64x1000001xf32, #tpu.memory_space<hbm>> -> memref<64x128xf32, #tpu.memory_space<hbm>>
      tpu.wait_dma2 semaphore(%arg8 : memref<!tpu.dma_semaphore, #tpu.memory_space<semaphore_mem>>) src(%dma_wait3A_1225 : memref<64x128xf32, #tpu.memory_space<hbm>>) dst(%dma_wait3A_1222 : memref<64x128xf32, #tpu.memory_space<vmem>>)
      %dma_wait3A_1226 = arith.constant 0 : i32
      %dma_wait3A_1227 = arith.constant 512 : i32
      %dma_wait3A_1228 = tpu.memref_slice %arg6[%dma_wait3A_1226, %dma_wait3A_1227] : memref<64x1024xf32, #tpu.memory_space<vmem>> -> memref<64x128xf32, #tpu.memory_space<vmem>>
      %dma_wait3A_1229 = arith.constant 0 : i32
      %dma_wait3A_1230 = arith.constant 0 : i32
      %dma_wait3A_1231 = tpu.memref_slice %arg2[%dma_wait3A_1229, %dma_wait3A_1230] : memref<64x1000001xf32, #tpu.memory_space<hbm>> -> memref<64x128xf32, #tpu.memory_space<hbm>>
      %dma_wait3A_1232 = arith.constant 0 : i32
      %dma_wait3A_1233 = arith.constant 512 : i32
      %dma_wait3A_1234 = tpu.memref_slice %arg6[%dma_wait3A_1232, %dma_wait3A_1233] : memref<64x1024xf32, #tpu.memory_space<vmem>> -> memref<64x128xf32, #tpu.memory_space<vmem>>
      %dma_wait3A_1235 = arith.constant 0 : i32
      %dma_wait3A_1236 = arith.constant 0 : i32
      %dma_wait3A_1237 = tpu.memref_slice %arg2[%dma_wait3A_1235, %dma_wait3A_1236] : memref<64x1000001xf32, #tpu.memory_space<hbm>> -> memref<64x128xf32, #tpu.memory_space<hbm>>
      tpu.wait_dma2 semaphore(%arg8 : memref<!tpu.dma_semaphore, #tpu.memory_space<semaphore_mem>>) src(%dma_wait3A_1237 : memref<64x128xf32, #tpu.memory_space<hbm>>) dst(%dma_wait3A_1234 : memref<64x128xf32, #tpu.memory_space<vmem>>)
      %dma_wait3A_1238 = arith.constant 0 : i32
      %dma_wait3A_1239 = arith.constant 640 : i32
      %dma_wait3A_1240 = tpu.memref_slice %arg6[%dma_wait3A_1238, %dma_wait3A_1239] : memref<64x1024xf32, #tpu.memory_space<vmem>> -> memref<64x128xf32, #tpu.memory_space<vmem>>
      %dma_wait3A_1241 = arith.constant 0 : i32
      %dma_wait3A_1242 = arith.constant 0 : i32
      %dma_wait3A_1243 = tpu.memref_slice %arg2[%dma_wait3A_1241, %dma_wait3A_1242] : memref<64x1000001xf32, #tpu.memory_space<hbm>> -> memref<64x128xf32, #tpu.memory_space<hbm>>
      %dma_wait3A_1244 = arith.constant 0 : i32
      %dma_wait3A_1245 = arith.constant 640 : i32
      %dma_wait3A_1246 = tpu.memref_slice %arg6[%dma_wait3A_1244, %dma_wait3A_1245] : memref<64x1024xf32, #tpu.memory_space<vmem>> -> memref<64x128xf32, #tpu.memory_space<vmem>>
      %dma_wait3A_1247 = arith.constant 0 : i32
      %dma_wait3A_1248 = arith.constant 0 : i32
      %dma_wait3A_1249 = tpu.memref_slice %arg2[%dma_wait3A_1247, %dma_wait3A_1248] : memref<64x1000001xf32, #tpu.memory_space<hbm>> -> memref<64x128xf32, #tpu.memory_space<hbm>>
      tpu.wait_dma2 semaphore(%arg8 : memref<!tpu.dma_semaphore, #tpu.memory_space<semaphore_mem>>) src(%dma_wait3A_1249 : memref<64x128xf32, #tpu.memory_space<hbm>>) dst(%dma_wait3A_1246 : memref<64x128xf32, #tpu.memory_space<vmem>>)
      %dma_wait3A_1250 = arith.constant 0 : i32
      %dma_wait3A_1251 = arith.constant 768 : i32
      %dma_wait3A_1252 = tpu.memref_slice %arg6[%dma_wait3A_1250, %dma_wait3A_1251] : memref<64x1024xf32, #tpu.memory_space<vmem>> -> memref<64x128xf32, #tpu.memory_space<vmem>>
      %dma_wait3A_1253 = arith.constant 0 : i32
      %dma_wait3A_1254 = arith.constant 0 : i32
      %dma_wait3A_1255 = tpu.memref_slice %arg2[%dma_wait3A_1253, %dma_wait3A_1254] : memref<64x1000001xf32, #tpu.memory_space<hbm>> -> memref<64x128xf32, #tpu.memory_space<hbm>>
      %dma_wait3A_1256 = arith.constant 0 : i32
      %dma_wait3A_1257 = arith.constant 768 : i32
      %dma_wait3A_1258 = tpu.memref_slice %arg6[%dma_wait3A_1256, %dma_wait3A_1257] : memref<64x1024xf32, #tpu.memory_space<vmem>> -> memref<64x128xf32, #tpu.memory_space<vmem>>
      %dma_wait3A_1259 = arith.constant 0 : i32
      %dma_wait3A_1260 = arith.constant 0 : i32
      %dma_wait3A_1261 = tpu.memref_slice %arg2[%dma_wait3A_1259, %dma_wait3A_1260] : memref<64x1000001xf32, #tpu.memory_space<hbm>> -> memref<64x128xf32, #tpu.memory_space<hbm>>
      tpu.wait_dma2 semaphore(%arg8 : memref<!tpu.dma_semaphore, #tpu.memory_space<semaphore_mem>>) src(%dma_wait3A_1261 : memref<64x128xf32, #tpu.memory_space<hbm>>) dst(%dma_wait3A_1258 : memref<64x128xf32, #tpu.memory_space<vmem>>)
      %dma_wait3A_1262 = arith.constant 0 : i32
      %dma_wait3A_1263 = arith.constant 896 : i32
      %dma_wait3A_1264 = tpu.memref_slice %arg6[%dma_wait3A_1262, %dma_wait3A_1263] : memref<64x1024xf32, #tpu.memory_space<vmem>> -> memref<64x128xf32, #tpu.memory_space<vmem>>
      %dma_wait3A_1265 = arith.constant 0 : i32
      %dma_wait3A_1266 = arith.constant 0 : i32
      %dma_wait3A_1267 = tpu.memref_slice %arg2[%dma_wait3A_1265, %dma_wait3A_1266] : memref<64x1000001xf32, #tpu.memory_space<hbm>> -> memref<64x128xf32, #tpu.memory_space<hbm>>
      %dma_wait3A_1268 = arith.constant 0 : i32
      %dma_wait3A_1269 = arith.constant 896 : i32
      %dma_wait3A_1270 = tpu.memref_slice %arg6[%dma_wait3A_1268, %dma_wait3A_1269] : memref<64x1024xf32, #tpu.memory_space<vmem>> -> memref<64x128xf32, #tpu.memory_space<vmem>>
      %dma_wait3A_1271 = arith.constant 0 : i32
      %dma_wait3A_1272 = arith.constant 0 : i32
      %dma_wait3A_1273 = tpu.memref_slice %arg2[%dma_wait3A_1271, %dma_wait3A_1272] : memref<64x1000001xf32, #tpu.memory_space<hbm>> -> memref<64x128xf32, #tpu.memory_space<hbm>>
      tpu.wait_dma2 semaphore(%arg8 : memref<!tpu.dma_semaphore, #tpu.memory_space<semaphore_mem>>) src(%dma_wait3A_1273 : memref<64x128xf32, #tpu.memory_space<hbm>>) dst(%dma_wait3A_1270 : memref<64x128xf32, #tpu.memory_space<vmem>>)
      %slice3A_1274 = vector.extract_strided_slice %get3A_11 {offsets = [8], sizes = [1], strides = [1]} : vector<16xi32> to vector<1xi32>
      %squeeze3A_1275 = vector.extract %slice3A_1274[0] : i32 from vector<1xi32>
      %jit3A_1276 = arith.constant 128 : i32
      %eq3A_1277 = arith.constant 0 : i32
      %eq3A_1278 = arith.cmpi eq, %jit3A_1276, %eq3A_1277 : i32
      %jit3A_1279 = arith.constant 1 : i32
      %select_n3A_1280 = arith.select %eq3A_1278, %jit3A_1279, %jit3A_1276 : i32
      %rem3A_1281 = arith.remsi %squeeze3A_1275, %select_n3A_1280 : i32
      %ne3A_1282 = arith.constant 0 : i32
      %ne3A_1283 = arith.cmpi ne, %rem3A_1281, %ne3A_1282 : i32
      %lt3A_1284 = arith.constant 0 : i32
      %lt3A_1285 = arith.cmpi slt, %rem3A_1281, %lt3A_1284 : i32
      %lt3A_1286 = arith.constant 0 : i32
      %lt3A_1287 = arith.cmpi slt, %select_n3A_1280, %lt3A_1286 : i32
      %ne3A_1288 = arith.xori %lt3A_1285, %lt3A_1287 : i1
      %and3A_1289 = arith.andi %ne3A_1288, %ne3A_1283 : i1
      %add3A_1290 = arith.addi %rem3A_1281, %select_n3A_1280 : i32
      %select_n3A_1291 = arith.select %and3A_1289, %add3A_1290, %rem3A_1281 : i32
      %mul3A_1292 = arith.constant 16 : i32
      %mul3A_1293 = arith.muli %scan3A_8, %mul3A_1292 : i32
      %add3A_1294 = arith.constant 8 : i32
      %add3A_1295 = arith.addi %mul3A_1293, %add3A_1294 : i32
      %iota3A_1296 = tpu.iota {dimensions = array<i32: 0>} : vector<16xi32>
      %add3A_1297 = arith.constant 0 : i32
      %add3A_1298 = vector.broadcast %add3A_1297 : i32 to vector<16xi32>
      %add3A_1299 = arith.addi %iota3A_1296, %add3A_1298 : vector<16xi32>
      %add3A_1300 = arith.constant 0 : i32
      %add3A_1301 = arith.addi %add3A_1300, %select_n3A_1291 : i32
      %broadcast_in_dim3A_1302 = vector.broadcast %add3A_1301 : i32 to vector<16xi32>
      %gather3A_1303 = tpu.vector_load_idx %arg6[%add3A_1299, %broadcast_in_dim3A_1302] : memref<64x1024xf32, #tpu.memory_space<vmem>>[vector<16xi32>, vector<16xi32>], vector<16xf32>,
      %broadcast_in_dim3A_1304 = vector.broadcast %add3A_1295 : i32 to vector<16xi32>
      tpu.vector_store_idx %arg7[%add3A_1299, %broadcast_in_dim3A_1304], %gather3A_1303 : memref<64x128xf32, #tpu.memory_space<vmem>>[vector<16xi32>, vector<16xi32>], vector<16xf32>,
      %iota3A_1305 = tpu.iota {dimensions = array<i32: 0>} : vector<16xi32>
      %add3A_1306 = arith.constant 16 : i32
      %add3A_1307 = vector.broadcast %add3A_1306 : i32 to vector<16xi32>
      %add3A_1308 = arith.addi %iota3A_1305, %add3A_1307 : vector<16xi32>
      %add3A_1309 = arith.constant 0 : i32
      %add3A_1310 = arith.addi %add3A_1309, %select_n3A_1291 : i32
      %broadcast_in_dim3A_1311 = vector.broadcast %add3A_1310 : i32 to vector<16xi32>
      %gather3A_1312 = tpu.vector_load_idx %arg6[%add3A_1308, %broadcast_in_dim3A_1311] : memref<64x1024xf32, #tpu.memory_space<vmem>>[vector<16xi32>, vector<16xi32>], vector<16xf32>,
      %broadcast_in_dim3A_1313 = vector.broadcast %add3A_1295 : i32 to vector<16xi32>
      tpu.vector_store_idx %arg7[%add3A_1308, %broadcast_in_dim3A_1313], %gather3A_1312 : memref<64x128xf32, #tpu.memory_space<vmem>>[vector<16xi32>, vector<16xi32>], vector<16xf32>,
      %iota3A_1314 = tpu.iota {dimensions = array<i32: 0>} : vector<16xi32>
      %add3A_1315 = arith.constant 32 : i32
      %add3A_1316 = vector.broadcast %add3A_1315 : i32 to vector<16xi32>
      %add3A_1317 = arith.addi %iota3A_1314, %add3A_1316 : vector<16xi32>
      %add3A_1318 = arith.constant 0 : i32
      %add3A_1319 = arith.addi %add3A_1318, %select_n3A_1291 : i32
      %broadcast_in_dim3A_1320 = vector.broadcast %add3A_1319 : i32 to vector<16xi32>
      %gather3A_1321 = tpu.vector_load_idx %arg6[%add3A_1317, %broadcast_in_dim3A_1320] : memref<64x1024xf32, #tpu.memory_space<vmem>>[vector<16xi32>, vector<16xi32>], vector<16xf32>,
      %broadcast_in_dim3A_1322 = vector.broadcast %add3A_1295 : i32 to vector<16xi32>
      tpu.vector_store_idx %arg7[%add3A_1317, %broadcast_in_dim3A_1322], %gather3A_1321 : memref<64x128xf32, #tpu.memory_space<vmem>>[vector<16xi32>, vector<16xi32>], vector<16xf32>,
      %iota3A_1323 = tpu.iota {dimensions = array<i32: 0>} : vector<16xi32>
      %add3A_1324 = arith.constant 48 : i32
      %add3A_1325 = vector.broadcast %add3A_1324 : i32 to vector<16xi32>
      %add3A_1326 = arith.addi %iota3A_1323, %add3A_1325 : vector<16xi32>
      %add3A_1327 = arith.constant 0 : i32
      %add3A_1328 = arith.addi %add3A_1327, %select_n3A_1291 : i32
      %broadcast_in_dim3A_1329 = vector.broadcast %add3A_1328 : i32 to vector<16xi32>
      %gather3A_1330 = tpu.vector_load_idx %arg6[%add3A_1326, %broadcast_in_dim3A_1329] : memref<64x1024xf32, #tpu.memory_space<vmem>>[vector<16xi32>, vector<16xi32>], vector<16xf32>,
      %broadcast_in_dim3A_1331 = vector.broadcast %add3A_1295 : i32 to vector<16xi32>
      tpu.vector_store_idx %arg7[%add3A_1326, %broadcast_in_dim3A_1331], %gather3A_1330 : memref<64x128xf32, #tpu.memory_space<vmem>>[vector<16xi32>, vector<16xi32>], vector<16xf32>,
      %slice3A_1332 = vector.extract_strided_slice %get3A_11 {offsets = [9], sizes = [1], strides = [1]} : vector<16xi32> to vector<1xi32>
      %squeeze3A_1333 = vector.extract %slice3A_1332[0] : i32 from vector<1xi32>
      %jit3A_1334 = arith.constant 128 : i32
      %eq3A_1335 = arith.constant 0 : i32
      %eq3A_1336 = arith.cmpi eq, %jit3A_1334, %eq3A_1335 : i32
      %jit3A_1337 = arith.constant 1 : i32
      %select_n3A_1338 = arith.select %eq3A_1336, %jit3A_1337, %jit3A_1334 : i32
      %rem3A_1339 = arith.remsi %squeeze3A_1333, %select_n3A_1338 : i32
      %ne3A_1340 = arith.constant 0 : i32
      %ne3A_1341 = arith.cmpi ne, %rem3A_1339, %ne3A_1340 : i32
      %lt3A_1342 = arith.constant 0 : i32
      %lt3A_1343 = arith.cmpi slt, %rem3A_1339, %lt3A_1342 : i32
      %lt3A_1344 = arith.constant 0 : i32
      %lt3A_1345 = arith.cmpi slt, %select_n3A_1338, %lt3A_1344 : i32
      %ne3A_1346 = arith.xori %lt3A_1343, %lt3A_1345 : i1
      %and3A_1347 = arith.andi %ne3A_1346, %ne3A_1341 : i1
      %add3A_1348 = arith.addi %rem3A_1339, %select_n3A_1338 : i32
      %select_n3A_1349 = arith.select %and3A_1347, %add3A_1348, %rem3A_1339 : i32
      %mul3A_1350 = arith.constant 16 : i32
      %mul3A_1351 = arith.muli %scan3A_8, %mul3A_1350 : i32
      %add3A_1352 = arith.constant 9 : i32
      %add3A_1353 = arith.addi %mul3A_1351, %add3A_1352 : i32
      %iota3A_1354 = tpu.iota {dimensions = array<i32: 0>} : vector<16xi32>
      %add3A_1355 = arith.constant 0 : i32
      %add3A_1356 = vector.broadcast %add3A_1355 : i32 to vector<16xi32>
      %add3A_1357 = arith.addi %iota3A_1354, %add3A_1356 : vector<16xi32>
      %add3A_1358 = arith.constant 128 : i32
      %add3A_1359 = arith.addi %add3A_1358, %select_n3A_1349 : i32
      %broadcast_in_dim3A_1360 = vector.broadcast %add3A_1359 : i32 to vector<16xi32>
      %gather3A_1361 = tpu.vector_load_idx %arg6[%add3A_1357, %broadcast_in_dim3A_1360] : memref<64x1024xf32, #tpu.memory_space<vmem>>[vector<16xi32>, vector<16xi32>], vector<16xf32>,
      %broadcast_in_dim3A_1362 = vector.broadcast %add3A_1353 : i32 to vector<16xi32>
      tpu.vector_store_idx %arg7[%add3A_1357, %broadcast_in_dim3A_1362], %gather3A_1361 : memref<64x128xf32, #tpu.memory_space<vmem>>[vector<16xi32>, vector<16xi32>], vector<16xf32>,
      %iota3A_1363 = tpu.iota {dimensions = array<i32: 0>} : vector<16xi32>
      %add3A_1364 = arith.constant 16 : i32
      %add3A_1365 = vector.broadcast %add3A_1364 : i32 to vector<16xi32>
      %add3A_1366 = arith.addi %iota3A_1363, %add3A_1365 : vector<16xi32>
      %add3A_1367 = arith.constant 128 : i32
      %add3A_1368 = arith.addi %add3A_1367, %select_n3A_1349 : i32
      %broadcast_in_dim3A_1369 = vector.broadcast %add3A_1368 : i32 to vector<16xi32>
      %gather3A_1370 = tpu.vector_load_idx %arg6[%add3A_1366, %broadcast_in_dim3A_1369] : memref<64x1024xf32, #tpu.memory_space<vmem>>[vector<16xi32>, vector<16xi32>], vector<16xf32>,
      %broadcast_in_dim3A_1371 = vector.broadcast %add3A_1353 : i32 to vector<16xi32>
      tpu.vector_store_idx %arg7[%add3A_1366, %broadcast_in_dim3A_1371], %gather3A_1370 : memref<64x128xf32, #tpu.memory_space<vmem>>[vector<16xi32>, vector<16xi32>], vector<16xf32>,
      %iota3A_1372 = tpu.iota {dimensions = array<i32: 0>} : vector<16xi32>
      %add3A_1373 = arith.constant 32 : i32
      %add3A_1374 = vector.broadcast %add3A_1373 : i32 to vector<16xi32>
      %add3A_1375 = arith.addi %iota3A_1372, %add3A_1374 : vector<16xi32>
      %add3A_1376 = arith.constant 128 : i32
      %add3A_1377 = arith.addi %add3A_1376, %select_n3A_1349 : i32
      %broadcast_in_dim3A_1378 = vector.broadcast %add3A_1377 : i32 to vector<16xi32>
      %gather3A_1379 = tpu.vector_load_idx %arg6[%add3A_1375, %broadcast_in_dim3A_1378] : memref<64x1024xf32, #tpu.memory_space<vmem>>[vector<16xi32>, vector<16xi32>], vector<16xf32>,
      %broadcast_in_dim3A_1380 = vector.broadcast %add3A_1353 : i32 to vector<16xi32>
      tpu.vector_store_idx %arg7[%add3A_1375, %broadcast_in_dim3A_1380], %gather3A_1379 : memref<64x128xf32, #tpu.memory_space<vmem>>[vector<16xi32>, vector<16xi32>], vector<16xf32>,
      %iota3A_1381 = tpu.iota {dimensions = array<i32: 0>} : vector<16xi32>
      %add3A_1382 = arith.constant 48 : i32
      %add3A_1383 = vector.broadcast %add3A_1382 : i32 to vector<16xi32>
      %add3A_1384 = arith.addi %iota3A_1381, %add3A_1383 : vector<16xi32>
      %add3A_1385 = arith.constant 128 : i32
      %add3A_1386 = arith.addi %add3A_1385, %select_n3A_1349 : i32
      %broadcast_in_dim3A_1387 = vector.broadcast %add3A_1386 : i32 to vector<16xi32>
      %gather3A_1388 = tpu.vector_load_idx %arg6[%add3A_1384, %broadcast_in_dim3A_1387] : memref<64x1024xf32, #tpu.memory_space<vmem>>[vector<16xi32>, vector<16xi32>], vector<16xf32>,
      %broadcast_in_dim3A_1389 = vector.broadcast %add3A_1353 : i32 to vector<16xi32>
      tpu.vector_store_idx %arg7[%add3A_1384, %broadcast_in_dim3A_1389], %gather3A_1388 : memref<64x128xf32, #tpu.memory_space<vmem>>[vector<16xi32>, vector<16xi32>], vector<16xf32>,
      %slice3A_1390 = vector.extract_strided_slice %get3A_11 {offsets = [10], sizes = [1], strides = [1]} : vector<16xi32> to vector<1xi32>
      %squeeze3A_1391 = vector.extract %slice3A_1390[0] : i32 from vector<1xi32>
      %jit3A_1392 = arith.constant 128 : i32
      %eq3A_1393 = arith.constant 0 : i32
      %eq3A_1394 = arith.cmpi eq, %jit3A_1392, %eq3A_1393 : i32
      %jit3A_1395 = arith.constant 1 : i32
      %select_n3A_1396 = arith.select %eq3A_1394, %jit3A_1395, %jit3A_1392 : i32
      %rem3A_1397 = arith.remsi %squeeze3A_1391, %select_n3A_1396 : i32
      %ne3A_1398 = arith.constant 0 : i32
      %ne3A_1399 = arith.cmpi ne, %rem3A_1397, %ne3A_1398 : i32
      %lt3A_1400 = arith.constant 0 : i32
      %lt3A_1401 = arith.cmpi slt, %rem3A_1397, %lt3A_1400 : i32
      %lt3A_1402 = arith.constant 0 : i32
      %lt3A_1403 = arith.cmpi slt, %select_n3A_1396, %lt3A_1402 : i32
      %ne3A_1404 = arith.xori %lt3A_1401, %lt3A_1403 : i1
      %and3A_1405 = arith.andi %ne3A_1404, %ne3A_1399 : i1
      %add3A_1406 = arith.addi %rem3A_1397, %select_n3A_1396 : i32
      %select_n3A_1407 = arith.select %and3A_1405, %add3A_1406, %rem3A_1397 : i32
      %mul3A_1408 = arith.constant 16 : i32
      %mul3A_1409 = arith.muli %scan3A_8, %mul3A_1408 : i32
      %add3A_1410 = arith.constant 10 : i32
      %add3A_1411 = arith.addi %mul3A_1409, %add3A_1410 : i32
      %iota3A_1412 = tpu.iota {dimensions = array<i32: 0>} : vector<16xi32>
      %add3A_1413 = arith.constant 0 : i32
      %add3A_1414 = vector.broadcast %add3A_1413 : i32 to vector<16xi32>
      %add3A_1415 = arith.addi %iota3A_1412, %add3A_1414 : vector<16xi32>
      %add3A_1416 = arith.constant 256 : i32
      %add3A_1417 = arith.addi %add3A_1416, %select_n3A_1407 : i32
      %broadcast_in_dim3A_1418 = vector.broadcast %add3A_1417 : i32 to vector<16xi32>
      %gather3A_1419 = tpu.vector_load_idx %arg6[%add3A_1415, %broadcast_in_dim3A_1418] : memref<64x1024xf32, #tpu.memory_space<vmem>>[vector<16xi32>, vector<16xi32>], vector<16xf32>,
      %broadcast_in_dim3A_1420 = vector.broadcast %add3A_1411 : i32 to vector<16xi32>
      tpu.vector_store_idx %arg7[%add3A_1415, %broadcast_in_dim3A_1420], %gather3A_1419 : memref<64x128xf32, #tpu.memory_space<vmem>>[vector<16xi32>, vector<16xi32>], vector<16xf32>,
      %iota3A_1421 = tpu.iota {dimensions = array<i32: 0>} : vector<16xi32>
      %add3A_1422 = arith.constant 16 : i32
      %add3A_1423 = vector.broadcast %add3A_1422 : i32 to vector<16xi32>
      %add3A_1424 = arith.addi %iota3A_1421, %add3A_1423 : vector<16xi32>
      %add3A_1425 = arith.constant 256 : i32
      %add3A_1426 = arith.addi %add3A_1425, %select_n3A_1407 : i32
      %broadcast_in_dim3A_1427 = vector.broadcast %add3A_1426 : i32 to vector<16xi32>
      %gather3A_1428 = tpu.vector_load_idx %arg6[%add3A_1424, %broadcast_in_dim3A_1427] : memref<64x1024xf32, #tpu.memory_space<vmem>>[vector<16xi32>, vector<16xi32>], vector<16xf32>,
      %broadcast_in_dim3A_1429 = vector.broadcast %add3A_1411 : i32 to vector<16xi32>
      tpu.vector_store_idx %arg7[%add3A_1424, %broadcast_in_dim3A_1429], %gather3A_1428 : memref<64x128xf32, #tpu.memory_space<vmem>>[vector<16xi32>, vector<16xi32>], vector<16xf32>,
      %iota3A_1430 = tpu.iota {dimensions = array<i32: 0>} : vector<16xi32>
      %add3A_1431 = arith.constant 32 : i32
      %add3A_1432 = vector.broadcast %add3A_1431 : i32 to vector<16xi32>
      %add3A_1433 = arith.addi %iota3A_1430, %add3A_1432 : vector<16xi32>
      %add3A_1434 = arith.constant 256 : i32
      %add3A_1435 = arith.addi %add3A_1434, %select_n3A_1407 : i32
      %broadcast_in_dim3A_1436 = vector.broadcast %add3A_1435 : i32 to vector<16xi32>
      %gather3A_1437 = tpu.vector_load_idx %arg6[%add3A_1433, %broadcast_in_dim3A_1436] : memref<64x1024xf32, #tpu.memory_space<vmem>>[vector<16xi32>, vector<16xi32>], vector<16xf32>,
      %broadcast_in_dim3A_1438 = vector.broadcast %add3A_1411 : i32 to vector<16xi32>
      tpu.vector_store_idx %arg7[%add3A_1433, %broadcast_in_dim3A_1438], %gather3A_1437 : memref<64x128xf32, #tpu.memory_space<vmem>>[vector<16xi32>, vector<16xi32>], vector<16xf32>,
      %iota3A_1439 = tpu.iota {dimensions = array<i32: 0>} : vector<16xi32>
      %add3A_1440 = arith.constant 48 : i32
      %add3A_1441 = vector.broadcast %add3A_1440 : i32 to vector<16xi32>
      %add3A_1442 = arith.addi %iota3A_1439, %add3A_1441 : vector<16xi32>
      %add3A_1443 = arith.constant 256 : i32
      %add3A_1444 = arith.addi %add3A_1443, %select_n3A_1407 : i32
      %broadcast_in_dim3A_1445 = vector.broadcast %add3A_1444 : i32 to vector<16xi32>
      %gather3A_1446 = tpu.vector_load_idx %arg6[%add3A_1442, %broadcast_in_dim3A_1445] : memref<64x1024xf32, #tpu.memory_space<vmem>>[vector<16xi32>, vector<16xi32>], vector<16xf32>,
      %broadcast_in_dim3A_1447 = vector.broadcast %add3A_1411 : i32 to vector<16xi32>
      tpu.vector_store_idx %arg7[%add3A_1442, %broadcast_in_dim3A_1447], %gather3A_1446 : memref<64x128xf32, #tpu.memory_space<vmem>>[vector<16xi32>, vector<16xi32>], vector<16xf32>,
      %slice3A_1448 = vector.extract_strided_slice %get3A_11 {offsets = [11], sizes = [1], strides = [1]} : vector<16xi32> to vector<1xi32>
      %squeeze3A_1449 = vector.extract %slice3A_1448[0] : i32 from vector<1xi32>
      %jit3A_1450 = arith.constant 128 : i32
      %eq3A_1451 = arith.constant 0 : i32
      %eq3A_1452 = arith.cmpi eq, %jit3A_1450, %eq3A_1451 : i32
      %jit3A_1453 = arith.constant 1 : i32
      %select_n3A_1454 = arith.select %eq3A_1452, %jit3A_1453, %jit3A_1450 : i32
      %rem3A_1455 = arith.remsi %squeeze3A_1449, %select_n3A_1454 : i32
      %ne3A_1456 = arith.constant 0 : i32
      %ne3A_1457 = arith.cmpi ne, %rem3A_1455, %ne3A_1456 : i32
      %lt3A_1458 = arith.constant 0 : i32
      %lt3A_1459 = arith.cmpi slt, %rem3A_1455, %lt3A_1458 : i32
      %lt3A_1460 = arith.constant 0 : i32
      %lt3A_1461 = arith.cmpi slt, %select_n3A_1454, %lt3A_1460 : i32
      %ne3A_1462 = arith.xori %lt3A_1459, %lt3A_1461 : i1
      %and3A_1463 = arith.andi %ne3A_1462, %ne3A_1457 : i1
      %add3A_1464 = arith.addi %rem3A_1455, %select_n3A_1454 : i32
      %select_n3A_1465 = arith.select %and3A_1463, %add3A_1464, %rem3A_1455 : i32
      %mul3A_1466 = arith.constant 16 : i32
      %mul3A_1467 = arith.muli %scan3A_8, %mul3A_1466 : i32
      %add3A_1468 = arith.constant 11 : i32
      %add3A_1469 = arith.addi %mul3A_1467, %add3A_1468 : i32
      %iota3A_1470 = tpu.iota {dimensions = array<i32: 0>} : vector<16xi32>
      %add3A_1471 = arith.constant 0 : i32
      %add3A_1472 = vector.broadcast %add3A_1471 : i32 to vector<16xi32>
      %add3A_1473 = arith.addi %iota3A_1470, %add3A_1472 : vector<16xi32>
      %add3A_1474 = arith.constant 384 : i32
      %add3A_1475 = arith.addi %add3A_1474, %select_n3A_1465 : i32
      %broadcast_in_dim3A_1476 = vector.broadcast %add3A_1475 : i32 to vector<16xi32>
      %gather3A_1477 = tpu.vector_load_idx %arg6[%add3A_1473, %broadcast_in_dim3A_1476] : memref<64x1024xf32, #tpu.memory_space<vmem>>[vector<16xi32>, vector<16xi32>], vector<16xf32>,
      %broadcast_in_dim3A_1478 = vector.broadcast %add3A_1469 : i32 to vector<16xi32>
      tpu.vector_store_idx %arg7[%add3A_1473, %broadcast_in_dim3A_1478], %gather3A_1477 : memref<64x128xf32, #tpu.memory_space<vmem>>[vector<16xi32>, vector<16xi32>], vector<16xf32>,
      %iota3A_1479 = tpu.iota {dimensions = array<i32: 0>} : vector<16xi32>
      %add3A_1480 = arith.constant 16 : i32
      %add3A_1481 = vector.broadcast %add3A_1480 : i32 to vector<16xi32>
      %add3A_1482 = arith.addi %iota3A_1479, %add3A_1481 : vector<16xi32>
      %add3A_1483 = arith.constant 384 : i32
      %add3A_1484 = arith.addi %add3A_1483, %select_n3A_1465 : i32
      %broadcast_in_dim3A_1485 = vector.broadcast %add3A_1484 : i32 to vector<16xi32>
      %gather3A_1486 = tpu.vector_load_idx %arg6[%add3A_1482, %broadcast_in_dim3A_1485] : memref<64x1024xf32, #tpu.memory_space<vmem>>[vector<16xi32>, vector<16xi32>], vector<16xf32>,
      %broadcast_in_dim3A_1487 = vector.broadcast %add3A_1469 : i32 to vector<16xi32>
      tpu.vector_store_idx %arg7[%add3A_1482, %broadcast_in_dim3A_1487], %gather3A_1486 : memref<64x128xf32, #tpu.memory_space<vmem>>[vector<16xi32>, vector<16xi32>], vector<16xf32>,
      %iota3A_1488 = tpu.iota {dimensions = array<i32: 0>} : vector<16xi32>
      %add3A_1489 = arith.constant 32 : i32
      %add3A_1490 = vector.broadcast %add3A_1489 : i32 to vector<16xi32>
      %add3A_1491 = arith.addi %iota3A_1488, %add3A_1490 : vector<16xi32>
      %add3A_1492 = arith.constant 384 : i32
      %add3A_1493 = arith.addi %add3A_1492, %select_n3A_1465 : i32
      %broadcast_in_dim3A_1494 = vector.broadcast %add3A_1493 : i32 to vector<16xi32>
      %gather3A_1495 = tpu.vector_load_idx %arg6[%add3A_1491, %broadcast_in_dim3A_1494] : memref<64x1024xf32, #tpu.memory_space<vmem>>[vector<16xi32>, vector<16xi32>], vector<16xf32>,
      %broadcast_in_dim3A_1496 = vector.broadcast %add3A_1469 : i32 to vector<16xi32>
      tpu.vector_store_idx %arg7[%add3A_1491, %broadcast_in_dim3A_1496], %gather3A_1495 : memref<64x128xf32, #tpu.memory_space<vmem>>[vector<16xi32>, vector<16xi32>], vector<16xf32>,
      %iota3A_1497 = tpu.iota {dimensions = array<i32: 0>} : vector<16xi32>
      %add3A_1498 = arith.constant 48 : i32
      %add3A_1499 = vector.broadcast %add3A_1498 : i32 to vector<16xi32>
      %add3A_1500 = arith.addi %iota3A_1497, %add3A_1499 : vector<16xi32>
      %add3A_1501 = arith.constant 384 : i32
      %add3A_1502 = arith.addi %add3A_1501, %select_n3A_1465 : i32
      %broadcast_in_dim3A_1503 = vector.broadcast %add3A_1502 : i32 to vector<16xi32>
      %gather3A_1504 = tpu.vector_load_idx %arg6[%add3A_1500, %broadcast_in_dim3A_1503] : memref<64x1024xf32, #tpu.memory_space<vmem>>[vector<16xi32>, vector<16xi32>], vector<16xf32>,
      %broadcast_in_dim3A_1505 = vector.broadcast %add3A_1469 : i32 to vector<16xi32>
      tpu.vector_store_idx %arg7[%add3A_1500, %broadcast_in_dim3A_1505], %gather3A_1504 : memref<64x128xf32, #tpu.memory_space<vmem>>[vector<16xi32>, vector<16xi32>], vector<16xf32>,
      %slice3A_1506 = vector.extract_strided_slice %get3A_11 {offsets = [12], sizes = [1], strides = [1]} : vector<16xi32> to vector<1xi32>
      %squeeze3A_1507 = vector.extract %slice3A_1506[0] : i32 from vector<1xi32>
      %jit3A_1508 = arith.constant 128 : i32
      %eq3A_1509 = arith.constant 0 : i32
      %eq3A_1510 = arith.cmpi eq, %jit3A_1508, %eq3A_1509 : i32
      %jit3A_1511 = arith.constant 1 : i32
      %select_n3A_1512 = arith.select %eq3A_1510, %jit3A_1511, %jit3A_1508 : i32
      %rem3A_1513 = arith.remsi %squeeze3A_1507, %select_n3A_1512 : i32
      %ne3A_1514 = arith.constant 0 : i32
      %ne3A_1515 = arith.cmpi ne, %rem3A_1513, %ne3A_1514 : i32
      %lt3A_1516 = arith.constant 0 : i32
      %lt3A_1517 = arith.cmpi slt, %rem3A_1513, %lt3A_1516 : i32
      %lt3A_1518 = arith.constant 0 : i32
      %lt3A_1519 = arith.cmpi slt, %select_n3A_1512, %lt3A_1518 : i32
      %ne3A_1520 = arith.xori %lt3A_1517, %lt3A_1519 : i1
      %and3A_1521 = arith.andi %ne3A_1520, %ne3A_1515 : i1
      %add3A_1522 = arith.addi %rem3A_1513, %select_n3A_1512 : i32
      %select_n3A_1523 = arith.select %and3A_1521, %add3A_1522, %rem3A_1513 : i32
      %mul3A_1524 = arith.constant 16 : i32
      %mul3A_1525 = arith.muli %scan3A_8, %mul3A_1524 : i32
      %add3A_1526 = arith.constant 12 : i32
      %add3A_1527 = arith.addi %mul3A_1525, %add3A_1526 : i32
      %iota3A_1528 = tpu.iota {dimensions = array<i32: 0>} : vector<16xi32>
      %add3A_1529 = arith.constant 0 : i32
      %add3A_1530 = vector.broadcast %add3A_1529 : i32 to vector<16xi32>
      %add3A_1531 = arith.addi %iota3A_1528, %add3A_1530 : vector<16xi32>
      %add3A_1532 = arith.constant 512 : i32
      %add3A_1533 = arith.addi %add3A_1532, %select_n3A_1523 : i32
      %broadcast_in_dim3A_1534 = vector.broadcast %add3A_1533 : i32 to vector<16xi32>
      %gather3A_1535 = tpu.vector_load_idx %arg6[%add3A_1531, %broadcast_in_dim3A_1534] : memref<64x1024xf32, #tpu.memory_space<vmem>>[vector<16xi32>, vector<16xi32>], vector<16xf32>,
      %broadcast_in_dim3A_1536 = vector.broadcast %add3A_1527 : i32 to vector<16xi32>
      tpu.vector_store_idx %arg7[%add3A_1531, %broadcast_in_dim3A_1536], %gather3A_1535 : memref<64x128xf32, #tpu.memory_space<vmem>>[vector<16xi32>, vector<16xi32>], vector<16xf32>,
      %iota3A_1537 = tpu.iota {dimensions = array<i32: 0>} : vector<16xi32>
      %add3A_1538 = arith.constant 16 : i32
      %add3A_1539 = vector.broadcast %add3A_1538 : i32 to vector<16xi32>
      %add3A_1540 = arith.addi %iota3A_1537, %add3A_1539 : vector<16xi32>
      %add3A_1541 = arith.constant 512 : i32
      %add3A_1542 = arith.addi %add3A_1541, %select_n3A_1523 : i32
      %broadcast_in_dim3A_1543 = vector.broadcast %add3A_1542 : i32 to vector<16xi32>
      %gather3A_1544 = tpu.vector_load_idx %arg6[%add3A_1540, %broadcast_in_dim3A_1543] : memref<64x1024xf32, #tpu.memory_space<vmem>>[vector<16xi32>, vector<16xi32>], vector<16xf32>,
      %broadcast_in_dim3A_1545 = vector.broadcast %add3A_1527 : i32 to vector<16xi32>
      tpu.vector_store_idx %arg7[%add3A_1540, %broadcast_in_dim3A_1545], %gather3A_1544 : memref<64x128xf32, #tpu.memory_space<vmem>>[vector<16xi32>, vector<16xi32>], vector<16xf32>,
      %iota3A_1546 = tpu.iota {dimensions = array<i32: 0>} : vector<16xi32>
      %add3A_1547 = arith.constant 32 : i32
      %add3A_1548 = vector.broadcast %add3A_1547 : i32 to vector<16xi32>
      %add3A_1549 = arith.addi %iota3A_1546, %add3A_1548 : vector<16xi32>
      %add3A_1550 = arith.constant 512 : i32
      %add3A_1551 = arith.addi %add3A_1550, %select_n3A_1523 : i32
      %broadcast_in_dim3A_1552 = vector.broadcast %add3A_1551 : i32 to vector<16xi32>
      %gather3A_1553 = tpu.vector_load_idx %arg6[%add3A_1549, %broadcast_in_dim3A_1552] : memref<64x1024xf32, #tpu.memory_space<vmem>>[vector<16xi32>, vector<16xi32>], vector<16xf32>,
      %broadcast_in_dim3A_1554 = vector.broadcast %add3A_1527 : i32 to vector<16xi32>
      tpu.vector_store_idx %arg7[%add3A_1549, %broadcast_in_dim3A_1554], %gather3A_1553 : memref<64x128xf32, #tpu.memory_space<vmem>>[vector<16xi32>, vector<16xi32>], vector<16xf32>,
      %iota3A_1555 = tpu.iota {dimensions = array<i32: 0>} : vector<16xi32>
      %add3A_1556 = arith.constant 48 : i32
      %add3A_1557 = vector.broadcast %add3A_1556 : i32 to vector<16xi32>
      %add3A_1558 = arith.addi %iota3A_1555, %add3A_1557 : vector<16xi32>
      %add3A_1559 = arith.constant 512 : i32
      %add3A_1560 = arith.addi %add3A_1559, %select_n3A_1523 : i32
      %broadcast_in_dim3A_1561 = vector.broadcast %add3A_1560 : i32 to vector<16xi32>
      %gather3A_1562 = tpu.vector_load_idx %arg6[%add3A_1558, %broadcast_in_dim3A_1561] : memref<64x1024xf32, #tpu.memory_space<vmem>>[vector<16xi32>, vector<16xi32>], vector<16xf32>,
      %broadcast_in_dim3A_1563 = vector.broadcast %add3A_1527 : i32 to vector<16xi32>
      tpu.vector_store_idx %arg7[%add3A_1558, %broadcast_in_dim3A_1563], %gather3A_1562 : memref<64x128xf32, #tpu.memory_space<vmem>>[vector<16xi32>, vector<16xi32>], vector<16xf32>,
      %slice3A_1564 = vector.extract_strided_slice %get3A_11 {offsets = [13], sizes = [1], strides = [1]} : vector<16xi32> to vector<1xi32>
      %squeeze3A_1565 = vector.extract %slice3A_1564[0] : i32 from vector<1xi32>
      %jit3A_1566 = arith.constant 128 : i32
      %eq3A_1567 = arith.constant 0 : i32
      %eq3A_1568 = arith.cmpi eq, %jit3A_1566, %eq3A_1567 : i32
      %jit3A_1569 = arith.constant 1 : i32
      %select_n3A_1570 = arith.select %eq3A_1568, %jit3A_1569, %jit3A_1566 : i32
      %rem3A_1571 = arith.remsi %squeeze3A_1565, %select_n3A_1570 : i32
      %ne3A_1572 = arith.constant 0 : i32
      %ne3A_1573 = arith.cmpi ne, %rem3A_1571, %ne3A_1572 : i32
      %lt3A_1574 = arith.constant 0 : i32
      %lt3A_1575 = arith.cmpi slt, %rem3A_1571, %lt3A_1574 : i32
      %lt3A_1576 = arith.constant 0 : i32
      %lt3A_1577 = arith.cmpi slt, %select_n3A_1570, %lt3A_1576 : i32
      %ne3A_1578 = arith.xori %lt3A_1575, %lt3A_1577 : i1
      %and3A_1579 = arith.andi %ne3A_1578, %ne3A_1573 : i1
      %add3A_1580 = arith.addi %rem3A_1571, %select_n3A_1570 : i32
      %select_n3A_1581 = arith.select %and3A_1579, %add3A_1580, %rem3A_1571 : i32
      %mul3A_1582 = arith.constant 16 : i32
      %mul3A_1583 = arith.muli %scan3A_8, %mul3A_1582 : i32
      %add3A_1584 = arith.constant 13 : i32
      %add3A_1585 = arith.addi %mul3A_1583, %add3A_1584 : i32
      %iota3A_1586 = tpu.iota {dimensions = array<i32: 0>} : vector<16xi32>
      %add3A_1587 = arith.constant 0 : i32
      %add3A_1588 = vector.broadcast %add3A_1587 : i32 to vector<16xi32>
      %add3A_1589 = arith.addi %iota3A_1586, %add3A_1588 : vector<16xi32>
      %add3A_1590 = arith.constant 640 : i32
      %add3A_1591 = arith.addi %add3A_1590, %select_n3A_1581 : i32
      %broadcast_in_dim3A_1592 = vector.broadcast %add3A_1591 : i32 to vector<16xi32>
      %gather3A_1593 = tpu.vector_load_idx %arg6[%add3A_1589, %broadcast_in_dim3A_1592] : memref<64x1024xf32, #tpu.memory_space<vmem>>[vector<16xi32>, vector<16xi32>], vector<16xf32>,
      %broadcast_in_dim3A_1594 = vector.broadcast %add3A_1585 : i32 to vector<16xi32>
      tpu.vector_store_idx %arg7[%add3A_1589, %broadcast_in_dim3A_1594], %gather3A_1593 : memref<64x128xf32, #tpu.memory_space<vmem>>[vector<16xi32>, vector<16xi32>], vector<16xf32>,
      %iota3A_1595 = tpu.iota {dimensions = array<i32: 0>} : vector<16xi32>
      %add3A_1596 = arith.constant 16 : i32
      %add3A_1597 = vector.broadcast %add3A_1596 : i32 to vector<16xi32>
      %add3A_1598 = arith.addi %iota3A_1595, %add3A_1597 : vector<16xi32>
      %add3A_1599 = arith.constant 640 : i32
      %add3A_1600 = arith.addi %add3A_1599, %select_n3A_1581 : i32
      %broadcast_in_dim3A_1601 = vector.broadcast %add3A_1600 : i32 to vector<16xi32>
      %gather3A_1602 = tpu.vector_load_idx %arg6[%add3A_1598, %broadcast_in_dim3A_1601] : memref<64x1024xf32, #tpu.memory_space<vmem>>[vector<16xi32>, vector<16xi32>], vector<16xf32>,
      %broadcast_in_dim3A_1603 = vector.broadcast %add3A_1585 : i32 to vector<16xi32>
      tpu.vector_store_idx %arg7[%add3A_1598, %broadcast_in_dim3A_1603], %gather3A_1602 : memref<64x128xf32, #tpu.memory_space<vmem>>[vector<16xi32>, vector<16xi32>], vector<16xf32>,
      %iota3A_1604 = tpu.iota {dimensions = array<i32: 0>} : vector<16xi32>
      %add3A_1605 = arith.constant 32 : i32
      %add3A_1606 = vector.broadcast %add3A_1605 : i32 to vector<16xi32>
      %add3A_1607 = arith.addi %iota3A_1604, %add3A_1606 : vector<16xi32>
      %add3A_1608 = arith.constant 640 : i32
      %add3A_1609 = arith.addi %add3A_1608, %select_n3A_1581 : i32
      %broadcast_in_dim3A_1610 = vector.broadcast %add3A_1609 : i32 to vector<16xi32>
      %gather3A_1611 = tpu.vector_load_idx %arg6[%add3A_1607, %broadcast_in_dim3A_1610] : memref<64x1024xf32, #tpu.memory_space<vmem>>[vector<16xi32>, vector<16xi32>], vector<16xf32>,
      %broadcast_in_dim3A_1612 = vector.broadcast %add3A_1585 : i32 to vector<16xi32>
      tpu.vector_store_idx %arg7[%add3A_1607, %broadcast_in_dim3A_1612], %gather3A_1611 : memref<64x128xf32, #tpu.memory_space<vmem>>[vector<16xi32>, vector<16xi32>], vector<16xf32>,
      %iota3A_1613 = tpu.iota {dimensions = array<i32: 0>} : vector<16xi32>
      %add3A_1614 = arith.constant 48 : i32
      %add3A_1615 = vector.broadcast %add3A_1614 : i32 to vector<16xi32>
      %add3A_1616 = arith.addi %iota3A_1613, %add3A_1615 : vector<16xi32>
      %add3A_1617 = arith.constant 640 : i32
      %add3A_1618 = arith.addi %add3A_1617, %select_n3A_1581 : i32
      %broadcast_in_dim3A_1619 = vector.broadcast %add3A_1618 : i32 to vector<16xi32>
      %gather3A_1620 = tpu.vector_load_idx %arg6[%add3A_1616, %broadcast_in_dim3A_1619] : memref<64x1024xf32, #tpu.memory_space<vmem>>[vector<16xi32>, vector<16xi32>], vector<16xf32>,
      %broadcast_in_dim3A_1621 = vector.broadcast %add3A_1585 : i32 to vector<16xi32>
      tpu.vector_store_idx %arg7[%add3A_1616, %broadcast_in_dim3A_1621], %gather3A_1620 : memref<64x128xf32, #tpu.memory_space<vmem>>[vector<16xi32>, vector<16xi32>], vector<16xf32>,
      %slice3A_1622 = vector.extract_strided_slice %get3A_11 {offsets = [14], sizes = [1], strides = [1]} : vector<16xi32> to vector<1xi32>
      %squeeze3A_1623 = vector.extract %slice3A_1622[0] : i32 from vector<1xi32>
      %jit3A_1624 = arith.constant 128 : i32
      %eq3A_1625 = arith.constant 0 : i32
      %eq3A_1626 = arith.cmpi eq, %jit3A_1624, %eq3A_1625 : i32
      %jit3A_1627 = arith.constant 1 : i32
      %select_n3A_1628 = arith.select %eq3A_1626, %jit3A_1627, %jit3A_1624 : i32
      %rem3A_1629 = arith.remsi %squeeze3A_1623, %select_n3A_1628 : i32
      %ne3A_1630 = arith.constant 0 : i32
      %ne3A_1631 = arith.cmpi ne, %rem3A_1629, %ne3A_1630 : i32
      %lt3A_1632 = arith.constant 0 : i32
      %lt3A_1633 = arith.cmpi slt, %rem3A_1629, %lt3A_1632 : i32
      %lt3A_1634 = arith.constant 0 : i32
      %lt3A_1635 = arith.cmpi slt, %select_n3A_1628, %lt3A_1634 : i32
      %ne3A_1636 = arith.xori %lt3A_1633, %lt3A_1635 : i1
      %and3A_1637 = arith.andi %ne3A_1636, %ne3A_1631 : i1
      %add3A_1638 = arith.addi %rem3A_1629, %select_n3A_1628 : i32
      %select_n3A_1639 = arith.select %and3A_1637, %add3A_1638, %rem3A_1629 : i32
      %mul3A_1640 = arith.constant 16 : i32
      %mul3A_1641 = arith.muli %scan3A_8, %mul3A_1640 : i32
      %add3A_1642 = arith.constant 14 : i32
      %add3A_1643 = arith.addi %mul3A_1641, %add3A_1642 : i32
      %iota3A_1644 = tpu.iota {dimensions = array<i32: 0>} : vector<16xi32>
      %add3A_1645 = arith.constant 0 : i32
      %add3A_1646 = vector.broadcast %add3A_1645 : i32 to vector<16xi32>
      %add3A_1647 = arith.addi %iota3A_1644, %add3A_1646 : vector<16xi32>
      %add3A_1648 = arith.constant 768 : i32
      %add3A_1649 = arith.addi %add3A_1648, %select_n3A_1639 : i32
      %broadcast_in_dim3A_1650 = vector.broadcast %add3A_1649 : i32 to vector<16xi32>
      %gather3A_1651 = tpu.vector_load_idx %arg6[%add3A_1647, %broadcast_in_dim3A_1650] : memref<64x1024xf32, #tpu.memory_space<vmem>>[vector<16xi32>, vector<16xi32>], vector<16xf32>,
      %broadcast_in_dim3A_1652 = vector.broadcast %add3A_1643 : i32 to vector<16xi32>
      tpu.vector_store_idx %arg7[%add3A_1647, %broadcast_in_dim3A_1652], %gather3A_1651 : memref<64x128xf32, #tpu.memory_space<vmem>>[vector<16xi32>, vector<16xi32>], vector<16xf32>,
      %iota3A_1653 = tpu.iota {dimensions = array<i32: 0>} : vector<16xi32>
      %add3A_1654 = arith.constant 16 : i32
      %add3A_1655 = vector.broadcast %add3A_1654 : i32 to vector<16xi32>
      %add3A_1656 = arith.addi %iota3A_1653, %add3A_1655 : vector<16xi32>
      %add3A_1657 = arith.constant 768 : i32
      %add3A_1658 = arith.addi %add3A_1657, %select_n3A_1639 : i32
      %broadcast_in_dim3A_1659 = vector.broadcast %add3A_1658 : i32 to vector<16xi32>
      %gather3A_1660 = tpu.vector_load_idx %arg6[%add3A_1656, %broadcast_in_dim3A_1659] : memref<64x1024xf32, #tpu.memory_space<vmem>>[vector<16xi32>, vector<16xi32>], vector<16xf32>,
      %broadcast_in_dim3A_1661 = vector.broadcast %add3A_1643 : i32 to vector<16xi32>
      tpu.vector_store_idx %arg7[%add3A_1656, %broadcast_in_dim3A_1661], %gather3A_1660 : memref<64x128xf32, #tpu.memory_space<vmem>>[vector<16xi32>, vector<16xi32>], vector<16xf32>,
      %iota3A_1662 = tpu.iota {dimensions = array<i32: 0>} : vector<16xi32>
      %add3A_1663 = arith.constant 32 : i32
      %add3A_1664 = vector.broadcast %add3A_1663 : i32 to vector<16xi32>
      %add3A_1665 = arith.addi %iota3A_1662, %add3A_1664 : vector<16xi32>
      %add3A_1666 = arith.constant 768 : i32
      %add3A_1667 = arith.addi %add3A_1666, %select_n3A_1639 : i32
      %broadcast_in_dim3A_1668 = vector.broadcast %add3A_1667 : i32 to vector<16xi32>
      %gather3A_1669 = tpu.vector_load_idx %arg6[%add3A_1665, %broadcast_in_dim3A_1668] : memref<64x1024xf32, #tpu.memory_space<vmem>>[vector<16xi32>, vector<16xi32>], vector<16xf32>,
      %broadcast_in_dim3A_1670 = vector.broadcast %add3A_1643 : i32 to vector<16xi32>
      tpu.vector_store_idx %arg7[%add3A_1665, %broadcast_in_dim3A_1670], %gather3A_1669 : memref<64x128xf32, #tpu.memory_space<vmem>>[vector<16xi32>, vector<16xi32>], vector<16xf32>,
      %iota3A_1671 = tpu.iota {dimensions = array<i32: 0>} : vector<16xi32>
      %add3A_1672 = arith.constant 48 : i32
      %add3A_1673 = vector.broadcast %add3A_1672 : i32 to vector<16xi32>
      %add3A_1674 = arith.addi %iota3A_1671, %add3A_1673 : vector<16xi32>
      %add3A_1675 = arith.constant 768 : i32
      %add3A_1676 = arith.addi %add3A_1675, %select_n3A_1639 : i32
      %broadcast_in_dim3A_1677 = vector.broadcast %add3A_1676 : i32 to vector<16xi32>
      %gather3A_1678 = tpu.vector_load_idx %arg6[%add3A_1674, %broadcast_in_dim3A_1677] : memref<64x1024xf32, #tpu.memory_space<vmem>>[vector<16xi32>, vector<16xi32>], vector<16xf32>,
      %broadcast_in_dim3A_1679 = vector.broadcast %add3A_1643 : i32 to vector<16xi32>
      tpu.vector_store_idx %arg7[%add3A_1674, %broadcast_in_dim3A_1679], %gather3A_1678 : memref<64x128xf32, #tpu.memory_space<vmem>>[vector<16xi32>, vector<16xi32>], vector<16xf32>,
      %slice3A_1680 = vector.extract_strided_slice %get3A_11 {offsets = [15], sizes = [1], strides = [1]} : vector<16xi32> to vector<1xi32>
      %squeeze3A_1681 = vector.extract %slice3A_1680[0] : i32 from vector<1xi32>
      %jit3A_1682 = arith.constant 128 : i32
      %eq3A_1683 = arith.constant 0 : i32
      %eq3A_1684 = arith.cmpi eq, %jit3A_1682, %eq3A_1683 : i32
      %jit3A_1685 = arith.constant 1 : i32
      %select_n3A_1686 = arith.select %eq3A_1684, %jit3A_1685, %jit3A_1682 : i32
      %rem3A_1687 = arith.remsi %squeeze3A_1681, %select_n3A_1686 : i32
      %ne3A_1688 = arith.constant 0 : i32
      %ne3A_1689 = arith.cmpi ne, %rem3A_1687, %ne3A_1688 : i32
      %lt3A_1690 = arith.constant 0 : i32
      %lt3A_1691 = arith.cmpi slt, %rem3A_1687, %lt3A_1690 : i32
      %lt3A_1692 = arith.constant 0 : i32
      %lt3A_1693 = arith.cmpi slt, %select_n3A_1686, %lt3A_1692 : i32
      %ne3A_1694 = arith.xori %lt3A_1691, %lt3A_1693 : i1
      %and3A_1695 = arith.andi %ne3A_1694, %ne3A_1689 : i1
      %add3A_1696 = arith.addi %rem3A_1687, %select_n3A_1686 : i32
      %select_n3A_1697 = arith.select %and3A_1695, %add3A_1696, %rem3A_1687 : i32
      %mul3A_1698 = arith.constant 16 : i32
      %mul3A_1699 = arith.muli %scan3A_8, %mul3A_1698 : i32
      %add3A_1700 = arith.constant 15 : i32
      %add3A_1701 = arith.addi %mul3A_1699, %add3A_1700 : i32
      %iota3A_1702 = tpu.iota {dimensions = array<i32: 0>} : vector<16xi32>
      %add3A_1703 = arith.constant 0 : i32
      %add3A_1704 = vector.broadcast %add3A_1703 : i32 to vector<16xi32>
      %add3A_1705 = arith.addi %iota3A_1702, %add3A_1704 : vector<16xi32>
      %add3A_1706 = arith.constant 896 : i32
      %add3A_1707 = arith.addi %add3A_1706, %select_n3A_1697 : i32
      %broadcast_in_dim3A_1708 = vector.broadcast %add3A_1707 : i32 to vector<16xi32>
      %gather3A_1709 = tpu.vector_load_idx %arg6[%add3A_1705, %broadcast_in_dim3A_1708] : memref<64x1024xf32, #tpu.memory_space<vmem>>[vector<16xi32>, vector<16xi32>], vector<16xf32>,
      %broadcast_in_dim3A_1710 = vector.broadcast %add3A_1701 : i32 to vector<16xi32>
      tpu.vector_store_idx %arg7[%add3A_1705, %broadcast_in_dim3A_1710], %gather3A_1709 : memref<64x128xf32, #tpu.memory_space<vmem>>[vector<16xi32>, vector<16xi32>], vector<16xf32>,
      %iota3A_1711 = tpu.iota {dimensions = array<i32: 0>} : vector<16xi32>
      %add3A_1712 = arith.constant 16 : i32
      %add3A_1713 = vector.broadcast %add3A_1712 : i32 to vector<16xi32>
      %add3A_1714 = arith.addi %iota3A_1711, %add3A_1713 : vector<16xi32>
      %add3A_1715 = arith.constant 896 : i32
      %add3A_1716 = arith.addi %add3A_1715, %select_n3A_1697 : i32
      %broadcast_in_dim3A_1717 = vector.broadcast %add3A_1716 : i32 to vector<16xi32>
      %gather3A_1718 = tpu.vector_load_idx %arg6[%add3A_1714, %broadcast_in_dim3A_1717] : memref<64x1024xf32, #tpu.memory_space<vmem>>[vector<16xi32>, vector<16xi32>], vector<16xf32>,
      %broadcast_in_dim3A_1719 = vector.broadcast %add3A_1701 : i32 to vector<16xi32>
      tpu.vector_store_idx %arg7[%add3A_1714, %broadcast_in_dim3A_1719], %gather3A_1718 : memref<64x128xf32, #tpu.memory_space<vmem>>[vector<16xi32>, vector<16xi32>], vector<16xf32>,
      %iota3A_1720 = tpu.iota {dimensions = array<i32: 0>} : vector<16xi32>
      %add3A_1721 = arith.constant 32 : i32
      %add3A_1722 = vector.broadcast %add3A_1721 : i32 to vector<16xi32>
      %add3A_1723 = arith.addi %iota3A_1720, %add3A_1722 : vector<16xi32>
      %add3A_1724 = arith.constant 896 : i32
      %add3A_1725 = arith.addi %add3A_1724, %select_n3A_1697 : i32
      %broadcast_in_dim3A_1726 = vector.broadcast %add3A_1725 : i32 to vector<16xi32>
      %gather3A_1727 = tpu.vector_load_idx %arg6[%add3A_1723, %broadcast_in_dim3A_1726] : memref<64x1024xf32, #tpu.memory_space<vmem>>[vector<16xi32>, vector<16xi32>], vector<16xf32>,
      %broadcast_in_dim3A_1728 = vector.broadcast %add3A_1701 : i32 to vector<16xi32>
      tpu.vector_store_idx %arg7[%add3A_1723, %broadcast_in_dim3A_1728], %gather3A_1727 : memref<64x128xf32, #tpu.memory_space<vmem>>[vector<16xi32>, vector<16xi32>], vector<16xf32>,
      %iota3A_1729 = tpu.iota {dimensions = array<i32: 0>} : vector<16xi32>
      %add3A_1730 = arith.constant 48 : i32
      %add3A_1731 = vector.broadcast %add3A_1730 : i32 to vector<16xi32>
      %add3A_1732 = arith.addi %iota3A_1729, %add3A_1731 : vector<16xi32>
      %add3A_1733 = arith.constant 896 : i32
      %add3A_1734 = arith.addi %add3A_1733, %select_n3A_1697 : i32
      %broadcast_in_dim3A_1735 = vector.broadcast %add3A_1734 : i32 to vector<16xi32>
      %gather3A_1736 = tpu.vector_load_idx %arg6[%add3A_1732, %broadcast_in_dim3A_1735] : memref<64x1024xf32, #tpu.memory_space<vmem>>[vector<16xi32>, vector<16xi32>], vector<16xf32>,
      %broadcast_in_dim3A_1737 = vector.broadcast %add3A_1701 : i32 to vector<16xi32>
      tpu.vector_store_idx %arg7[%add3A_1732, %broadcast_in_dim3A_1737], %gather3A_1736 : memref<64x128xf32, #tpu.memory_space<vmem>>[vector<16xi32>, vector<16xi32>], vector<16xf32>,
    }
    %scan3A_7 = arith.constant 8 : i32
    "tpu.region"() ({
      %run_scoped3A = tpu.sem_alloc : memref<!tpu.dma_semaphore, #tpu.memory_space<semaphore_mem>>
      %dma_start3A = arith.constant 0 : i32
      %dma_start3A_8 = tpu.memref_slice %arg4[%dma_start3A, %mul3A_2] : memref<64x4096xf32, #tpu.memory_space<hbm>> -> memref<64x128xf32, #tpu.memory_space<hbm>>
      %dma_start3A_9 = arith.constant 0 : i32
      %dma_start3A_10 = tpu.memref_slice %arg4[%dma_start3A_9, %mul3A_2] : memref<64x4096xf32, #tpu.memory_space<hbm>> -> memref<64x128xf32, #tpu.memory_space<hbm>>
      tpu.enqueue_dma source(%arg7 : memref<64x128xf32, #tpu.memory_space<vmem>>) target(%dma_start3A_10 : memref<64x128xf32, #tpu.memory_space<hbm>>) target_semaphore(%run_scoped3A : memref<!tpu.dma_semaphore, #tpu.memory_space<semaphore_mem>>)
      %dma_wait3A = arith.constant 0 : i32
      %dma_wait3A_11 = tpu.memref_slice %arg4[%dma_wait3A, %mul3A_2] : memref<64x4096xf32, #tpu.memory_space<hbm>> -> memref<64x128xf32, #tpu.memory_space<hbm>>
      %dma_wait3A_12 = arith.constant 0 : i32
      %dma_wait3A_13 = tpu.memref_slice %arg4[%dma_wait3A_12, %mul3A_2] : memref<64x4096xf32, #tpu.memory_space<hbm>> -> memref<64x128xf32, #tpu.memory_space<hbm>>
      tpu.wait_dma2 semaphore(%run_scoped3A : memref<!tpu.dma_semaphore, #tpu.memory_space<semaphore_mem>>) src(%arg7 : memref<64x128xf32, #tpu.memory_space<vmem>>) dst(%dma_wait3A_13 : memref<64x128xf32, #tpu.memory_space<hbm>>)
      tpu.yield
    }) : () -> ()
    return
  }
}

module attributes {stable_mosaic.version = 14 : i64} {
  func.func @body(%arg0: i32, %arg1: memref<216x64x4096xf32, #tpu.memory_space<any>>, %arg2: memref<64x4096xf32, #tpu.memory_space<vmem>>, %arg3: memref<8x64xf32, #tpu.memory_space<vmem>>, %arg4: memref<8x64x4096xf32, #tpu.memory_space<vmem>>) attributes {dimension_semantics = [#tpu.dimension_semantics<arbitrary>], iteration_bounds = array<i64: 2>, scalar_prefetch = 0 : i64, scratch_operands = 0 : i64, tpu.core_type = #tpu.core_type<tc>, window_params = [{}, {pipeline_mode = #tpu.pipeline_mode<synchronous>, transform_indices = @transform_1, window_bounds = array<i64: 64, 4096>}, {transform_indices = @transform_2, window_bounds = array<i64: 8, 64>}, {transform_indices = @transform_3, window_bounds = array<i64: 8, 64, 4096>}]} {
    %get3A = arith.constant 0 : index
    %get3A_0 = arith.constant 0 : index
    %get3A_1 = vector.load %arg3[%get3A, %get3A_0] : memref<8x64xf32, #tpu.memory_space<vmem>>, vector<8x64xf32>
    %broadcast_in_dim3A = vector.shape_cast %get3A_1 : vector<8x64xf32> to vector<8x64x1xf32>
    %get3A_2 = arith.constant 0 : index
    %get3A_3 = arith.constant 0 : index
    %get3A_4 = vector.load %arg2[%get3A_2, %get3A_3] : memref<64x4096xf32, #tpu.memory_space<vmem>>, vector<64x4096xf32>
    %broadcast_in_dim3A_5 = vector.shape_cast %get3A_4 : vector<64x4096xf32> to vector<1x64x4096xf32>
    %add3A = vector.broadcast %broadcast_in_dim3A : vector<8x64x1xf32> to vector<8x64x4096xf32>
    %add3A_6 = vector.broadcast %broadcast_in_dim3A_5 : vector<1x64x4096xf32> to vector<8x64x4096xf32>
    %add3A_7 = arith.addf %add3A, %add3A_6 : vector<8x64x4096xf32>
    %swap3A = arith.constant 0 : index
    %swap3A_8 = arith.constant 0 : index
    %swap3A_9 = arith.constant 0 : index
    %swap3A_10 = vector.load %arg4[%swap3A, %swap3A_8, %swap3A_9] : memref<8x64x4096xf32, #tpu.memory_space<vmem>>, vector<8x64x4096xf32>
    tpu.vector_store %arg4[%swap3A, %swap3A_8, %swap3A_9], %add3A_7 {strides = array<i32>} : memref<8x64x4096xf32, #tpu.memory_space<vmem>>, vector<8x64x4096xf32>,
    return
  }
  func.func @transform_1(%arg0: i32) -> (i32, i32) {
    %c0_i32 = arith.constant 0 : i32
    %c0_i32_0 = arith.constant 0 : i32
    %c0_i32_1 = arith.constant 0 : i32
    return %c0_i32, %c0_i32_0 : i32, i32
  }
  func.func @transform_2(%arg0: i32) -> (i32, i32) {
    %c0_i32 = arith.constant 0 : i32
    %c0_i32_0 = arith.constant 0 : i32
    return %arg0, %c0_i32 : i32, i32
  }
  func.func @transform_3(%arg0: i32) -> (i32, i32, i32) {
    %c0_i32 = arith.constant 0 : i32
    %c0_i32_0 = arith.constant 0 : i32
    %c0_i32_1 = arith.constant 0 : i32
    return %arg0, %c0_i32, %c0_i32_0 : i32, i32, i32
  }
}

module attributes {stable_mosaic.version = 14 : i64} {
  func.func @body(%arg0: i32, %arg1: memref<8x64x4096xf32, #tpu.memory_space<vmem>>, %arg2: memref<8x64x4096xf32, #tpu.memory_space<vmem>>) attributes {dimension_semantics = [#tpu.dimension_semantics<arbitrary>], iteration_bounds = array<i64: 25>, scalar_prefetch = 0 : i64, scratch_operands = 0 : i64, tpu.core_type = #tpu.core_type<tc>, window_params = [{transform_indices = @transform_0, window_bounds = array<i64: 8, 64, 4096>}, {transform_indices = @transform_1, window_bounds = array<i64: 8, 64, 4096>}]} {
    %get3A = arith.constant 0 : index
    %get3A_0 = arith.constant 0 : index
    %get3A_1 = arith.constant 0 : index
    %get3A_2 = vector.load %arg1[%get3A, %get3A_0, %get3A_1] : memref<8x64x4096xf32, #tpu.memory_space<vmem>>, vector<8x64x4096xf32>
    %swap3A = arith.constant 0 : index
    %swap3A_3 = arith.constant 0 : index
    %swap3A_4 = arith.constant 0 : index
    %swap3A_5 = vector.load %arg2[%swap3A, %swap3A_3, %swap3A_4] : memref<8x64x4096xf32, #tpu.memory_space<vmem>>, vector<8x64x4096xf32>
    tpu.vector_store %arg2[%swap3A, %swap3A_3, %swap3A_4], %get3A_2 {strides = array<i32>} : memref<8x64x4096xf32, #tpu.memory_space<vmem>>, vector<8x64x4096xf32>,
    return
  }
  func.func @transform_0(%arg0: i32) -> (i32, i32, i32) {
    %c0_i32 = arith.constant 0 : i32
    %c0_i32_0 = arith.constant 0 : i32
    %c0_i32_1 = arith.constant 0 : i32
    return %arg0, %c0_i32, %c0_i32_0 : i32, i32, i32
  }
  func.func @transform_1(%arg0: i32) -> (i32, i32, i32) {
    %add3A = arith.constant 2 : i32
    %add3A_0 = arith.addi %arg0, %add3A : i32
    %c0_i32 = arith.constant 0 : i32
    %c0_i32_1 = arith.constant 0 : i32
    %c0_i32_2 = arith.constant 0 : i32
    return %add3A_0, %c0_i32, %c0_i32_1 : i32, i32, i32
  }
}

</mosaic_0001>

<sc_bundles>
// kernel: kernel.5.cloned.1.call-start
scs
__scs_entry_jumppad:
0x0: {  	(pc) =	sbr.rel $0x88, $3  }
0x1: {  	(tag) =	ssettag $0x0;
	lr =	simm.s32 $0x1  }
0x2: {  	[smem:$0x3F9C] =	sst lr;
	_ =	strace $0xD0000000  }
0x3: {  	_ = 	snop  }
0x4: {  	_ = 	snop  }
0x5: {  	_ = 	snop  }
0x6: {  	_ = 	snop  }
0x7: {  	_ = 	snop  }
__scs_overlays_trampoline_lowered:
0x8: {  	[smem:$0x3FAB] =	sst s0  }
0x9: {  	[smem:$0x3FAC] =	sst s1  }
0xa: {  	[smem:$0x3FAD] =	sst s2  }
0xb: {  	[smem:$0x3FAE] =	sst s3  }
0xc: {  	[smem:$0x3FAF] =	sst s4  }
0xd: {  	[smem:$0x3FB0] =	sst s5  }
0xe: {  	[smem:$0x3FB1] =	sst s6  }
0xf: {  	[smem:$0x3FB2] =	sst s7  }
0x10: {  	[smem:$0x3FB3] =	sst s8  }
0x11: {  	[smem:$0x3FB4] =	sst s9;
	s0 =	simm.s32 @!p0 $0x0  }
0x12: {  	s1 =	sld [smem:$0x3F9A];
	s0 =	simm.s32 @p0 $0x1  }
0x13: {  	[smem:$0x3FB5] =	sst s0;
	s0 =	simm.s32 @!p1 $0x0  }
0x14: {  	s2 =	sld [smem:$0x3F99];
	s0 =	simm.s32 @p1 $0x1  }
0x15: {  	[smem:$0x3FB6] =	sst s0;
	s0 =	simm.s32 @!p2 $0x0  }
0x16: {  	s3 =	sld [smem:$0x3FDB];
	s0 =	simm.s32 @p2 $0x1  }
0x17: {  	s4 =	simm.s32 $0x1BF5;
	[smem:$0x3FB8] =	sst s0  }
0x18: {  	s0 =	sld [smem:$0x3F9B];
	_ =	swait.ge [sflag:s4], $0x0  }
0x19: {  	s7 =	sld [smem:$0x3F9C]  }
0x1a: {  	s8 =	sadd.s32 $0xFFFFE003, lr  }
0x1b: {  	s9 =	sadd.s32 $0xFFFFFEF7, lr;
	s5 =	simm.s32 $0xFFFFFFFF;
	p2 =	slt.u32 s8, $0xFFFFF086  }
0x1c: {  	p1 =	slt.u32 s9, $0xF7A;
	s5 =	simm.s32 @!p2 $0x0  }
0x1d: {  	s5 =	simm.s32 @p1 $0x1;
	p0 =	seq.s32 s7, s2  }
0x1e: {  	s7 =	smul.u32 @!p0 $0xF7A, s2;
	p2 =	seq.s32 @!p0 s5, $0x0  }
0x1f: {  	s9 =	smul.u32 $0xF7A, s1;
	s8 =	simm.s32 @!p0 $0x1BF5;
	p2 =	por !p2, p0  }
0x20: {  	[sflag:s8] =	ssyncset.s32 @!p0 $0xFFFFF086;
	s6 =	sadd.s32 @!p0 s3, s7;
	s7 =	simm.s32 @!p0 $0x108  }
0x21: {  	s3 =	sadd.s32 s3, s9;
	s6 =	sadd.s32 @!p0 $0x88, s6;
	s7 =	simm.s32 @p2 $0x1082  }
0x22: {  	[simem:s7], [sflag:s8] =	dma.local @!p0 [hbm:s6], $0xF7A  }
0x23: {  	s9 =	sor.u32 $0xD0000000, s2;
	s6 =	simm.s32 $0x108;
	_ =	swait.ge @!p0 [sflag:s8], $0x0  }
0x24: {  	s3 =	sadd.s32 $0x88, s3;
	s6 =	simm.s32 @!p1 $0x1082;
	[sflag:s4] =	ssyncset.s32 $0xFFFFF086  }
0x25: {  	[simem:s6], [sflag:s4] =	dma.local [hbm:s3], $0xF7A  }
0x26: {  	[smem:$0x3F9C] =	sst s1;
	(tag) =	ssettag s2;
	_ =	strace s9  }
0x27: {  	s1 =	sld [smem:$0x3FAC]  }
0x28: {  	s2 =	sld [smem:$0x3FAD]  }
0x29: {  	s4 =	sld [smem:$0x3FAF]  }
0x2a: {  	p0 =	seq.s32 s5, $0x0;
	s5 =	sld [smem:$0x3FB0]  }
0x2b: {  	s6 =	sld [smem:$0x3FB1]  }
0x2c: {  	s7 =	sld [smem:$0x3FB2]  }
0x2d: {  	s3 =	simm.s32 $0x108;
	s8 =	sld [smem:$0x3FB3]  }
0x2e: {  	s3 =	simm.s32 @!p0 $0x1082;
	s9 =	sld [smem:$0x3FB4]  }
0x2f: {  	lr =	sadd.s32 s0, s3;
	s0 =	sld [smem:$0x3FAB]  }
0x30: {  	s3 =	sld [smem:$0x3FAE]  }
0x31: {  	[smem:$0x3FB7] =	sst s10  }
0x32: {  	s10 =	sld [smem:$0x3FB5];
	_ =	sdelay $0x3  }
0x33: {  	p0 =	seq.s32 s10, $0x1;
	s10 =	sld [smem:$0x3FB7];
	_ =	sdelay $0x3  }
0x34: {  	[smem:$0x3FB7] =	sst s10  }
0x35: {  	s10 =	sld [smem:$0x3FB6];
	_ =	sdelay $0x3  }
0x36: {  	p1 =	seq.s32 s10, $0x1;
	s10 =	sld [smem:$0x3FB7];
	_ =	sdelay $0x3  }
0x37: {  	[smem:$0x3FB7] =	sst s10  }
0x38: {  	s10 =	sld [smem:$0x3FB8]  }
0x39: {  	_ = 	snop;
	(pc) =	sbr.ind lr, $3  }
0x3a: {  	_ = 	snop  }
0x3b: {  	_ = 	snop  }
0x3c: {  	p2 =	seq.s32 s10, $0x1;
	s10 =	sld [smem:$0x3FB7]  }
0x3d: {  	_ =	shalt  }
0x3e: {  	_ =	shalt  }
0x3f: {  	_ =	shalt  }
0x40: {  	_ =	shalt  }
0x41: {  	_ =	shalt  }
0x42: {  	_ =	shalt  }
0x43: {  	_ =	shalt  }
0x44: {  	_ =	shalt  }
0x45: {  	_ =	shalt  }
0x46: {  	_ =	shalt  }
0x47: {  	_ =	shalt  }
0x48: {  	_ =	shalt  }
0x49: {  	_ =	shalt  }
0x4a: {  	_ =	shalt  }
0x4b: {  	_ =	shalt  }
0x4c: {  	_ =	shalt  }
0x4d: {  	_ =	shalt  }
0x4e: {  	_ =	shalt  }
0x4f: {  	_ =	shalt  }
0x50: {  	_ =	shalt  }
0x51: {  	_ =	shalt  }
0x52: {  	_ =	shalt  }
0x53: {  	_ =	shalt  }
0x54: {  	_ =	shalt  }
0x55: {  	_ =	shalt  }
0x56: {  	_ =	shalt  }
0x57: {  	_ =	shalt  }
0x58: {  	_ =	shalt  }
0x59: {  	_ =	shalt  }
0x5a: {  	_ =	shalt  }
0x5b: {  	_ =	shalt  }
0x5c: {  	_ =	shalt  }
0x5d: {  	_ =	shalt  }
0x5e: {  	_ =	shalt  }
0x5f: {  	_ =	shalt  }
0x60: {  	_ =	shalt  }
0x61: {  	_ =	shalt  }
0x62: {  	_ =	shalt  }
0x63: {  	_ =	shalt  }
0x64: {  	_ =	shalt  }
0x65: {  	_ =	shalt  }
0x66: {  	_ =	shalt  }
0x67: {  	_ =	shalt  }
0x68: {  	_ =	shalt  }
0x69: {  	_ =	shalt  }
0x6a: {  	_ =	shalt  }
0x6b: {  	_ =	shalt  }
0x6c: {  	_ =	shalt  }
0x6d: {  	_ =	shalt  }
0x6e: {  	_ =	shalt  }
0x6f: {  	_ =	shalt  }
0x70: {  	_ =	shalt  }
0x71: {  	_ =	shalt  }
0x72: {  	_ =	shalt  }
0x73: {  	_ =	shalt  }
0x74: {  	_ =	shalt  }
0x75: {  	_ =	shalt  }
0x76: {  	_ =	shalt  }
0x77: {  	_ =	shalt  }
0x78: {  	_ =	shalt  }
0x79: {  	_ =	shalt  }
0x7a: {  	_ =	shalt  }
0x7b: {  	_ =	shalt  }
0x7c: {  	_ =	shalt  }
0x7d: {  	_ =	shalt  }
0x7e: {  	_ =	shalt  }
0x7f: {  	_ =	shalt  }
0x80: {  	_ =	shalt  }
0x81: {  	_ =	shalt  }
0x82: {  	_ =	shalt  }
0x83: {  	_ =	shalt  }
0x84: {  	_ =	shalt  }
0x85: {  	_ =	shalt  }
0x86: {  	_ =	shalt  }
0x87: {  	_ =	shalt  }
.Lfunc_end0:
.L_simem_size_0:
called_computation_lowered:
.L_overlay_start_0:
0x88: {  	s2 =	sld [smem:$0x3FD9]  }
0x89: {  	s3 =	sld [smem:$0x3FFE];
	_ =	sdelay $0x1  }
0x8a: {  	s1 =	srdreg.scid  }
0x8b: {  	s0 =	sand.u32 $0x1, s1  }
0x8c: {  	s17 =	sshll.u32 s0, $0xA;
	s2 =	sadd.s32 s3, s2  }
0x8d: {  	s2 =	sadd.s32 s2, s17  }
0x8e: {  	[smem:$0x3FC3] =	sst s2  }
0x8f: {  	_ = 	snop  }
0x90: {  	s2 =	sld [smem:$0x3FC7]  }
0x91: {  	s18 =	sld [smem:$0x3FC5];
	(tm) =	ssettm $0x1  }
0x92: {  	s4 =	sld [smem:$0x3FFB];
	_ =	sdelay $0x3  }
0x93: {  	_ =	strace s4  }
0x94: {  	s4 =	sld [smem:$0x3FFC];
	_ =	sdelay $0x3  }
0x95: {  	_ =	strace s4  }
0x96: {  	s4 =	sld [smem:$0x3FFD];
	_ =	sdelay $0x3  }
0x97: {  	_ =	strace s4  }
0x98: {  	_ =	strace $0x8FFFFFFF  }
0x99: {  	s19 =	sld [smem:$0x3FDB];
	_ =	sdelay $0x1  }
0x9a: {  	s5 =	simm.s32 $_scs_section_size  }
0x9b: {  	s6 =	simm.s32 $_size__tile_overlayer_lowered;
	s7 =	simm.s32 $_tile_overlayer_lowered  }
0x9c: {  	s22 =	simm.s32 $0x1BFF;
	s21 =	sshll.u32 s7, $0x1;
	s4 =	sadd.s32 s5, s19  }
0x9d: {  	s8 =	simm.s32 $0x0;
	s20 =	sshll.u32 s6, $0x1;
	s6 =	sadd.s32 s21, s4  }
0x9e: {  	[timem:s8], [sflag:s22] =	dma.local [hbm:s6], s20  }
0x9f: {  	_ =	swait.ge [sflag:s22], s20  }
0xa0: {  	s5 =	ssub.s32 $0x0, s20;
	[sflag:s22] =	ssyncset.done $0x0  }
0xa1: {  	[sflag:s22] =	ssyncadd.s32 s5;
	_ =	sdelay $0x1  }
0xa2: {  	s23 =	simm.s32 $0x1B8B  }
0xa3: {  	_ =	swait.ge [sflag:s23], $0x1  }
0xa4: {  	[sflag:s23] =	ssyncset.done $0x0  }
0xa5: {  	s25 =	simm.s32 $0x1B8E;
	s24 =	sld [smem:$0x3FFE];
	[sflag:s23] =	ssyncadd.s32 $0xFFFFFFFF  }
0xa6: {  	s26 =	simm.s32 $execute0_lowered;
	[smem:$0x3FD2] =	sst s25  }
0xa7: {  	s6 =	sshll.u32 s26, $0x1;
	_ =	strace $0x80000046;
	[dreg:$0x1] =	wrdreg $0xFFFFFFFF  }
0xa8: {  	s28 =	simm.s32 $_size_execute0_lowered;
	s4 =	sadd.s32 s4, s6;
	[dreg:$0x0] =	wrdreg $0x0  }
0xa9: {  	s6 =	sshll.u32 s28, $0x1;
	[dreg:$0x2] =	wrdreg s4  }
0xaa: {  	[dreg:$0x3] =	wrdreg s6  }
0xab: {  	[dreg:$0x4] =	wrdreg $0xC0  }
0xac: {  	_ =	task [dreg:s8], $0x5FFFF  }
0xad: {  	[dreg:$0x1] =	wrdreg $0xFFFFFFFF  }
0xae: {  	[dreg:$0x0] =	wrdreg $0x60  }
0xaf: {  	[dreg:$0x2] =	wrdreg s18  }
0xb0: {  	[dreg:$0x3] =	wrdreg s2  }
0xb1: {  	[dreg:$0x4] =	wrdreg s24  }
0xb2: {  	[dreg:$0x5] =	wrdreg $0x9  }
0xb3: {  	_ =	task.clear_ibuf [dreg:s8], $0x6FFFF;
	_ =	strace $0x90000046  }
0xb4: {  	s29 =	simm.s32 $0x9;
	_ =	strace $0x80000048  }
0xb5: {  	_ =	swait.ge [sflag:s29], $0x1  }
0xb6: {  	[sflag:s29] =	ssyncadd.s32 $0xFFFFFFFF  }
0xb7: {  	_ =	strace $0x90000048  }
0xb8: {  	_ =	sfence  }
0xb9: {  	s30 =	sld [smem:$0x0];
	_ =	sdelay $0x2  }
0xba: {  	s31 =	sshll.u32 s1, $0xD;
	s1 =	sshrl.u32 s1, $0x2  }
0xbb: {  	s3 =	sand.u32 $0x4000, s31;
	s1 =	sadd.s32 s1, s30  }
0xbc: {  	s0 =	sor.u32 s3, s0;
	s1 =	sshll.u32 s1, $0x11  }
0xbd: {  	s0 =	sor.u32 s1, s0  }
0xbe: {  	s0 =	sadd.s32 $0x8F2B, s0  }
0xbf: {  	[sflag:s0] =	ssyncadd.remote.s32 $0x1  }
0xc0: {  	_ =	sfence.sel $0xFFFF  }
0xc1: {  	[dreg:$0x0] =	wrdreg $0xFFFFFFFF;
	(pc) =	sbr.abs _section_cstart, $3  }
0xc2: {  	[dreg:$0x1] =	wrdreg $0xFFFFFFFF  }
0xc3: {  	_ =	task.clear_ibuf [dreg:s8], $0x2FFFF;
	_ =	strace $0x9FFFFFFF  }
0xc4: {  	(tm) =	ssettm $0x7FFFFFFF  }
0xc5: {  	_ =	shalt  }
tec
execute0_lowered:
.L_overlay_start_1:
0x0: {  	(tag) =	ssettag $0x1  }
0x1: {  	v0 =	vimm.s32 $0x2380  }
0x2: {  	vm14 =	vcmask $0x300;
	vm13 =	vcmask $0x704;
	vm12 =	vcmask $0xB08  }
0x3: {  	v1 =	vimm.s32 $0x6380;
	vm11 =	vcmask $0xF0C;
	vm10 =	vcmask $0x1310  }
0x4: {  	vm9 =	vcmask $0x1714;
	vm8 =	vcmask $0x1B18;
	vm7 =	vcmask $0x1F1C  }
0x5: {  	vm6 =	vcmask $0x2320;
	vm5 =	vcmask $0x2724;
	vm4 =	vcmask $0x2B28  }
0x6: {  	vm3 =	vcmask $0x2F2C;
	vm2 =	vcmask $0x3330;
	vm1 =	vcmask $0x3734  }
0x7: {  	vm0 =	vcmask $0x3B38;
	v4 =	vimm.s32 $0xA380;
	v5 =	vimm.s32 $0xE380  }
0x8: {  	v6 =	vimm.s32 $0x2780;
	v9 =	vimm.s32 $0x6780;
	v10 =	vimm.s32 $0xA780  }
0x9: {  	v11 =	vimm.s32 $0xE780;
	v12 =	vimm.s32 $0x2B80;
	v13 =	vimm.s32 $0x6B80  }
0xa: {  	v14 =	vimm.s32 $0xAB80;
	v15 =	vimm.s32 $0xEB80;
	v16 =	vimm.s32 $0x2F80  }
0xb: {  	v17 =	vimm.s32 $0x6F80;
	v18 =	vimm.s32 $0xAF80;
	v19 =	vimm.s32 $0xEF80  }
0xc: {  	v20 =	vimm.s32 $0x3380;
	v21 =	vimm.s32 $0x7380;
	v22 =	vimm.s32 $0xB380  }
0xd: {  	v23 =	vimm.s32 $0xF380;
	v24 =	vimm.s32 $0x3780;
	v25 =	vimm.s32 $0x7780  }
0xe: {  	v26 =	vimm.s32 $0xB780;
	v27 =	vimm.s32 $0xF780;
	v28 =	vimm.s32 $0x3B80  }
0xf: {  	v29 =	vimm.s32 $0x7B80;
	v30 =	vimm.s32 $0xBB80;
	v31 =	vimm.s32 $0xFB80  }
0x10: {  	v32 =	vimm.s32 $0x3F80;
	v33 =	vimm.s32 $0x7F80;
	v34 =	vimm.s32 $0xBF80  }
0x11: {  	v35 =	vimm.s32 $0xFF80;
	v0 =	vsel vm14, $0x0, v0;
	v1 =	vsel vm14, $0x4000, v1  }
0x12: {  	v4 =	vsel vm14, $0x8000, v4;
	v5 =	vsel vm14, $0xC000, v5;
	v6 =	vsel vm14, $0x400, v6  }
0x13: {  	v9 =	vsel vm14, $0x4400, v9;
	v10 =	vsel vm14, $0x8400, v10;
	v11 =	vsel vm14, $0xC400, v11  }
0x14: {  	v12 =	vsel vm14, $0x800, v12;
	v13 =	vsel vm14, $0x4800, v13;
	v14 =	vsel vm14, $0x8800, v14  }
0x15: {  	v15 =	vsel vm14, $0xC800, v15;
	v16 =	vsel vm14, $0xC00, v16;
	v17 =	vsel vm14, $0x4C00, v17  }
0x16: {  	v18 =	vsel vm14, $0x8C00, v18;
	v19 =	vsel vm14, $0xCC00, v19;
	v20 =	vsel vm14, $0x1000, v20  }
0x17: {  	v21 =	vsel vm14, $0x5000, v21;
	v22 =	vsel vm14, $0x9000, v22;
	v23 =	vsel vm14, $0xD000, v23  }
0x18: {  	v24 =	vsel vm14, $0x1400, v24;
	v25 =	vsel vm14, $0x5400, v25;
	v26 =	vsel vm14, $0x9400, v26  }
0x19: {  	v27 =	vsel vm14, $0xD400, v27;
	v28 =	vsel vm14, $0x1800, v28;
	v29 =	vsel vm14, $0x5800, v29  }
0x1a: {  	v30 =	vsel vm14, $0x9800, v30;
	v31 =	vsel vm14, $0xD800, v31;
	v32 =	vsel vm14, $0x1C00, v32  }
0x1b: {  	v33 =	vsel vm14, $0x5C00, v33;
	v34 =	vsel vm14, $0x9C00, v34;
	v35 =	vsel vm14, $0xDC00, v35  }
0x1c: {  	v0 =	vsel vm13, $0x80, v0;
	v1 =	vsel vm13, $0x4080, v1;
	v4 =	vsel vm13, $0x8080, v4  }
0x1d: {  	v5 =	vsel vm13, $0xC080, v5;
	v6 =	vsel vm13, $0x480, v6;
	v9 =	vsel vm13, $0x4480, v9  }
0x1e: {  	v10 =	vsel vm13, $0x8480, v10;
	v11 =	vsel vm13, $0xC480, v11;
	v12 =	vsel vm13, $0x880, v12  }
0x1f: {  	v13 =	vsel vm13, $0x4880, v13;
	v14 =	vsel vm13, $0x8880, v14;
	v15 =	vsel vm13, $0xC880, v15  }
0x20: {  	v16 =	vsel vm13, $0xC80, v16;
	v17 =	vsel vm13, $0x4C80, v17;
	v18 =	vsel vm13, $0x8C80, v18  }
0x21: {  	v19 =	vsel vm13, $0xCC80, v19;
	v20 =	vsel vm13, $0x1080, v20;
	v21 =	vsel vm13, $0x5080, v21  }
0x22: {  	v22 =	vsel vm13, $0x9080, v22;
	v23 =	vsel vm13, $0xD080, v23;
	v24 =	vsel vm13, $0x1480, v24  }
0x23: {  	v25 =	vsel vm13, $0x5480, v25;
	v26 =	vsel vm13, $0x9480, v26;
	v27 =	vsel vm13, $0xD480, v27  }
0x24: {  	v28 =	vsel vm13, $0x1880, v28;
	v29 =	vsel vm13, $0x5880, v29;
	v30 =	vsel vm13, $0x9880, v30  }
0x25: {  	v31 =	vsel vm13, $0xD880, v31;
	v32 =	vsel vm13, $0x1C80, v32;
	v33 =	vsel vm13, $0x5C80, v33  }
0x26: {  	v34 =	vsel vm13, $0x9C80, v34;
	v35 =	vsel vm13, $0xDC80, v35;
	v0 =	vsel vm12, $0x100, v0  }
0x27: {  	v1 =	vsel vm12, $0x4100, v1;
	v4 =	vsel vm12, $0x8100, v4;
	v5 =	vsel vm12, $0xC100, v5  }
0x28: {  	v6 =	vsel vm12, $0x500, v6;
	v9 =	vsel vm12, $0x4500, v9;
	v10 =	vsel vm12, $0x8500, v10  }
0x29: {  	v11 =	vsel vm12, $0xC500, v11;
	v12 =	vsel vm12, $0x900, v12;
	v13 =	vsel vm12, $0x4900, v13  }
0x2a: {  	v14 =	vsel vm12, $0x8900, v14;
	v15 =	vsel vm12, $0xC900, v15;
	v16 =	vsel vm12, $0xD00, v16  }
0x2b: {  	v17 =	vsel vm12, $0x4D00, v17;
	v18 =	vsel vm12, $0x8D00, v18;
	v19 =	vsel vm12, $0xCD00, v19  }
0x2c: {  	v20 =	vsel vm12, $0x1100, v20;
	v21 =	vsel vm12, $0x5100, v21;
	v22 =	vsel vm12, $0x9100, v22  }
0x2d: {  	v23 =	vsel vm12, $0xD100, v23;
	v24 =	vsel vm12, $0x1500, v24;
	v25 =	vsel vm12, $0x5500, v25  }
0x2e: {  	v26 =	vsel vm12, $0x9500, v26;
	v27 =	vsel vm12, $0xD500, v27;
	v28 =	vsel vm12, $0x1900, v28  }
0x2f: {  	v29 =	vsel vm12, $0x5900, v29;
	v30 =	vsel vm12, $0x9900, v30;
	v31 =	vsel vm12, $0xD900, v31  }
0x30: {  	v32 =	vsel vm12, $0x1D00, v32;
	v33 =	vsel vm12, $0x5D00, v33;
	v34 =	vsel vm12, $0x9D00, v34  }
0x31: {  	v35 =	vsel vm12, $0xDD00, v35;
	v0 =	vsel vm11, $0x180, v0;
	v1 =	vsel vm11, $0x4180, v1  }
0x32: {  	v4 =	vsel vm11, $0x8180, v4;
	v5 =	vsel vm11, $0xC180, v5;
	v6 =	vsel vm11, $0x580, v6  }
0x33: {  	v9 =	vsel vm11, $0x4580, v9;
	v10 =	vsel vm11, $0x8580, v10;
	v11 =	vsel vm11, $0xC580, v11  }
0x34: {  	v12 =	vsel vm11, $0x980, v12;
	v13 =	vsel vm11, $0x4980, v13;
	v14 =	vsel vm11, $0x8980, v14  }
0x35: {  	v15 =	vsel vm11, $0xC980, v15;
	v16 =	vsel vm11, $0xD80, v16;
	v17 =	vsel vm11, $0x4D80, v17  }
0x36: {  	v18 =	vsel vm11, $0x8D80, v18;
	v19 =	vsel vm11, $0xCD80, v19;
	v20 =	vsel vm11, $0x1180, v20  }
0x37: {  	v21 =	vsel vm11, $0x5180, v21;
	v22 =	vsel vm11, $0x9180, v22;
	v23 =	vsel vm11, $0xD180, v23  }
0x38: {  	v24 =	vsel vm11, $0x1580, v24;
	v25 =	vsel vm11, $0x5580, v25;
	v26 =	vsel vm11, $0x9580, v26  }
0x39: {  	v27 =	vsel vm11, $0xD580, v27;
	v28 =	vsel vm11, $0x1980, v28;
	v29 =	vsel vm11, $0x5980, v29  }
0x3a: {  	v30 =	vsel vm11, $0x9980, v30;
	v31 =	vsel vm11, $0xD980, v31;
	v32 =	vsel vm11, $0x1D80, v32  }
0x3b: {  	v33 =	vsel vm11, $0x5D80, v33;
	v34 =	vsel vm11, $0x9D80, v34;
	v35 =	vsel vm11, $0xDD80, v35  }
0x3c: {  	v0 =	vsel vm10, $0x200, v0;
	v1 =	vsel vm10, $0x4200, v1;
	v4 =	vsel vm10, $0x8200, v4  }
0x3d: {  	v5 =	vsel vm10, $0xC200, v5;
	v6 =	vsel vm10, $0x600, v6;
	v9 =	vsel vm10, $0x4600, v9  }
0x3e: {  	v10 =	vsel vm10, $0x8600, v10;
	v11 =	vsel vm10, $0xC600, v11;
	v12 =	vsel vm10, $0xA00, v12  }
0x3f: {  	v13 =	vsel vm10, $0x4A00, v13;
	v14 =	vsel vm10, $0x8A00, v14;
	v15 =	vsel vm10, $0xCA00, v15  }
0x40: {  	v16 =	vsel vm10, $0xE00, v16;
	v17 =	vsel vm10, $0x4E00, v17;
	v18 =	vsel vm10, $0x8E00, v18  }
0x41: {  	v19 =	vsel vm10, $0xCE00, v19;
	v20 =	vsel vm10, $0x1200, v20;
	v21 =	vsel vm10, $0x5200, v21  }
0x42: {  	v22 =	vsel vm10, $0x9200, v22;
	v23 =	vsel vm10, $0xD200, v23;
	v24 =	vsel vm10, $0x1600, v24  }
0x43: {  	v25 =	vsel vm10, $0x5600, v25;
	v26 =	vsel vm10, $0x9600, v26;
	v27 =	vsel vm10, $0xD600, v27  }
0x44: {  	v28 =	vsel vm10, $0x1A00, v28;
	v29 =	vsel vm10, $0x5A00, v29;
	v30 =	vsel vm10, $0x9A00, v30  }
0x45: {  	v31 =	vsel vm10, $0xDA00, v31;
	v32 =	vsel vm10, $0x1E00, v32;
	v33 =	vsel vm10, $0x5E00, v33  }
0x46: {  	v34 =	vsel vm10, $0x9E00, v34;
	v35 =	vsel vm10, $0xDE00, v35;
	v0 =	vsel vm9, $0x280, v0  }
0x47: {  	v1 =	vsel vm9, $0x4280, v1;
	v4 =	vsel vm9, $0x8280, v4;
	v5 =	vsel vm9, $0xC280, v5  }
0x48: {  	v6 =	vsel vm9, $0x680, v6;
	v9 =	vsel vm9, $0x4680, v9;
	v10 =	vsel vm9, $0x8680, v10  }
0x49: {  	v11 =	vsel vm9, $0xC680, v11;
	v12 =	vsel vm9, $0xA80, v12;
	v13 =	vsel vm9, $0x4A80, v13  }
0x4a: {  	v14 =	vsel vm9, $0x8A80, v14;
	v15 =	vsel vm9, $0xCA80, v15;
	v16 =	vsel vm9, $0xE80, v16  }
0x4b: {  	v17 =	vsel vm9, $0x4E80, v17;
	v18 =	vsel vm9, $0x8E80, v18;
	v19 =	vsel vm9, $0xCE80, v19  }
0x4c: {  	v20 =	vsel vm9, $0x1280, v20;
	v21 =	vsel vm9, $0x5280, v21;
	v22 =	vsel vm9, $0x9280, v22  }
0x4d: {  	v23 =	vsel vm9, $0xD280, v23;
	v24 =	vsel vm9, $0x1680, v24;
	v25 =	vsel vm9, $0x5680, v25  }
0x4e: {  	v26 =	vsel vm9, $0x9680, v26;
	v27 =	vsel vm9, $0xD680, v27;
	v28 =	vsel vm9, $0x1A80, v28  }
0x4f: {  	v29 =	vsel vm9, $0x5A80, v29;
	v30 =	vsel vm9, $0x9A80, v30;
	v31 =	vsel vm9, $0xDA80, v31  }
0x50: {  	v32 =	vsel vm9, $0x1E80, v32;
	v33 =	vsel vm9, $0x5E80, v33;
	v34 =	vsel vm9, $0x9E80, v34  }
0x51: {  	v35 =	vsel vm9, $0xDE80, v35;
	v0 =	vsel vm8, $0x300, v0;
	v1 =	vsel vm8, $0x4300, v1  }
0x52: {  	v4 =	vsel vm8, $0x8300, v4;
	v5 =	vsel vm8, $0xC300, v5;
	v6 =	vsel vm8, $0x700, v6  }
0x53: {  	v9 =	vsel vm8, $0x4700, v9;
	v10 =	vsel vm8, $0x8700, v10;
	v11 =	vsel vm8, $0xC700, v11  }
0x54: {  	v12 =	vsel vm8, $0xB00, v12;
	v13 =	vsel vm8, $0x4B00, v13;
	v14 =	vsel vm8, $0x8B00, v14  }
0x55: {  	v15 =	vsel vm8, $0xCB00, v15;
	v16 =	vsel vm8, $0xF00, v16;
	v17 =	vsel vm8, $0x4F00, v17  }
0x56: {  	v18 =	vsel vm8, $0x8F00, v18;
	v19 =	vsel vm8, $0xCF00, v19;
	v20 =	vsel vm8, $0x1300, v20  }
0x57: {  	v21 =	vsel vm8, $0x5300, v21;
	v22 =	vsel vm8, $0x9300, v22;
	v23 =	vsel vm8, $0xD300, v23  }
0x58: {  	v24 =	vsel vm8, $0x1700, v24;
	v25 =	vsel vm8, $0x5700, v25;
	v26 =	vsel vm8, $0x9700, v26  }
0x59: {  	v27 =	vsel vm8, $0xD700, v27;
	v28 =	vsel vm8, $0x1B00, v28;
	v29 =	vsel vm8, $0x5B00, v29  }
0x5a: {  	v30 =	vsel vm8, $0x9B00, v30;
	v31 =	vsel vm8, $0xDB00, v31;
	v32 =	vsel vm8, $0x1F00, v32  }
0x5b: {  	v33 =	vsel vm8, $0x5F00, v33;
	v34 =	vsel vm8, $0x9F00, v34;
	v35 =	vsel vm8, $0xDF00, v35  }
0x5c: {  	v0 =	vsel vm7, $0x380, v0;
	v1 =	vsel vm7, $0x4380, v1;
	v4 =	vsel vm7, $0x8380, v4  }
0x5d: {  	v5 =	vsel vm7, $0xC380, v5;
	v6 =	vsel vm7, $0x780, v6;
	v9 =	vsel vm7, $0x4780, v9  }
0x5e: {  	v10 =	vsel vm7, $0x8780, v10;
	v11 =	vsel vm7, $0xC780, v11;
	v12 =	vsel vm7, $0xB80, v12  }
0x5f: {  	v13 =	vsel vm7, $0x4B80, v13;
	v14 =	vsel vm7, $0x8B80, v14;
	v15 =	vsel vm7, $0xCB80, v15  }
0x60: {  	v16 =	vsel vm7, $0xF80, v16;
	v17 =	vsel vm7, $0x4F80, v17;
	v18 =	vsel vm7, $0x8F80, v18  }
0x61: {  	v19 =	vsel vm7, $0xCF80, v19;
	v20 =	vsel vm7, $0x1380, v20;
	v21 =	vsel vm7, $0x5380, v21  }
0x62: {  	v22 =	vsel vm7, $0x9380, v22;
	v23 =	vsel vm7, $0xD380, v23;
	v24 =	vsel vm7, $0x1780, v24  }
0x63: {  	v25 =	vsel vm7, $0x5780, v25;
	v26 =	vsel vm7, $0x9780, v26;
	v27 =	vsel vm7, $0xD780, v27  }
0x64: {  	v28 =	vsel vm7, $0x1B80, v28;
	v29 =	vsel vm7, $0x5B80, v29;
	v30 =	vsel vm7, $0x9B80, v30  }
0x65: {  	v31 =	vsel vm7, $0xDB80, v31;
	v32 =	vsel vm7, $0x1F80, v32;
	v33 =	vsel vm7, $0x5F80, v33  }
0x66: {  	v34 =	vsel vm7, $0x9F80, v34;
	v35 =	vsel vm7, $0xDF80, v35;
	v0 =	vsel vm6, $0x2000, v0  }
0x67: {  	v1 =	vsel vm6, $0x6000, v1;
	v4 =	vsel vm6, $0xA000, v4;
	v5 =	vsel vm6, $0xE000, v5  }
0x68: {  	v6 =	vsel vm6, $0x2400, v6;
	v9 =	vsel vm6, $0x6400, v9;
	v10 =	vsel vm6, $0xA400, v10  }
0x69: {  	v11 =	vsel vm6, $0xE400, v11;
	v12 =	vsel vm6, $0x2800, v12;
	v13 =	vsel vm6, $0x6800, v13  }
0x6a: {  	v14 =	vsel vm6, $0xA800, v14;
	v15 =	vsel vm6, $0xE800, v15;
	v16 =	vsel vm6, $0x2C00, v16  }
0x6b: {  	v17 =	vsel vm6, $0x6C00, v17;
	v18 =	vsel vm6, $0xAC00, v18;
	v19 =	vsel vm6, $0xEC00, v19  }
0x6c: {  	v20 =	vsel vm6, $0x3000, v20;
	v21 =	vsel vm6, $0x7000, v21;
	v22 =	vsel vm6, $0xB000, v22  }
0x6d: {  	v23 =	vsel vm6, $0xF000, v23;
	v24 =	vsel vm6, $0x3400, v24;
	v25 =	vsel vm6, $0x7400, v25  }
0x6e: {  	v26 =	vsel vm6, $0xB400, v26;
	v27 =	vsel vm6, $0xF400, v27;
	v28 =	vsel vm6, $0x3800, v28  }
0x6f: {  	v29 =	vsel vm6, $0x7800, v29;
	v30 =	vsel vm6, $0xB800, v30;
	v31 =	vsel vm6, $0xF800, v31  }
0x70: {  	v32 =	vsel vm6, $0x3C00, v32;
	v33 =	vsel vm6, $0x7C00, v33;
	v34 =	vsel vm6, $0xBC00, v34  }
0x71: {  	v35 =	vsel vm6, $0xFC00, v35;
	v0 =	vsel vm5, $0x2080, v0;
	v1 =	vsel vm5, $0x6080, v1  }
0x72: {  	v4 =	vsel vm5, $0xA080, v4;
	v5 =	vsel vm5, $0xE080, v5;
	v6 =	vsel vm5, $0x2480, v6  }
0x73: {  	v9 =	vsel vm5, $0x6480, v9;
	v10 =	vsel vm5, $0xA480, v10;
	v11 =	vsel vm5, $0xE480, v11  }
0x74: {  	v12 =	vsel vm5, $0x2880, v12;
	v13 =	vsel vm5, $0x6880, v13;
	v14 =	vsel vm5, $0xA880, v14  }
0x75: {  	v15 =	vsel vm5, $0xE880, v15;
	v16 =	vsel vm5, $0x2C80, v16;
	v17 =	vsel vm5, $0x6C80, v17  }
0x76: {  	v18 =	vsel vm5, $0xAC80, v18;
	v19 =	vsel vm5, $0xEC80, v19;
	v20 =	vsel vm5, $0x3080, v20  }
0x77: {  	v21 =	vsel vm5, $0x7080, v21;
	v22 =	vsel vm5, $0xB080, v22;
	v23 =	vsel vm5, $0xF080, v23  }
0x78: {  	v24 =	vsel vm5, $0x3480, v24;
	v25 =	vsel vm5, $0x7480, v25;
	v26 =	vsel vm5, $0xB480, v26  }
0x79: {  	v27 =	vsel vm5, $0xF480, v27;
	v28 =	vsel vm5, $0x3880, v28;
	v29 =	vsel vm5, $0x7880, v29  }
0x7a: {  	v30 =	vsel vm5, $0xB880, v30;
	v31 =	vsel vm5, $0xF880, v31;
	v32 =	vsel vm5, $0x3C80, v32  }
0x7b: {  	v33 =	vsel vm5, $0x7C80, v33;
	v34 =	vsel vm5, $0xBC80, v34;
	v35 =	vsel vm5, $0xFC80, v35  }
0x7c: {  	v0 =	vsel vm4, $0x2100, v0;
	v1 =	vsel vm4, $0x6100, v1;
	v4 =	vsel vm4, $0xA100, v4  }
0x7d: {  	v5 =	vsel vm4, $0xE100, v5;
	v6 =	vsel vm4, $0x2500, v6;
	v9 =	vsel vm4, $0x6500, v9  }
0x7e: {  	v10 =	vsel vm4, $0xA500, v10;
	v11 =	vsel vm4, $0xE500, v11;
	v12 =	vsel vm4, $0x2900, v12  }
0x7f: {  	v13 =	vsel vm4, $0x6900, v13;
	v14 =	vsel vm4, $0xA900, v14;
	v15 =	vsel vm4, $0xE900, v15  }
0x80: {  	v16 =	vsel vm4, $0x2D00, v16;
	v17 =	vsel vm4, $0x6D00, v17;
	v18 =	vsel vm4, $0xAD00, v18  }
0x81: {  	v19 =	vsel vm4, $0xED00, v19;
	v20 =	vsel vm4, $0x3100, v20;
	v21 =	vsel vm4, $0x7100, v21  }
0x82: {  	v22 =	vsel vm4, $0xB100, v22;
	v23 =	vsel vm4, $0xF100, v23;
	v24 =	vsel vm4, $0x3500, v24  }
0x83: {  	v25 =	vsel vm4, $0x7500, v25;
	v26 =	vsel vm4, $0xB500, v26;
	v27 =	vsel vm4, $0xF500, v27  }
0x84: {  	v28 =	vsel vm4, $0x3900, v28;
	v29 =	vsel vm4, $0x7900, v29;
	v30 =	vsel vm4, $0xB900, v30  }
0x85: {  	v31 =	vsel vm4, $0xF900, v31;
	v32 =	vsel vm4, $0x3D00, v32;
	v33 =	vsel vm4, $0x7D00, v33  }
0x86: {  	v34 =	vsel vm4, $0xBD00, v34;
	v35 =	vsel vm4, $0xFD00, v35;
	v0 =	vsel vm3, $0x2180, v0  }
0x87: {  	v1 =	vsel vm3, $0x6180, v1;
	v4 =	vsel vm3, $0xA180, v4;
	v5 =	vsel vm3, $0xE180, v5  }
0x88: {  	v6 =	vsel vm3, $0x2580, v6;
	v9 =	vsel vm3, $0x6580, v9;
	v10 =	vsel vm3, $0xA580, v10  }
0x89: {  	v11 =	vsel vm3, $0xE580, v11;
	v12 =	vsel vm3, $0x2980, v12;
	v13 =	vsel vm3, $0x6980, v13  }
0x8a: {  	v14 =	vsel vm3, $0xA980, v14;
	v15 =	vsel vm3, $0xE980, v15;
	v16 =	vsel vm3, $0x2D80, v16  }
0x8b: {  	v17 =	vsel vm3, $0x6D80, v17;
	v18 =	vsel vm3, $0xAD80, v18;
	v19 =	vsel vm3, $0xED80, v19  }
0x8c: {  	v20 =	vsel vm3, $0x3180, v20;
	v21 =	vsel vm3, $0x7180, v21;
	v22 =	vsel vm3, $0xB180, v22  }
0x8d: {  	v23 =	vsel vm3, $0xF180, v23;
	v24 =	vsel vm3, $0x3580, v24;
	v25 =	vsel vm3, $0x7580, v25  }
0x8e: {  	v26 =	vsel vm3, $0xB580, v26;
	v27 =	vsel vm3, $0xF580, v27;
	v28 =	vsel vm3, $0x3980, v28  }
0x8f: {  	v29 =	vsel vm3, $0x7980, v29;
	v30 =	vsel vm3, $0xB980, v30;
	v31 =	vsel vm3, $0xF980, v31  }
0x90: {  	v32 =	vsel vm3, $0x3D80, v32;
	v33 =	vsel vm3, $0x7D80, v33;
	v34 =	vsel vm3, $0xBD80, v34  }
0x91: {  	v35 =	vsel vm3, $0xFD80, v35;
	v0 =	vsel vm2, $0x2200, v0;
	v3 =	vsel vm2, $0x6200, v1  }
0x92: {  	v4 =	vsel vm2, $0xA200, v4;
	v7 =	vsel vm2, $0xE200, v5;
	v6 =	vsel vm2, $0x2600, v6  }
0x93: {  	v9 =	vsel vm2, $0x6600, v9;
	v10 =	vsel vm2, $0xA600, v10;
	v11 =	vsel vm2, $0xE600, v11  }
0x94: {  	v12 =	vsel vm2, $0x2A00, v12;
	v13 =	vsel vm2, $0x6A00, v13;
	v14 =	vsel vm2, $0xAA00, v14  }
0x95: {  	v15 =	vsel vm2, $0xEA00, v15;
	v16 =	vsel vm2, $0x2E00, v16;
	v17 =	vsel vm2, $0x6E00, v17  }
0x96: {  	v18 =	vsel vm2, $0xAE00, v18;
	v19 =	vsel vm2, $0xEE00, v19;
	v20 =	vsel vm2, $0x3200, v20  }
0x97: {  	v21 =	vsel vm2, $0x7200, v21;
	v22 =	vsel vm2, $0xB200, v22;
	v23 =	vsel vm2, $0xF200, v23  }
0x98: {  	v24 =	vsel vm2, $0x3600, v24;
	v25 =	vsel vm2, $0x7600, v25;
	v26 =	vsel vm2, $0xB600, v26  }
0x99: {  	v27 =	vsel vm2, $0xF600, v27;
	v28 =	vsel vm2, $0x3A00, v28;
	v29 =	vsel vm2, $0x7A00, v29  }
0x9a: {  	v30 =	vsel vm2, $0xBA00, v30;
	v31 =	vsel vm2, $0xFA00, v31;
	v32 =	vsel vm2, $0x3E00, v32  }
0x9b: {  	v33 =	vsel vm2, $0x7E00, v33;
	v34 =	vsel vm2, $0xBE00, v34;
	v35 =	vsel vm2, $0xFE00, v35  }
0x9c: {  	v2 =	vsel vm1, $0x2280, v0;
	v0 =	vlaneseq.u32;
	v4 =	vsel vm1, $0xA280, v4  }
0x9d: {  	v7 =	vsel vm1, $0xE280, v7;
	v8 =	vsel vm1, $0x2680, v6;
	v9 =	vsel vm1, $0x6680, v9  }
0x9e: {  	v10 =	vsel vm1, $0xA680, v10;
	v11 =	vsel vm1, $0xE680, v11;
	v12 =	vsel vm1, $0x2A80, v12  }
0x9f: {  	v13 =	vsel vm1, $0x6A80, v13;
	v14 =	vsel vm1, $0xAA80, v14;
	v15 =	vsel vm1, $0xEA80, v15  }
0xa0: {  	v16 =	vsel vm1, $0x2E80, v16;
	v17 =	vsel vm1, $0x6E80, v17;
	v18 =	vsel vm1, $0xAE80, v18  }
0xa1: {  	v19 =	vsel vm1, $0xEE80, v19;
	v20 =	vsel vm1, $0x3280, v20;
	v21 =	vsel vm1, $0x7280, v21  }
0xa2: {  	s0 =	rddreg [dreg:$0x0];
	v22 =	vsel vm1, $0xB280, v22;
	v23 =	vsel vm1, $0xF280, v23;
	v24 =	vsel vm1, $0x3680, v24  }
0xa3: {  	s1 =	rddreg [dreg:$0x1];
	v25 =	vsel vm1, $0x7680, v25;
	v26 =	vsel vm1, $0xB680, v26;
	v27 =	vsel vm1, $0xF680, v27  }
0xa4: {  	s2 =	rddreg [dreg:$0x2];
	s3 =	simm.s32 $0x0;
	s4 =	srdreg.scid;
	v28 =	vsel vm1, $0x3A80, v28;
	v29 =	vsel vm1, $0x7A80, v29;
	v30 =	vsel vm1, $0xBA80, v30  }
0xa5: {  	s5 =	stileid.u32;
	s8 =	simm.s32 $0x1;
	s9 =	simm.s32 $0x80;
	v31 =	vsel vm1, $0xFA80, v31;
	v32 =	vsel vm1, $0x3E80, v32;
	v33 =	vsel vm1, $0x7E80, v33  }
0xa6: {  	s12 =	simm.s32 $0x4080;
	s13 =	simm.s32 $0x8080;
	s14 =	simm.s32 $0xC080;
	v34 =	vsel vm1, $0xBE80, v34;
	v35 =	vsel vm1, $0xFE80, v35;
	v0 =	vmul.u32 $0x80, v0  }
0xa7: {  	s15 =	simm.s32 $0x480;
	s10 =	simm.s32 $0x2480;
	s16 =	simm.s32 $0x4480;
	v1 =	vsel vm0, $0x2300, v2;
	v2 =	vsel vm1, $0x6280, v3;
	v4 =	vsel vm0, $0xA300, v4  }
0xa8: {  	s11 =	simm.s32 $0x6480;
	s17 =	simm.s32 $0x8480;
	s18 =	simm.s32 $0xA480;
	v6 =	vsel vm0, $0xE300, v7;
	v8 =	vsel vm0, $0x2700, v8;
	v9 =	vsel vm0, $0x6700, v9  }
0xa9: {  	s28 =	simm.s32 $0x880;
	s29 =	simm.s32 $0x2880;
	s30 =	simm.s32 $0x4880;
	v10 =	vsel vm0, $0xA700, v10;
	v11 =	vsel vm0, $0xE700, v11;
	v12 =	vsel vm0, $0x2B00, v12  }
0xaa: {  	s31 =	simm.s32 $0x6880;
	s19 =	simm.s32 $0x10080;
	s20 =	simm.s32 $0x0;
	v13 =	vsel vm0, $0x6B00, v13;
	v14 =	vsel vm0, $0xAB00, v14;
	v15 =	vsel vm0, $0xEB00, v15  }
0xab: {  	[smem:$0x7FF] =	sst s3;
	s4 =	sand.u32 $0x1, s4;
	s5 =	sshll.u32 s5, $0x1;
	v16 =	vsel vm0, $0x2F00, v16;
	v17 =	vsel vm0, $0x6F00, v17;
	v18 =	vsel vm0, $0xAF00, v18  }
0xac: {  	_ =	strace $0x80000047;
	s5 =	sor.u32 s4, s5;
	s4 =	ssub.s32 $0x2, s4;
	v19 =	vsel vm0, $0xEF00, v19;
	v20 =	vsel vm0, $0x3300, v20;
	v21 =	vsel vm0, $0x7300, v21  }
0xad: {  	s6 =	sshll.u32 s5, $0x7;
	s7 =	sshrl.u32 s4, $0x1;
	s5 =	sshll.u32 s5, $0x4;
	v22 =	vsel vm0, $0xB300, v22;
	v23 =	vsel vm0, $0xF300, v23;
	v24 =	vsel vm0, $0x3700, v24  }
0xae: {  	s2 =	sadd.s32 s6, s2;
	s4 =	ssub.s32 s4, s7;
	s1 =	sadd.s32 s1, s5;
	v25 =	vsel vm0, $0x7700, v25;
	v26 =	vsel vm0, $0xB700, v26;
	v27 =	vsel vm0, $0xF700, v27  }
0xaf: {  	s5 =	simm.s32 $0x6080;
	s6 =	simm.s32 $0xA080;
	s7 =	simm.s32 $0xE080;
	v28 =	vsel vm0, $0x3B00, v28;
	v29 =	vsel vm0, $0x7B00, v29;
	v30 =	vsel vm0, $0xBB00, v30  }
0xb0: {  	[dreg:$0x4] =	wrdreg s1;
	s25 =	sadd.s32 $0xA00, s2;
	s26 =	smax.u32 s4, $0x1;
	v31 =	vsel vm0, $0xFB00, v31;
	v32 =	vsel vm0, $0x3F00, v32;
	v33 =	vsel vm0, $0x7F00, v33  }
0xb1: {  	s2 =	simm.s32 $0x2;
	s4 =	simm.s32 $0x2080;
	[dreg:$0x5] =	wrdreg s25;
	v34 =	vsel vm0, $0xBF00, v34;
	v35 =	vsel vm0, $0xFF00, v35;
	v2 =	vsel vm0, $0x6300, v2  }
0xb2: {  	[dreg:$0x6] =	wrdreg s26;
	s25 =	simm.s32 $0xC480;
	s26 =	simm.s32 $0xE480;
	v3 =	vor.u32 $0x800, v0;
	v5 =	vor.u32 $0x1000, v0;
	v7 =	vor.u32 $0x1800, v0  }
.LBB2_1:
0xb3: {  	[dreg:$0x7] =	wrdreg s20  }
0xb4: {  	s1 =	rddreg [dreg:$0x4]  }
0xb5: {  	[tilespmem:s3], [sflag:$0x2] =	stream.linear.gather [hbm4b:s1+s3], $0x80, $0x38;
	[tilespmem:$0x12080] =	vst v63  }
0xb6: {  	_ =	swait.ge [sflag:s2], $0x80  }
0xb7: {  	[sflag:s2] =	ssyncset.done $0x0  }
0xb8: {  	s20 =	simm.s32 $0xF;
	s21 =	simm.s32 $0x0;
	[sflag:s2] =	ssyncadd.s32 $0xFFFFFF80  }
.LBB2_2:
0xb9: {  	v36 =	vld [tilespmem:s21+$0x0];
	_ =	sdelay $0x4  }
0xba: {  	(v2sf) =	vpush v36, $0x0;
	_ =	sdelay $0xe  }
0xbb: {  	s22 =	spop (v2sf)  }
0xbc: {  	s1 =	sshra.s32 s22, $0x1F  }
0xbd: {  	s1 =	sshrl.u32 s1, $0x19  }
0xbe: {  	s1 =	sadd.s32 s1, s22  }
0xbf: {  	s2 =	sand.u32 $0xFFFFFF80, s1  }
0xc0: {  	p0 =	slt.s32 s22, $0x1;
	p1 =	sne.s32 s22, s2  }
0xc1: {  	p0 =	por !p0, !p1  }
0xc2: {  	s2 =	simm.s32 $0x1;
	p0 =	por !p0, !p0  }
0xc3: {  	s1 =	sshrl.u32 s1, $0x7;
	s2 =	simm.s32 @!p0 $0x0  }
0xc4: {  	(v2sf) =	vpush v36, $0x1;
	s1 =	ssub.s32 s1, s2  }
0xc5: {  	s1 =	sshll.u32 s1, $0x7  }
0xc6: {  	s1 =	sand.u32 $0x1FFFFF80, s1  }
0xc7: {  	s1 =	sadd.s32 s0, s1  }
0xc8: {  	[tilespmem:s9], [sflag:$0x1] =	stream.linear.gather [hbm4b:s1+s3], $0x400, $0x38;
	[tilespmem:$0x12080] =	vst v63  }
0xc9: {  	s24 =	sadd.s32 $0xF4280, s1  }
0xca: {  	[tilespmem:s4], [sflag:$0x1] =	stream.linear.gather [hbm4b:s24+s3], $0x400, $0x38;
	[tilespmem:$0x12080] =	vst v63  }
0xcb: {  	s4 =	sadd.s32 $0x1E8500, s1  }
0xcc: {  	[tilespmem:s12], [sflag:$0x1] =	stream.linear.gather [hbm4b:s4+s3], $0x400, $0x38;
	[tilespmem:$0x12080] =	vst v63  }
0xcd: {  	s12 =	sadd.s32 $0x2DC780, s1  }
0xce: {  	[tilespmem:s5], [sflag:$0x1] =	stream.linear.gather [hbm4b:s12+s3], $0x400, $0x38;
	[tilespmem:$0x12080] =	vst v63  }
0xcf: {  	s23 =	sadd.s32 $0x3D0A00, s1  }
0xd0: {  	[tilespmem:s13], [sflag:$0x1] =	stream.linear.gather [hbm4b:s23+s3], $0x400, $0x38;
	[tilespmem:$0x12080] =	vst v63  }
0xd1: {  	s24 =	sadd.s32 $0x4C4C80, s1  }
0xd2: {  	[tilespmem:s6], [sflag:$0x1] =	stream.linear.gather [hbm4b:s24+s3], $0x400, $0x38;
	[tilespmem:$0x12080] =	vst v63  }
0xd3: {  	s4 =	sadd.s32 $0x5B8F00, s1;
	s23 =	spop (v2sf)  }
0xd4: {  	[tilespmem:s14], [sflag:$0x1] =	stream.linear.gather [hbm4b:s4+s3], $0x400, $0x38;
	[tilespmem:$0x12080] =	vst v63  }
0xd5: {  	s1 =	sadd.s32 $0x6AD180, s1;
	s5 =	sshra.s32 s23, $0x1F  }
0xd6: {  	[tilespmem:s7], [sflag:$0x1] =	stream.linear.gather [hbm4b:s1+s3], $0x400, $0x38;
	[tilespmem:$0x12080] =	vst v63  }
0xd7: {  	s1 =	sshrl.u32 s5, $0x19  }
0xd8: {  	s1 =	sadd.s32 s1, s23  }
0xd9: {  	s24 =	sand.u32 $0xFFFFFF80, s1  }
0xda: {  	p1 =	slt.s32 s23, $0x1;
	p2 =	sne.s32 s23, s24  }
0xdb: {  	p0 =	por !p1, !p2  }
0xdc: {  	s2 =	simm.s32 $0x1;
	p0 =	por !p0, !p0  }
0xdd: {  	s1 =	sshrl.u32 s1, $0x7;
	s2 =	simm.s32 @!p0 $0x0  }
0xde: {  	s1 =	ssub.s32 s1, s2  }
0xdf: {  	s1 =	sshll.u32 s1, $0x7  }
0xe0: {  	(v2sf) =	vpush v36, $0x2;
	s1 =	sand.u32 $0x1FFFFF80, s1  }
0xe1: {  	s1 =	sadd.s32 s0, s1  }
0xe2: {  	[tilespmem:s15], [sflag:$0x1] =	stream.linear.gather [hbm4b:s1+s3], $0x400, $0x38;
	[tilespmem:$0x12080] =	vst v63  }
0xe3: {  	s6 =	sadd.s32 $0xF4280, s1  }
0xe4: {  	[tilespmem:s10], [sflag:$0x1] =	stream.linear.gather [hbm4b:s6+s3], $0x400, $0x38;
	[tilespmem:$0x12080] =	vst v63  }
0xe5: {  	s7 =	sadd.s32 $0x1E8500, s1  }
0xe6: {  	[tilespmem:s16], [sflag:$0x1] =	stream.linear.gather [hbm4b:s7+s3], $0x400, $0x38;
	[tilespmem:$0x12080] =	vst v63  }
0xe7: {  	s10 =	sadd.s32 $0x2DC780, s1  }
0xe8: {  	[tilespmem:s11], [sflag:$0x1] =	stream.linear.gather [hbm4b:s10+s3], $0x400, $0x38;
	[tilespmem:$0x12080] =	vst v63  }
0xe9: {  	s12 =	sadd.s32 $0x3D0A00, s1  }
0xea: {  	[tilespmem:s17], [sflag:$0x1] =	stream.linear.gather [hbm4b:s12+s3], $0x400, $0x38;
	[tilespmem:$0x12080] =	vst v63  }
0xeb: {  	s13 =	sadd.s32 $0x4C4C80, s1  }
0xec: {  	[tilespmem:s18], [sflag:$0x1] =	stream.linear.gather [hbm4b:s13+s3], $0x400, $0x38;
	[tilespmem:$0x12080] =	vst v63  }
0xed: {  	s14 =	sadd.s32 $0x5B8F00, s1  }
0xee: {  	[tilespmem:s25], [sflag:$0x1] =	stream.linear.gather [hbm4b:s14+s3], $0x400, $0x38;
	[tilespmem:$0x12080] =	vst v63  }
0xef: {  	s25 =	spop (v2sf)  }
0xf0: {  	s1 =	sadd.s32 $0x6AD180, s1;
	s15 =	sshra.s32 s25, $0x1F  }
0xf1: {  	[tilespmem:s26], [sflag:$0x1] =	stream.linear.gather [hbm4b:s1+s3], $0x400, $0x38;
	[tilespmem:$0x12080] =	vst v63  }
0xf2: {  	s1 =	sshrl.u32 s15, $0x19  }
0xf3: {  	s1 =	sadd.s32 s1, s25  }
0xf4: {  	s26 =	sand.u32 $0xFFFFFF80, s1  }
0xf5: {  	p3 =	slt.s32 s25, $0x1;
	p4 =	sne.s32 s25, s26  }
0xf6: {  	p0 =	por !p3, !p4  }
0xf7: {  	s2 =	simm.s32 $0x1;
	p0 =	por !p0, !p0  }
0xf8: {  	s1 =	sshrl.u32 s1, $0x7;
	s2 =	simm.s32 @!p0 $0x0  }
0xf9: {  	(v2sf) =	vpush v36, $0x3;
	s1 =	ssub.s32 s1, s2  }
0xfa: {  	s1 =	sshll.u32 s1, $0x7  }
0xfb: {  	s1 =	sand.u32 $0x1FFFFF80, s1  }
0xfc: {  	s1 =	sadd.s32 s0, s1  }
0xfd: {  	[tilespmem:s28], [sflag:$0x1] =	stream.linear.gather [hbm4b:s1+s3], $0x400, $0x38;
	[tilespmem:$0x12080] =	vst v63  }
0xfe: {  	s16 =	sadd.s32 $0xF4280, s1  }
0xff: {  	[tilespmem:s29], [sflag:$0x1] =	stream.linear.gather [hbm4b:s16+s3], $0x400, $0x38;
	[tilespmem:$0x12080] =	vst v63  }
0x100: {  	s17 =	sadd.s32 $0x1E8500, s1  }
0x101: {  	[tilespmem:s30], [sflag:$0x1] =	stream.linear.gather [hbm4b:s17+s3], $0x400, $0x38;
	[tilespmem:$0x12080] =	vst v63  }
0x102: {  	s18 =	sadd.s32 $0x2DC780, s1  }
0x103: {  	[tilespmem:s31], [sflag:$0x1] =	stream.linear.gather [hbm4b:s18+s3], $0x400, $0x38;
	[tilespmem:$0x12080] =	vst v63  }
0x104: {  	s4 =	sadd.s32 $0x3D0A00, s1;
	s18 =	simm.s32 $0x8880  }
0x105: {  	[tilespmem:s18], [sflag:$0x1] =	stream.linear.gather [hbm4b:s4+s3], $0x400, $0x38;
	[tilespmem:$0x12080] =	vst v63  }
0x106: {  	s6 =	simm.s32 $0xA880;
	s5 =	sadd.s32 $0x4C4C80, s1  }
0x107: {  	[tilespmem:s6], [sflag:$0x1] =	stream.linear.gather [hbm4b:s5+s3], $0x400, $0x38;
	[tilespmem:$0x12080] =	vst v63  }
0x108: {  	s10 =	simm.s32 $0xC880;
	s7 =	sadd.s32 $0x5B8F00, s1;
	s28 =	spop (v2sf)  }
0x109: {  	[tilespmem:s10], [sflag:$0x1] =	stream.linear.gather [hbm4b:s7+s3], $0x400, $0x38;
	[tilespmem:$0x12080] =	vst v63  }
0x10a: {  	s11 =	simm.s32 $0xE880;
	s1 =	sadd.s32 $0x6AD180, s1;
	s12 =	sshra.s32 s28, $0x1F  }
0x10b: {  	[tilespmem:s11], [sflag:$0x1] =	stream.linear.gather [hbm4b:s1+s3], $0x400, $0x38;
	[tilespmem:$0x12080] =	vst v63  }
0x10c: {  	s1 =	sshrl.u32 s12, $0x19  }
0x10d: {  	s1 =	sadd.s32 s1, s28  }
0x10e: {  	s29 =	sand.u32 $0xFFFFFF80, s1  }
0x10f: {  	p5 =	slt.s32 s28, $0x1;
	p6 =	sne.s32 s28, s29  }
0x110: {  	p0 =	por !p5, !p6  }
0x111: {  	s2 =	simm.s32 $0x1;
	p0 =	por !p0, !p0  }
0x112: {  	s1 =	sshrl.u32 s1, $0x7;
	s2 =	simm.s32 @!p0 $0x0  }
0x113: {  	(v2sf) =	vpush v36, $0x4;
	s1 =	ssub.s32 s1, s2  }
0x114: {  	s1 =	sshll.u32 s1, $0x7  }
0x115: {  	s1 =	sand.u32 $0x1FFFFF80, s1  }
0x116: {  	s13 =	simm.s32 $0xC80;
	s1 =	sadd.s32 s0, s1  }
0x117: {  	[tilespmem:s13], [sflag:$0x1] =	stream.linear.gather [hbm4b:s1+s3], $0x400, $0x38;
	[tilespmem:$0x12080] =	vst v63  }
0x118: {  	s15 =	simm.s32 $0x2C80;
	s14 =	sadd.s32 $0xF4280, s1  }
0x119: {  	[tilespmem:s15], [sflag:$0x1] =	stream.linear.gather [hbm4b:s14+s3], $0x400, $0x38;
	[tilespmem:$0x12080] =	vst v63  }
0x11a: {  	s17 =	simm.s32 $0x4C80;
	s16 =	sadd.s32 $0x1E8500, s1  }
0x11b: {  	[tilespmem:s17], [sflag:$0x1] =	stream.linear.gather [hbm4b:s16+s3], $0x400, $0x38;
	[tilespmem:$0x12080] =	vst v63  }
0x11c: {  	s6 =	simm.s32 $0x6C80;
	s5 =	sadd.s32 $0x2DC780, s1  }
0x11d: {  	[tilespmem:s6], [sflag:$0x1] =	stream.linear.gather [hbm4b:s5+s3], $0x400, $0x38;
	[tilespmem:$0x12080] =	vst v63  }
0x11e: {  	s10 =	simm.s32 $0x8C80;
	s7 =	sadd.s32 $0x3D0A00, s1  }
0x11f: {  	[tilespmem:s10], [sflag:$0x1] =	stream.linear.gather [hbm4b:s7+s3], $0x400, $0x38;
	[tilespmem:$0x12080] =	vst v63  }
0x120: {  	s12 =	simm.s32 $0xAC80;
	s11 =	sadd.s32 $0x4C4C80, s1  }
0x121: {  	[tilespmem:s12], [sflag:$0x1] =	stream.linear.gather [hbm4b:s11+s3], $0x400, $0x38;
	[tilespmem:$0x12080] =	vst v63  }
0x122: {  	s30 =	spop (v2sf);
	s13 =	sadd.s32 $0x5B8F00, s1;
	s14 =	simm.s32 $0xCC80  }
0x123: {  	[tilespmem:s14], [sflag:$0x1] =	stream.linear.gather [hbm4b:s13+s3], $0x400, $0x38;
	[tilespmem:$0x12080] =	vst v63  }
0x124: {  	s1 =	sadd.s32 $0x6AD180, s1;
	s15 =	simm.s32 $0xEC80;
	s16 =	sshra.s32 s30, $0x1F  }
0x125: {  	[tilespmem:s15], [sflag:$0x1] =	stream.linear.gather [hbm4b:s1+s3], $0x400, $0x38;
	[tilespmem:$0x12080] =	vst v63  }
0x126: {  	s1 =	sshrl.u32 s16, $0x19  }
0x127: {  	s1 =	sadd.s32 s1, s30  }
0x128: {  	s31 =	sand.u32 $0xFFFFFF80, s1  }
0x129: {  	p1 =	slt.s32 s30, $0x1;
	p2 =	sne.s32 s30, s31  }
0x12a: {  	p0 =	por !p1, !p2  }
0x12b: {  	s2 =	simm.s32 $0x1;
	p0 =	por !p0, !p0  }
0x12c: {  	s1 =	sshrl.u32 s1, $0x7;
	s2 =	simm.s32 @!p0 $0x0  }
0x12d: {  	s1 =	ssub.s32 s1, s2  }
0x12e: {  	s1 =	sshll.u32 s1, $0x7  }
0x12f: {  	s1 =	sand.u32 $0x1FFFFF80, s1  }
0x130: {  	s17 =	simm.s32 $0x1080;
	s1 =	sadd.s32 s0, s1  }
0x131: {  	(v2sf) =	vpush v36, $0x5;
	[tilespmem:s17], [sflag:$0x1] =	stream.linear.gather [hbm4b:s1+s3], $0x400, $0x38;
	[tilespmem:$0x12080] =	vst v63  }
0x132: {  	s5 =	simm.s32 $0x3080;
	s4 =	sadd.s32 $0xF4280, s1  }
0x133: {  	[tilespmem:s5], [sflag:$0x1] =	stream.linear.gather [hbm4b:s4+s3], $0x400, $0x38;
	[tilespmem:$0x12080] =	vst v63  }
0x134: {  	s7 =	simm.s32 $0x5080;
	s6 =	sadd.s32 $0x1E8500, s1  }
0x135: {  	[tilespmem:s7], [sflag:$0x1] =	stream.linear.gather [hbm4b:s6+s3], $0x400, $0x38;
	[tilespmem:$0x12080] =	vst v63  }
0x136: {  	s11 =	simm.s32 $0x7080;
	s10 =	sadd.s32 $0x2DC780, s1  }
0x137: {  	[tilespmem:s11], [sflag:$0x1] =	stream.linear.gather [hbm4b:s10+s3], $0x400, $0x38;
	[tilespmem:$0x12080] =	vst v63  }
0x138: {  	s13 =	simm.s32 $0x9080;
	s12 =	sadd.s32 $0x3D0A00, s1  }
0x139: {  	[tilespmem:s13], [sflag:$0x1] =	stream.linear.gather [hbm4b:s12+s3], $0x400, $0x38;
	[tilespmem:$0x12080] =	vst v63  }
0x13a: {  	s15 =	simm.s32 $0xB080;
	s14 =	sadd.s32 $0x4C4C80, s1  }
0x13b: {  	[tilespmem:s15], [sflag:$0x1] =	stream.linear.gather [hbm4b:s14+s3], $0x400, $0x38;
	[tilespmem:$0x12080] =	vst v63  }
0x13c: {  	s16 =	sadd.s32 $0x5B8F00, s1;
	s17 =	simm.s32 $0xD080  }
0x13d: {  	[tilespmem:s17], [sflag:$0x1] =	stream.linear.gather [hbm4b:s16+s3], $0x400, $0x38;
	[tilespmem:$0x12080] =	vst v63  }
0x13e: {  	s1 =	sadd.s32 $0x6AD180, s1;
	s5 =	simm.s32 $0xF080  }
0x13f: {  	[tilespmem:s5], [sflag:$0x1] =	stream.linear.gather [hbm4b:s1+s3], $0x400, $0x38;
	[tilespmem:$0x12080] =	vst v63  }
0x140: {  	s1 =	spop (v2sf)  }
0x141: {  	s6 =	sshra.s32 s1, $0x1F  }
0x142: {  	s2 =	sshrl.u32 s6, $0x19  }
0x143: {  	s7 =	sadd.s32 s2, s1  }
0x144: {  	s2 =	sand.u32 $0xFFFFFF80, s7  }
0x145: {  	p3 =	slt.s32 s1, $0x1;
	p4 =	sne.s32 s1, s2  }
0x146: {  	p0 =	por !p3, !p4  }
0x147: {  	s5 =	simm.s32 $0x1;
	p0 =	por !p0, !p0  }
0x148: {  	s4 =	sshrl.u32 s7, $0x7;
	s5 =	simm.s32 @!p0 $0x0  }
0x149: {  	s4 =	ssub.s32 s4, s5  }
0x14a: {  	s4 =	sshll.u32 s4, $0x7  }
0x14b: {  	s4 =	sand.u32 $0x1FFFFF80, s4  }
0x14c: {  	s10 =	simm.s32 $0x1480;
	s4 =	sadd.s32 s0, s4  }
0x14d: {  	(v2sf) =	vpush v36, $0x6;
	[tilespmem:s10], [sflag:$0x1] =	stream.linear.gather [hbm4b:s4+s3], $0x400, $0x38;
	[tilespmem:$0x12080] =	vst v63  }
0x14e: {  	s12 =	simm.s32 $0x3480;
	s11 =	sadd.s32 $0xF4280, s4  }
0x14f: {  	[tilespmem:s12], [sflag:$0x1] =	stream.linear.gather [hbm4b:s11+s3], $0x400, $0x38;
	[tilespmem:$0x12080] =	vst v63  }
0x150: {  	s15 =	simm.s32 $0x5480;
	s14 =	sadd.s32 $0x1E8500, s4  }
0x151: {  	[tilespmem:s15], [sflag:$0x1] =	stream.linear.gather [hbm4b:s14+s3], $0x400, $0x38;
	[tilespmem:$0x12080] =	vst v63  }
0x152: {  	s17 =	simm.s32 $0x7480;
	s16 =	sadd.s32 $0x2DC780, s4  }
0x153: {  	[tilespmem:s17], [sflag:$0x1] =	stream.linear.gather [hbm4b:s16+s3], $0x400, $0x38;
	[tilespmem:$0x12080] =	vst v63  }
0x154: {  	s7 =	simm.s32 $0x9480;
	s6 =	sadd.s32 $0x3D0A00, s4  }
0x155: {  	[tilespmem:s7], [sflag:$0x1] =	stream.linear.gather [hbm4b:s6+s3], $0x400, $0x38;
	[tilespmem:$0x12080] =	vst v63  }
0x156: {  	s10 =	sadd.s32 $0x4C4C80, s4;
	s11 =	simm.s32 $0xB480  }
0x157: {  	[tilespmem:s11], [sflag:$0x1] =	stream.linear.gather [hbm4b:s10+s3], $0x400, $0x38;
	[tilespmem:$0x12080] =	vst v63  }
0x158: {  	s12 =	sadd.s32 $0x5B8F00, s4;
	s14 =	simm.s32 $0xD480  }
0x159: {  	[tilespmem:s14], [sflag:$0x1] =	stream.linear.gather [hbm4b:s12+s3], $0x400, $0x38;
	[tilespmem:$0x12080] =	vst v63  }
0x15a: {  	s4 =	sadd.s32 $0x6AD180, s4;
	s15 =	simm.s32 $0xF480  }
0x15b: {  	[tilespmem:s15], [sflag:$0x1] =	stream.linear.gather [hbm4b:s4+s3], $0x400, $0x38;
	[tilespmem:$0x12080] =	vst v63  }
0x15c: {  	s4 =	spop (v2sf)  }
0x15d: {  	s16 =	sshra.s32 s4, $0x1F  }
0x15e: {  	s5 =	sshrl.u32 s16, $0x19  }
0x15f: {  	s17 =	sadd.s32 s5, s4  }
0x160: {  	s5 =	sand.u32 $0xFFFFFF80, s17  }
0x161: {  	p5 =	slt.s32 s4, $0x1;
	p6 =	sne.s32 s4, s5  }
0x162: {  	p0 =	por !p5, !p6  }
0x163: {  	s7 =	simm.s32 $0x1;
	p0 =	por !p0, !p0  }
0x164: {  	s6 =	sshrl.u32 s17, $0x7;
	s7 =	simm.s32 @!p0 $0x0  }
0x165: {  	s6 =	ssub.s32 s6, s7  }
0x166: {  	s6 =	sshll.u32 s6, $0x7  }
0x167: {  	s6 =	sand.u32 $0x1FFFFF80, s6  }
0x168: {  	s10 =	simm.s32 $0x1880;
	s6 =	sadd.s32 s0, s6  }
0x169: {  	(v2sf) =	vpush v36, $0x7;
	[tilespmem:s10], [sflag:$0x1] =	stream.linear.gather [hbm4b:s6+s3], $0x400, $0x38;
	[tilespmem:$0x12080] =	vst v63  }
0x16a: {  	s12 =	simm.s32 $0x3880;
	s11 =	sadd.s32 $0xF4280, s6  }
0x16b: {  	[tilespmem:s12], [sflag:$0x1] =	stream.linear.gather [hbm4b:s11+s3], $0x400, $0x38;
	[tilespmem:$0x12080] =	vst v63  }
0x16c: {  	s17 =	simm.s32 $0x5880;
	s16 =	sadd.s32 $0x1E8500, s6  }
0x16d: {  	[tilespmem:s17], [sflag:$0x1] =	stream.linear.gather [hbm4b:s16+s3], $0x400, $0x38;
	[tilespmem:$0x12080] =	vst v63  }
0x16e: {  	s11 =	sadd.s32 $0x2DC780, s6;
	s12 =	simm.s32 $0x7880  }
0x16f: {  	[tilespmem:s12], [sflag:$0x1] =	stream.linear.gather [hbm4b:s11+s3], $0x400, $0x38;
	[tilespmem:$0x12080] =	vst v63  }
0x170: {  	s16 =	sadd.s32 $0x3D0A00, s6;
	s17 =	simm.s32 $0x9880  }
0x171: {  	[tilespmem:s17], [sflag:$0x1] =	stream.linear.gather [hbm4b:s16+s3], $0x400, $0x38;
	[tilespmem:$0x12080] =	vst v63  }
0x172: {  	s11 =	sadd.s32 $0x4C4C80, s6;
	s12 =	simm.s32 $0xB880  }
0x173: {  	[tilespmem:s12], [sflag:$0x1] =	stream.linear.gather [hbm4b:s11+s3], $0x400, $0x38;
	[tilespmem:$0x12080] =	vst v63  }
0x174: {  	s16 =	sadd.s32 $0x5B8F00, s6;
	s17 =	simm.s32 $0xD880  }
0x175: {  	[tilespmem:s17], [sflag:$0x1] =	stream.linear.gather [hbm4b:s16+s3], $0x400, $0x38;
	[tilespmem:$0x12080] =	vst v63  }
0x176: {  	s10 =	simm.s32 $0xF880;
	s6 =	sadd.s32 $0x6AD180, s6  }
0x177: {  	[tilespmem:s10], [sflag:$0x1] =	stream.linear.gather [hbm4b:s6+s3], $0x400, $0x38;
	[tilespmem:$0x12080] =	vst v63  }
0x178: {  	s6 =	spop (v2sf)  }
0x179: {  	s11 =	sshra.s32 s6, $0x1F  }
0x17a: {  	s7 =	sshrl.u32 s11, $0x19  }
0x17b: {  	s12 =	sadd.s32 s7, s6  }
0x17c: {  	s7 =	sand.u32 $0xFFFFFF80, s12  }
0x17d: {  	p1 =	slt.s32 s6, $0x1;
	p2 =	sne.s32 s6, s7  }
0x17e: {  	p0 =	por !p1, !p2  }
0x17f: {  	s11 =	simm.s32 $0x1;
	p0 =	por !p0, !p0  }
0x180: {  	s10 =	sshrl.u32 s12, $0x7;
	s11 =	simm.s32 @!p0 $0x0  }
0x181: {  	s10 =	ssub.s32 s10, s11  }
0x182: {  	s10 =	sshll.u32 s10, $0x7  }
0x183: {  	s10 =	sand.u32 $0x1FFFFF80, s10  }
0x184: {  	s12 =	simm.s32 $0x1C80;
	s10 =	sadd.s32 s0, s10  }
0x185: {  	[tilespmem:s12], [sflag:$0x1] =	stream.linear.gather [hbm4b:s10+s3], $0x400, $0x38;
	[tilespmem:$0x12080] =	vst v63  }
0x186: {  	s11 =	sadd.s32 $0xF4280, s10;
	s12 =	simm.s32 $0x3C80  }
0x187: {  	[tilespmem:s12], [sflag:$0x1] =	stream.linear.gather [hbm4b:s11+s3], $0x400, $0x38;
	[tilespmem:$0x12080] =	vst v63  }
0x188: {  	s11 =	sadd.s32 $0x1E8500, s10;
	s12 =	simm.s32 $0x5C80  }
0x189: {  	[tilespmem:s12], [sflag:$0x1] =	stream.linear.gather [hbm4b:s11+s3], $0x400, $0x38;
	[tilespmem:$0x12080] =	vst v63  }
0x18a: {  	s11 =	sadd.s32 $0x2DC780, s10;
	s12 =	simm.s32 $0x7C80  }
0x18b: {  	[tilespmem:s12], [sflag:$0x1] =	stream.linear.gather [hbm4b:s11+s3], $0x400, $0x38;
	[tilespmem:$0x12080] =	vst v63  }
0x18c: {  	s11 =	sadd.s32 $0x3D0A00, s10;
	s12 =	simm.s32 $0x9C80  }
0x18d: {  	[tilespmem:s12], [sflag:$0x1] =	stream.linear.gather [hbm4b:s11+s3], $0x400, $0x38;
	[tilespmem:$0x12080] =	vst v63  }
0x18e: {  	s11 =	sadd.s32 $0x4C4C80, s10;
	s12 =	simm.s32 $0xBC80  }
0x18f: {  	[tilespmem:s12], [sflag:$0x1] =	stream.linear.gather [hbm4b:s11+s3], $0x400, $0x38;
	[tilespmem:$0x12080] =	vst v63  }
0x190: {  	s11 =	sadd.s32 $0x5B8F00, s10;
	s12 =	simm.s32 $0xDC80  }
0x191: {  	[tilespmem:s12], [sflag:$0x1] =	stream.linear.gather [hbm4b:s11+s3], $0x400, $0x38;
	[tilespmem:$0x12080] =	vst v63  }
0x192: {  	s10 =	sadd.s32 $0x6AD180, s10;
	s12 =	simm.s32 $0xFC80  }
0x193: {  	[tilespmem:s12], [sflag:$0x1] =	stream.linear.gather [hbm4b:s10+s3], $0x400, $0x38;
	[tilespmem:$0x12080] =	vst v63  }
0x194: {  	_ =	swait.ge [sflag:s8], $0x2000  }
0x195: {  	[sflag:s8] =	ssyncset.done $0x0  }
0x196: {  	[sflag:s8] =	ssyncadd.s32 $0xFFFFE000  }
0x197: {  	_ =	swait.ge [sflag:s8], $0x2000  }
0x198: {  	[sflag:s8] =	ssyncset.done $0x0  }
0x199: {  	[sflag:s8] =	ssyncadd.s32 $0xFFFFE000  }
0x19a: {  	_ =	swait.ge [sflag:s8], $0x2000  }
0x19b: {  	[sflag:s8] =	ssyncset.done $0x0  }
0x19c: {  	[sflag:s8] =	ssyncadd.s32 $0xFFFFE000  }
0x19d: {  	_ =	swait.ge [sflag:s8], $0x2000  }
0x19e: {  	[sflag:s8] =	ssyncset.done $0x0  }
0x19f: {  	[sflag:s8] =	ssyncadd.s32 $0xFFFFE000  }
0x1a0: {  	_ =	swait.ge [sflag:s8], $0x2000  }
0x1a1: {  	[sflag:s8] =	ssyncset.done $0x0  }
0x1a2: {  	[sflag:s8] =	ssyncadd.s32 $0xFFFFE000  }
0x1a3: {  	_ =	swait.ge [sflag:s8], $0x2000  }
0x1a4: {  	[sflag:s8] =	ssyncset.done $0x0  }
0x1a5: {  	[sflag:s8] =	ssyncadd.s32 $0xFFFFE000  }
0x1a6: {  	s12 =	sand.u32 $0x7F, s22;
	_ =	swait.ge [sflag:s8], $0x2000  }
0x1a7: {  	s22 =	sadd.s32 $0xFFFFFFF1, s20;
	v37 =	vor.u32 s12, v1;
	[sflag:s8] =	ssyncset.done $0x0  }
0x1a8: {  	v38 =	vmov s22;
	[sflag:s8] =	ssyncadd.s32 $0xFFFFE000  }
0x1a9: {  	v38 =	vand.u32 $0x70, v38;
	_ =	swait.ge [sflag:s8], $0x2000  }
0x1aa: {  	v38 =	vbroadcast v38, $0x0;
	[sflag:s8] =	ssyncset.done $0x0  }
0x1ab: {  	[sflag:s8] =	ssyncadd.s32 $0xFFFFE000  }
0x1ac: {  	v39 =	vor.u32 v0, v38;
	v37 =	vld.idx.msk [tilespmem:v37+s9+$0x0], $0xffff  }
0x1ad: {  	v40 =	vor.u32 s12, v2;
	_ =	sdelay $0x3  }
0x1ae: {  	[tilespmem:v39+s19+$0x0] =	vst.idx.msk $0xffff, v37  }
0x1af: {  	v47 =	vor.u32 v3, v38;
	v37 =	vld.idx.msk [tilespmem:v40+s9+$0x0], $0xffff  }
0x1b0: {  	v48 =	vor.u32 s12, v4;
	_ =	sdelay $0x3  }
0x1b1: {  	[tilespmem:v47+s19+$0x0] =	vst.idx.msk $0xffff, v37  }
0x1b2: {  	v49 =	vor.u32 v5, v38;
	v37 =	vld.idx.msk [tilespmem:v48+s9+$0x0], $0xffff  }
0x1b3: {  	v50 =	vor.u32 s12, v6  }
0x1b4: {  	s23 =	ssub.s32 s23, s24  }
0x1b5: {  	v41 =	vmov s23  }
0x1b6: {  	v41 =	vand.u32 $0x7F, v41  }
0x1b7: {  	v51 =	vbroadcast v41, $0x0;
	[tilespmem:v49+s19+$0x0] =	vst.idx.msk $0xffff, v37  }
0x1b8: {  	v38 =	vor.u32 v7, v38;
	v39 =	vld.idx.msk [tilespmem:v50+s9+$0x0], $0xffff  }
0x1b9: {  	s24 =	sadd.s32 $0xFFFFFFF2, s20;
	v52 =	vor.u32 v8, v51  }
0x1ba: {  	v53 =	vmov s24  }
0x1bb: {  	v41 =	vand.u32 $0x71, v53  }
0x1bc: {  	v41 =	vbroadcast v41, $0x0  }
0x1bd: {  	[tilespmem:v38+s19+$0x0] =	vst.idx.msk $0xffff, v39  }
0x1be: {  	v54 =	vor.u32 v0, v41;
	v38 =	vld.idx.msk [tilespmem:v52+s9+$0x0], $0xffff  }
0x1bf: {  	v55 =	vor.u32 v9, v51;
	_ =	sdelay $0x3  }
0x1c0: {  	[tilespmem:v54+s19+$0x0] =	vst.idx.msk $0xffff, v38  }
0x1c1: {  	v56 =	vor.u32 v3, v41;
	v38 =	vld.idx.msk [tilespmem:v55+s9+$0x0], $0xffff  }
0x1c2: {  	v57 =	vor.u32 v10, v51;
	_ =	sdelay $0x3  }
0x1c3: {  	[tilespmem:v56+s19+$0x0] =	vst.idx.msk $0xffff, v38  }
0x1c4: {  	v58 =	vor.u32 v5, v41;
	v38 =	vld.idx.msk [tilespmem:v57+s9+$0x0], $0xffff  }
0x1c5: {  	v37 =	vor.u32 v11, v51  }
0x1c6: {  	s11 =	ssub.s32 s25, s26  }
0x1c7: {  	v59 =	vmov s11  }
0x1c8: {  	v40 =	vand.u32 $0x7F, v59  }
0x1c9: {  	v60 =	vbroadcast v40, $0x0;
	[tilespmem:v58+s19+$0x0] =	vst.idx.msk $0xffff, v38  }
0x1ca: {  	v61 =	vor.u32 v7, v41;
	v37 =	vld.idx.msk [tilespmem:v37+s9+$0x0], $0xffff  }
0x1cb: {  	s12 =	sadd.s32 $0xFFFFFFF3, s20;
	v40 =	vor.u32 v12, v60  }
0x1cc: {  	v62 =	vmov s12  }
0x1cd: {  	v41 =	vand.u32 $0x72, v62  }
0x1ce: {  	v41 =	vbroadcast v41, $0x0  }
0x1cf: {  	[tilespmem:v61+s19+$0x0] =	vst.idx.msk $0xffff, v37  }
0x1d0: {  	v63 =	vor.u32 v0, v41;
	v37 =	vld.idx.msk [tilespmem:v40+s9+$0x0], $0xffff  }
0x1d1: {  	v44 =	vor.u32 v13, v60;
	_ =	sdelay $0x3  }
0x1d2: {  	[tilespmem:v63+s19+$0x0] =	vst.idx.msk $0xffff, v37  }
0x1d3: {  	v45 =	vor.u32 v3, v41;
	v37 =	vld.idx.msk [tilespmem:v44+s9+$0x0], $0xffff  }
0x1d4: {  	v46 =	vor.u32 v14, v60;
	_ =	sdelay $0x3  }
0x1d5: {  	[tilespmem:v45+s19+$0x0] =	vst.idx.msk $0xffff, v37  }
0x1d6: {  	v47 =	vor.u32 v5, v41;
	v37 =	vld.idx.msk [tilespmem:v46+s9+$0x0], $0xffff  }
0x1d7: {  	v38 =	vor.u32 v15, v60  }
0x1d8: {  	s22 =	ssub.s32 s28, s29  }
0x1d9: {  	v48 =	vmov s22  }
0x1da: {  	v40 =	vand.u32 $0x7F, v48  }
0x1db: {  	v49 =	vbroadcast v40, $0x0;
	[tilespmem:v47+s19+$0x0] =	vst.idx.msk $0xffff, v37  }
0x1dc: {  	v50 =	vor.u32 v7, v41;
	v38 =	vld.idx.msk [tilespmem:v38+s9+$0x0], $0xffff  }
0x1dd: {  	s23 =	sadd.s32 $0xFFFFFFF4, s20;
	v40 =	vor.u32 v16, v49  }
0x1de: {  	v51 =	vmov s23  }
0x1df: {  	v41 =	vand.u32 $0x73, v51  }
0x1e0: {  	v41 =	vbroadcast v41, $0x0  }
0x1e1: {  	[tilespmem:v50+s19+$0x0] =	vst.idx.msk $0xffff, v38  }
0x1e2: {  	v52 =	vor.u32 v0, v41;
	v38 =	vld.idx.msk [tilespmem:v40+s9+$0x0], $0xffff  }
0x1e3: {  	v53 =	vor.u32 v17, v49;
	_ =	sdelay $0x3  }
0x1e4: {  	[tilespmem:v52+s19+$0x0] =	vst.idx.msk $0xffff, v38  }
0x1e5: {  	v54 =	vor.u32 v3, v41;
	v38 =	vld.idx.msk [tilespmem:v53+s9+$0x0], $0xffff  }
0x1e6: {  	v55 =	vor.u32 v18, v49;
	_ =	sdelay $0x3  }
0x1e7: {  	[tilespmem:v54+s19+$0x0] =	vst.idx.msk $0xffff, v38  }
0x1e8: {  	v56 =	vor.u32 v5, v41;
	v38 =	vld.idx.msk [tilespmem:v55+s9+$0x0], $0xffff  }
0x1e9: {  	v37 =	vor.u32 v19, v49  }
0x1ea: {  	s24 =	ssub.s32 s30, s31  }
0x1eb: {  	v57 =	vmov s24  }
0x1ec: {  	v40 =	vand.u32 $0x7F, v57  }
0x1ed: {  	v58 =	vbroadcast v40, $0x0;
	[tilespmem:v56+s19+$0x0] =	vst.idx.msk $0xffff, v38  }
0x1ee: {  	v59 =	vor.u32 v7, v41;
	v37 =	vld.idx.msk [tilespmem:v37+s9+$0x0], $0xffff  }
0x1ef: {  	s25 =	sadd.s32 $0xFFFFFFF5, s20;
	v40 =	vor.u32 v20, v58  }
0x1f0: {  	v60 =	vmov s25  }
0x1f1: {  	v41 =	vand.u32 $0x74, v60  }
0x1f2: {  	v41 =	vbroadcast v41, $0x0  }
0x1f3: {  	[tilespmem:v59+s19+$0x0] =	vst.idx.msk $0xffff, v37  }
0x1f4: {  	v61 =	vor.u32 v0, v41;
	v37 =	vld.idx.msk [tilespmem:v40+s9+$0x0], $0xffff  }
0x1f5: {  	v62 =	vor.u32 v21, v58;
	_ =	sdelay $0x3  }
0x1f6: {  	[tilespmem:v61+s19+$0x0] =	vst.idx.msk $0xffff, v37  }
0x1f7: {  	v63 =	vor.u32 v3, v41;
	v37 =	vld.idx.msk [tilespmem:v62+s9+$0x0], $0xffff  }
0x1f8: {  	v44 =	vor.u32 v22, v58;
	_ =	sdelay $0x3  }
0x1f9: {  	[tilespmem:v63+s19+$0x0] =	vst.idx.msk $0xffff, v37  }
0x1fa: {  	v45 =	vor.u32 v5, v41;
	v37 =	vld.idx.msk [tilespmem:v44+s9+$0x0], $0xffff  }
0x1fb: {  	v38 =	vor.u32 v23, v58  }
0x1fc: {  	s1 =	ssub.s32 s1, s2  }
0x1fd: {  	v46 =	vmov s1  }
0x1fe: {  	v40 =	vand.u32 $0x7F, v46  }
0x1ff: {  	v47 =	vbroadcast v40, $0x0;
	[tilespmem:v45+s19+$0x0] =	vst.idx.msk $0xffff, v37  }
0x200: {  	v48 =	vor.u32 v7, v41;
	v38 =	vld.idx.msk [tilespmem:v38+s9+$0x0], $0xffff  }
0x201: {  	s26 =	sadd.s32 $0xFFFFFFF6, s20;
	v40 =	vor.u32 v24, v47  }
0x202: {  	v49 =	vmov s26  }
0x203: {  	v41 =	vand.u32 $0x75, v49  }
0x204: {  	v41 =	vbroadcast v41, $0x0  }
0x205: {  	[tilespmem:v48+s19+$0x0] =	vst.idx.msk $0xffff, v38  }
0x206: {  	v50 =	vor.u32 v0, v41;
	v38 =	vld.idx.msk [tilespmem:v40+s9+$0x0], $0xffff  }
0x207: {  	v51 =	vor.u32 v25, v47;
	_ =	sdelay $0x3  }
0x208: {  	[tilespmem:v50+s19+$0x0] =	vst.idx.msk $0xffff, v38  }
0x209: {  	v52 =	vor.u32 v3, v41;
	v38 =	vld.idx.msk [tilespmem:v51+s9+$0x0], $0xffff  }
0x20a: {  	v53 =	vor.u32 v26, v47;
	_ =	sdelay $0x3  }
0x20b: {  	[tilespmem:v52+s19+$0x0] =	vst.idx.msk $0xffff, v38  }
0x20c: {  	v54 =	vor.u32 v5, v41;
	v38 =	vld.idx.msk [tilespmem:v53+s9+$0x0], $0xffff  }
0x20d: {  	v37 =	vor.u32 v27, v47  }
0x20e: {  	s2 =	ssub.s32 s4, s5  }
0x20f: {  	v55 =	vmov s2  }
0x210: {  	v40 =	vand.u32 $0x7F, v55  }
0x211: {  	v56 =	vbroadcast v40, $0x0;
	[tilespmem:v54+s19+$0x0] =	vst.idx.msk $0xffff, v38  }
0x212: {  	v57 =	vor.u32 v7, v41;
	v37 =	vld.idx.msk [tilespmem:v37+s9+$0x0], $0xffff  }
0x213: {  	s4 =	sadd.s32 $0xFFFFFFF7, s20;
	v40 =	vor.u32 v28, v56  }
0x214: {  	v58 =	vmov s4  }
0x215: {  	v41 =	vand.u32 $0x76, v58  }
0x216: {  	v41 =	vbroadcast v41, $0x0  }
0x217: {  	[tilespmem:v57+s19+$0x0] =	vst.idx.msk $0xffff, v37  }
0x218: {  	v59 =	vor.u32 v0, v41;
	v37 =	vld.idx.msk [tilespmem:v40+s9+$0x0], $0xffff  }
0x219: {  	v60 =	vor.u32 v29, v56;
	_ =	sdelay $0x3  }
0x21a: {  	[tilespmem:v59+s19+$0x0] =	vst.idx.msk $0xffff, v37  }
0x21b: {  	v61 =	vor.u32 v3, v41;
	v37 =	vld.idx.msk [tilespmem:v60+s9+$0x0], $0xffff  }
0x21c: {  	v62 =	vor.u32 v30, v56;
	_ =	sdelay $0x3  }
0x21d: {  	[tilespmem:v61+s19+$0x0] =	vst.idx.msk $0xffff, v37  }
0x21e: {  	v63 =	vor.u32 v5, v41;
	v37 =	vld.idx.msk [tilespmem:v62+s9+$0x0], $0xffff  }
0x21f: {  	v38 =	vor.u32 v31, v56  }
0x220: {  	s5 =	ssub.s32 s6, s7  }
0x221: {  	v44 =	vmov s5  }
0x222: {  	v40 =	vand.u32 $0x7F, v44  }
0x223: {  	v45 =	vbroadcast v40, $0x0;
	[tilespmem:v63+s19+$0x0] =	vst.idx.msk $0xffff, v37  }
0x224: {  	v46 =	vor.u32 v7, v41;
	v38 =	vld.idx.msk [tilespmem:v38+s9+$0x0], $0xffff  }
0x225: {  	s6 =	sadd.s32 $0xFFFFFFF8, s20;
	v40 =	vor.u32 v32, v45  }
0x226: {  	(v2sf) =	vpush v36, $0x8;
	v47 =	vmov s6  }
0x227: {  	v41 =	vand.u32 $0x77, v47  }
0x228: {  	v41 =	vbroadcast v41, $0x0  }
0x229: {  	[tilespmem:v46+s19+$0x0] =	vst.idx.msk $0xffff, v38  }
0x22a: {  	v48 =	vor.u32 v0, v41;
	v38 =	vld.idx.msk [tilespmem:v40+s9+$0x0], $0xffff  }
0x22b: {  	v49 =	vor.u32 v33, v45;
	_ =	sdelay $0x3  }
0x22c: {  	[tilespmem:v48+s19+$0x0] =	vst.idx.msk $0xffff, v38  }
0x22d: {  	v50 =	vor.u32 v3, v41;
	v38 =	vld.idx.msk [tilespmem:v49+s9+$0x0], $0xffff  }
0x22e: {  	v51 =	vor.u32 v34, v45;
	_ =	sdelay $0x3  }
0x22f: {  	s22 =	spop (v2sf);
	[tilespmem:v50+s19+$0x0] =	vst.idx.msk $0xffff, v38  }
0x230: {  	s7 =	sshra.s32 s22, $0x1F;
	v52 =	vor.u32 v5, v41;
	v38 =	vld.idx.msk [tilespmem:v51+s9+$0x0], $0xffff  }
0x231: {  	s1 =	sshrl.u32 s7, $0x19;
	v37 =	vor.u32 v35, v45  }
0x232: {  	s1 =	sadd.s32 s1, s22  }
0x233: {  	s10 =	sand.u32 $0xFFFFFF80, s1  }
0x234: {  	p3 =	slt.s32 s22, $0x1;
	p4 =	sne.s32 s22, s10  }
0x235: {  	p0 =	por !p3, !p4;
	[tilespmem:v52+s19+$0x0] =	vst.idx.msk $0xffff, v38  }
0x236: {  	p0 =	por !p0, !p0;
	s2 =	simm.s32 $0x1;
	v53 =	vor.u32 v7, v41;
	v37 =	vld.idx.msk [tilespmem:v37+s9+$0x0], $0xffff  }
0x237: {  	s1 =	sshrl.u32 s1, $0x7;
	s2 =	simm.s32 @!p0 $0x0  }
0x238: {  	(v2sf) =	vpush v36, $0x9;
	s1 =	ssub.s32 s1, s2  }
0x239: {  	s1 =	sshll.u32 s1, $0x7  }
0x23a: {  	s1 =	sand.u32 $0x1FFFFF80, s1  }
0x23b: {  	s1 =	sadd.s32 s0, s1;
	[tilespmem:v53+s19+$0x0] =	vst.idx.msk $0xffff, v37  }
0x23c: {  	[tilespmem:s9], [sflag:$0x1] =	stream.linear.gather [hbm4b:s1+s3], $0x400, $0x38;
	[tilespmem:$0x12080] =	vst v63  }
0x23d: {  	s12 =	simm.s32 $0x2080;
	s11 =	sadd.s32 $0xF4280, s1  }
0x23e: {  	[tilespmem:s12], [sflag:$0x1] =	stream.linear.gather [hbm4b:s11+s3], $0x400, $0x38;
	[tilespmem:$0x12080] =	vst v63  }
0x23f: {  	s23 =	sadd.s32 $0x1E8500, s1;
	s12 =	simm.s32 $0x4080  }
0x240: {  	[tilespmem:s12], [sflag:$0x1] =	stream.linear.gather [hbm4b:s23+s3], $0x400, $0x38;
	[tilespmem:$0x12080] =	vst v63  }
0x241: {  	s13 =	simm.s32 $0x6080;
	s24 =	sadd.s32 $0x2DC780, s1  }
0x242: {  	[tilespmem:s13], [sflag:$0x1] =	stream.linear.gather [hbm4b:s24+s3], $0x400, $0x38;
	[tilespmem:$0x12080] =	vst v63  }
0x243: {  	s25 =	sadd.s32 $0x3D0A00, s1;
	s13 =	simm.s32 $0x8080  }
0x244: {  	[tilespmem:s13], [sflag:$0x1] =	stream.linear.gather [hbm4b:s25+s3], $0x400, $0x38;
	[tilespmem:$0x12080] =	vst v63  }
0x245: {  	s14 =	simm.s32 $0xA080;
	s26 =	sadd.s32 $0x4C4C80, s1  }
0x246: {  	[tilespmem:s14], [sflag:$0x1] =	stream.linear.gather [hbm4b:s26+s3], $0x400, $0x38;
	[tilespmem:$0x12080] =	vst v63  }
0x247: {  	s4 =	sadd.s32 $0x5B8F00, s1;
	s23 =	spop (v2sf);
	s14 =	simm.s32 $0xC080  }
0x248: {  	[tilespmem:s14], [sflag:$0x1] =	stream.linear.gather [hbm4b:s4+s3], $0x400, $0x38;
	[tilespmem:$0x12080] =	vst v63  }
0x249: {  	s15 =	simm.s32 $0xE080;
	s1 =	sadd.s32 $0x6AD180, s1;
	s5 =	sshra.s32 s23, $0x1F  }
0x24a: {  	[tilespmem:s15], [sflag:$0x1] =	stream.linear.gather [hbm4b:s1+s3], $0x400, $0x38;
	[tilespmem:$0x12080] =	vst v63  }
0x24b: {  	s1 =	sshrl.u32 s5, $0x19  }
0x24c: {  	s1 =	sadd.s32 s1, s23  }
0x24d: {  	s24 =	sand.u32 $0xFFFFFF80, s1  }
0x24e: {  	p5 =	slt.s32 s23, $0x1;
	p6 =	sne.s32 s23, s24  }
0x24f: {  	p0 =	por !p5, !p6  }
0x250: {  	s2 =	simm.s32 $0x1;
	p0 =	por !p0, !p0  }
0x251: {  	s1 =	sshrl.u32 s1, $0x7;
	s2 =	simm.s32 @!p0 $0x0  }
0x252: {  	(v2sf) =	vpush v36, $0xA;
	s1 =	ssub.s32 s1, s2  }
0x253: {  	s1 =	sshll.u32 s1, $0x7  }
0x254: {  	s1 =	sand.u32 $0x1FFFFF80, s1  }
0x255: {  	s15 =	simm.s32 $0x480;
	s1 =	sadd.s32 s0, s1  }
0x256: {  	[tilespmem:s15], [sflag:$0x1] =	stream.linear.gather [hbm4b:s1+s3], $0x400, $0x38;
	[tilespmem:$0x12080] =	vst v63  }
0x257: {  	s16 =	simm.s32 $0x2480;
	s6 =	sadd.s32 $0xF4280, s1  }
0x258: {  	[tilespmem:s16], [sflag:$0x1] =	stream.linear.gather [hbm4b:s6+s3], $0x400, $0x38;
	[tilespmem:$0x12080] =	vst v63  }
0x259: {  	s7 =	sadd.s32 $0x1E8500, s1;
	s16 =	simm.s32 $0x4480  }
0x25a: {  	[tilespmem:s16], [sflag:$0x1] =	stream.linear.gather [hbm4b:s7+s3], $0x400, $0x38;
	[tilespmem:$0x12080] =	vst v63  }
0x25b: {  	s17 =	simm.s32 $0x6480;
	s10 =	sadd.s32 $0x2DC780, s1  }
0x25c: {  	[tilespmem:s17], [sflag:$0x1] =	stream.linear.gather [hbm4b:s10+s3], $0x400, $0x38;
	[tilespmem:$0x12080] =	vst v63  }
0x25d: {  	s11 =	sadd.s32 $0x3D0A00, s1;
	s17 =	simm.s32 $0x8480  }
0x25e: {  	[tilespmem:s17], [sflag:$0x1] =	stream.linear.gather [hbm4b:s11+s3], $0x400, $0x38;
	[tilespmem:$0x12080] =	vst v63  }
0x25f: {  	s26 =	simm.s32 $0xA480;
	s25 =	sadd.s32 $0x4C4C80, s1  }
0x260: {  	[tilespmem:s26], [sflag:$0x1] =	stream.linear.gather [hbm4b:s25+s3], $0x400, $0x38;
	[tilespmem:$0x12080] =	vst v63  }
0x261: {  	s5 =	sadd.s32 $0x5B8F00, s1;
	s6 =	simm.s32 $0xC480;
	s25 =	spop (v2sf)  }
0x262: {  	[tilespmem:s6], [sflag:$0x1] =	stream.linear.gather [hbm4b:s5+s3], $0x400, $0x38;
	[tilespmem:$0x12080] =	vst v63  }
0x263: {  	s1 =	sadd.s32 $0x6AD180, s1;
	s7 =	simm.s32 $0xE480;
	s10 =	sshra.s32 s25, $0x1F  }
0x264: {  	[tilespmem:s7], [sflag:$0x1] =	stream.linear.gather [hbm4b:s1+s3], $0x400, $0x38;
	[tilespmem:$0x12080] =	vst v63  }
0x265: {  	s1 =	sshrl.u32 s10, $0x19  }
0x266: {  	s1 =	sadd.s32 s1, s25  }
0x267: {  	s26 =	sand.u32 $0xFFFFFF80, s1  }
0x268: {  	p1 =	slt.s32 s25, $0x1;
	p2 =	sne.s32 s25, s26  }
0x269: {  	p0 =	por !p1, !p2  }
0x26a: {  	s2 =	simm.s32 $0x1;
	p0 =	por !p0, !p0  }
0x26b: {  	s1 =	sshrl.u32 s1, $0x7;
	s2 =	simm.s32 @!p0 $0x0  }
0x26c: {  	(v2sf) =	vpush v36, $0xB;
	s1 =	ssub.s32 s1, s2  }
0x26d: {  	s1 =	sshll.u32 s1, $0x7  }
0x26e: {  	s1 =	sand.u32 $0x1FFFFF80, s1  }
0x26f: {  	s11 =	simm.s32 $0x880;
	s1 =	sadd.s32 s0, s1  }
0x270: {  	[tilespmem:s11], [sflag:$0x1] =	stream.linear.gather [hbm4b:s1+s3], $0x400, $0x38;
	[tilespmem:$0x12080] =	vst v63  }
0x271: {  	s5 =	simm.s32 $0x2880;
	s4 =	sadd.s32 $0xF4280, s1  }
0x272: {  	[tilespmem:s5], [sflag:$0x1] =	stream.linear.gather [hbm4b:s4+s3], $0x400, $0x38;
	[tilespmem:$0x12080] =	vst v63  }
0x273: {  	s7 =	simm.s32 $0x4880;
	s6 =	sadd.s32 $0x1E8500, s1  }
0x274: {  	[tilespmem:s7], [sflag:$0x1] =	stream.linear.gather [hbm4b:s6+s3], $0x400, $0x38;
	[tilespmem:$0x12080] =	vst v63  }
0x275: {  	s10 =	sadd.s32 $0x2DC780, s1;
	s11 =	simm.s32 $0x6880  }
0x276: {  	[tilespmem:s11], [sflag:$0x1] =	stream.linear.gather [hbm4b:s10+s3], $0x400, $0x38;
	[tilespmem:$0x12080] =	vst v63  }
0x277: {  	s5 =	sadd.s32 $0x3D0A00, s1  }
0x278: {  	[tilespmem:s18], [sflag:$0x1] =	stream.linear.gather [hbm4b:s5+s3], $0x400, $0x38;
	[tilespmem:$0x12080] =	vst v63  }
0x279: {  	s6 =	sadd.s32 $0x4C4C80, s1;
	s7 =	simm.s32 $0xA880  }
0x27a: {  	[tilespmem:s7], [sflag:$0x1] =	stream.linear.gather [hbm4b:s6+s3], $0x400, $0x38;
	[tilespmem:$0x12080] =	vst v63  }
0x27b: {  	s28 =	spop (v2sf);
	s10 =	sadd.s32 $0x5B8F00, s1;
	s11 =	simm.s32 $0xC880  }
0x27c: {  	[tilespmem:s11], [sflag:$0x1] =	stream.linear.gather [hbm4b:s10+s3], $0x400, $0x38;
	[tilespmem:$0x12080] =	vst v63  }
0x27d: {  	s2 =	sshra.s32 s28, $0x1F;
	s1 =	sadd.s32 $0x6AD180, s1;
	s18 =	simm.s32 $0xE880  }
0x27e: {  	[tilespmem:s18], [sflag:$0x1] =	stream.linear.gather [hbm4b:s1+s3], $0x400, $0x38;
	[tilespmem:$0x12080] =	vst v63  }
0x27f: {  	s1 =	sshrl.u32 s2, $0x19  }
0x280: {  	s1 =	sadd.s32 s1, s28  }
0x281: {  	s29 =	sand.u32 $0xFFFFFF80, s1  }
0x282: {  	p3 =	slt.s32 s28, $0x1;
	p4 =	sne.s32 s28, s29  }
0x283: {  	p0 =	por !p3, !p4  }
0x284: {  	s2 =	simm.s32 $0x1;
	p0 =	por !p0, !p0  }
0x285: {  	s1 =	sshrl.u32 s1, $0x7;
	s2 =	simm.s32 @!p0 $0x0  }
0x286: {  	(v2sf) =	vpush v36, $0xC;
	s1 =	ssub.s32 s1, s2  }
0x287: {  	s1 =	sshll.u32 s1, $0x7  }
0x288: {  	s1 =	sand.u32 $0x1FFFFF80, s1  }
0x289: {  	s4 =	simm.s32 $0xC80;
	s1 =	sadd.s32 s0, s1  }
0x28a: {  	[tilespmem:s4], [sflag:$0x1] =	stream.linear.gather [hbm4b:s1+s3], $0x400, $0x38;
	[tilespmem:$0x12080] =	vst v63  }
0x28b: {  	s6 =	simm.s32 $0x2C80;
	s5 =	sadd.s32 $0xF4280, s1  }
0x28c: {  	[tilespmem:s6], [sflag:$0x1] =	stream.linear.gather [hbm4b:s5+s3], $0x400, $0x38;
	[tilespmem:$0x12080] =	vst v63  }
0x28d: {  	s10 =	simm.s32 $0x4C80;
	s7 =	sadd.s32 $0x1E8500, s1  }
0x28e: {  	[tilespmem:s10], [sflag:$0x1] =	stream.linear.gather [hbm4b:s7+s3], $0x400, $0x38;
	[tilespmem:$0x12080] =	vst v63  }
0x28f: {  	s18 =	simm.s32 $0x6C80;
	s11 =	sadd.s32 $0x2DC780, s1  }
0x290: {  	[tilespmem:s18], [sflag:$0x1] =	stream.linear.gather [hbm4b:s11+s3], $0x400, $0x38;
	[tilespmem:$0x12080] =	vst v63  }
0x291: {  	s4 =	sadd.s32 $0x3D0A00, s1;
	s5 =	simm.s32 $0x8C80  }
0x292: {  	[tilespmem:s5], [sflag:$0x1] =	stream.linear.gather [hbm4b:s4+s3], $0x400, $0x38;
	[tilespmem:$0x12080] =	vst v63  }
0x293: {  	s6 =	sadd.s32 $0x4C4C80, s1;
	s7 =	simm.s32 $0xAC80  }
0x294: {  	[tilespmem:s7], [sflag:$0x1] =	stream.linear.gather [hbm4b:s6+s3], $0x400, $0x38;
	[tilespmem:$0x12080] =	vst v63  }
0x295: {  	s30 =	spop (v2sf);
	s10 =	sadd.s32 $0x5B8F00, s1;
	s11 =	simm.s32 $0xCC80  }
0x296: {  	[tilespmem:s11], [sflag:$0x1] =	stream.linear.gather [hbm4b:s10+s3], $0x400, $0x38;
	[tilespmem:$0x12080] =	vst v63  }
0x297: {  	s2 =	sshra.s32 s30, $0x1F;
	s1 =	sadd.s32 $0x6AD180, s1;
	s18 =	simm.s32 $0xEC80  }
0x298: {  	[tilespmem:s18], [sflag:$0x1] =	stream.linear.gather [hbm4b:s1+s3], $0x400, $0x38;
	[tilespmem:$0x12080] =	vst v63  }
0x299: {  	s1 =	sshrl.u32 s2, $0x19  }
0x29a: {  	s1 =	sadd.s32 s1, s30  }
0x29b: {  	s31 =	sand.u32 $0xFFFFFF80, s1  }
0x29c: {  	p5 =	slt.s32 s30, $0x1;
	p6 =	sne.s32 s30, s31  }
0x29d: {  	p0 =	por !p5, !p6  }
0x29e: {  	s2 =	simm.s32 $0x1;
	p0 =	por !p0, !p0  }
0x29f: {  	s1 =	sshrl.u32 s1, $0x7;
	s2 =	simm.s32 @!p0 $0x0  }
0x2a0: {  	s1 =	ssub.s32 s1, s2  }
0x2a1: {  	s1 =	sshll.u32 s1, $0x7  }
0x2a2: {  	s1 =	sand.u32 $0x1FFFFF80, s1  }
0x2a3: {  	s4 =	simm.s32 $0x1080;
	s1 =	sadd.s32 s0, s1  }
0x2a4: {  	(v2sf) =	vpush v36, $0xD;
	[tilespmem:s4], [sflag:$0x1] =	stream.linear.gather [hbm4b:s1+s3], $0x400, $0x38;
	[tilespmem:$0x12080] =	vst v63  }
0x2a5: {  	s6 =	simm.s32 $0x3080;
	s5 =	sadd.s32 $0xF4280, s1  }
0x2a6: {  	[tilespmem:s6], [sflag:$0x1] =	stream.linear.gather [hbm4b:s5+s3], $0x400, $0x38;
	[tilespmem:$0x12080] =	vst v63  }
0x2a7: {  	s10 =	simm.s32 $0x5080;
	s7 =	sadd.s32 $0x1E8500, s1  }
0x2a8: {  	[tilespmem:s10], [sflag:$0x1] =	stream.linear.gather [hbm4b:s7+s3], $0x400, $0x38;
	[tilespmem:$0x12080] =	vst v63  }
0x2a9: {  	s18 =	simm.s32 $0x7080;
	s11 =	sadd.s32 $0x2DC780, s1  }
0x2aa: {  	[tilespmem:s18], [sflag:$0x1] =	stream.linear.gather [hbm4b:s11+s3], $0x400, $0x38;
	[tilespmem:$0x12080] =	vst v63  }
0x2ab: {  	s5 =	sadd.s32 $0x3D0A00, s1;
	s6 =	simm.s32 $0x9080  }
0x2ac: {  	[tilespmem:s6], [sflag:$0x1] =	stream.linear.gather [hbm4b:s5+s3], $0x400, $0x38;
	[tilespmem:$0x12080] =	vst v63  }
0x2ad: {  	s7 =	sadd.s32 $0x4C4C80, s1;
	s10 =	simm.s32 $0xB080  }
0x2ae: {  	[tilespmem:s10], [sflag:$0x1] =	stream.linear.gather [hbm4b:s7+s3], $0x400, $0x38;
	[tilespmem:$0x12080] =	vst v63  }
0x2af: {  	s11 =	sadd.s32 $0x5B8F00, s1;
	s18 =	simm.s32 $0xD080  }
0x2b0: {  	[tilespmem:s18], [sflag:$0x1] =	stream.linear.gather [hbm4b:s11+s3], $0x400, $0x38;
	[tilespmem:$0x12080] =	vst v63  }
0x2b1: {  	s1 =	sadd.s32 $0x6AD180, s1;
	s5 =	simm.s32 $0xF080  }
0x2b2: {  	[tilespmem:s5], [sflag:$0x1] =	stream.linear.gather [hbm4b:s1+s3], $0x400, $0x38;
	[tilespmem:$0x12080] =	vst v63  }
0x2b3: {  	s1 =	spop (v2sf)  }
0x2b4: {  	s6 =	sshra.s32 s1, $0x1F  }
0x2b5: {  	s2 =	sshrl.u32 s6, $0x19  }
0x2b6: {  	s7 =	sadd.s32 s2, s1  }
0x2b7: {  	s2 =	sand.u32 $0xFFFFFF80, s7  }
0x2b8: {  	p1 =	slt.s32 s1, $0x1;
	p2 =	sne.s32 s1, s2  }
0x2b9: {  	p0 =	por !p1, !p2  }
0x2ba: {  	s5 =	simm.s32 $0x1;
	p0 =	por !p0, !p0  }
0x2bb: {  	s4 =	sshrl.u32 s7, $0x7;
	s5 =	simm.s32 @!p0 $0x0  }
0x2bc: {  	s4 =	ssub.s32 s4, s5  }
0x2bd: {  	s4 =	sshll.u32 s4, $0x7  }
0x2be: {  	s4 =	sand.u32 $0x1FFFFF80, s4  }
0x2bf: {  	s10 =	simm.s32 $0x1480;
	s4 =	sadd.s32 s0, s4  }
0x2c0: {  	(v2sf) =	vpush v36, $0xE;
	[tilespmem:s10], [sflag:$0x1] =	stream.linear.gather [hbm4b:s4+s3], $0x400, $0x38;
	[tilespmem:$0x12080] =	vst v63  }
0x2c1: {  	s18 =	simm.s32 $0x3480;
	s11 =	sadd.s32 $0xF4280, s4  }
0x2c2: {  	[tilespmem:s18], [sflag:$0x1] =	stream.linear.gather [hbm4b:s11+s3], $0x400, $0x38;
	[tilespmem:$0x12080] =	vst v63  }
0x2c3: {  	s7 =	sadd.s32 $0x1E8500, s4;
	s10 =	simm.s32 $0x5480  }
0x2c4: {  	[tilespmem:s10], [sflag:$0x1] =	stream.linear.gather [hbm4b:s7+s3], $0x400, $0x38;
	[tilespmem:$0x12080] =	vst v63  }
0x2c5: {  	s11 =	sadd.s32 $0x2DC780, s4;
	s18 =	simm.s32 $0x7480  }
0x2c6: {  	[tilespmem:s18], [sflag:$0x1] =	stream.linear.gather [hbm4b:s11+s3], $0x400, $0x38;
	[tilespmem:$0x12080] =	vst v63  }
0x2c7: {  	s7 =	sadd.s32 $0x3D0A00, s4;
	s10 =	simm.s32 $0x9480  }
0x2c8: {  	[tilespmem:s10], [sflag:$0x1] =	stream.linear.gather [hbm4b:s7+s3], $0x400, $0x38;
	[tilespmem:$0x12080] =	vst v63  }
0x2c9: {  	s11 =	sadd.s32 $0x4C4C80, s4;
	s18 =	simm.s32 $0xB480  }
0x2ca: {  	[tilespmem:s18], [sflag:$0x1] =	stream.linear.gather [hbm4b:s11+s3], $0x400, $0x38;
	[tilespmem:$0x12080] =	vst v63  }
0x2cb: {  	s6 =	sadd.s32 $0x5B8F00, s4;
	s7 =	simm.s32 $0xD480  }
0x2cc: {  	[tilespmem:s7], [sflag:$0x1] =	stream.linear.gather [hbm4b:s6+s3], $0x400, $0x38;
	[tilespmem:$0x12080] =	vst v63  }
0x2cd: {  	s4 =	sadd.s32 $0x6AD180, s4;
	s10 =	simm.s32 $0xF480  }
0x2ce: {  	[tilespmem:s10], [sflag:$0x1] =	stream.linear.gather [hbm4b:s4+s3], $0x400, $0x38;
	[tilespmem:$0x12080] =	vst v63  }
0x2cf: {  	s4 =	spop (v2sf)  }
0x2d0: {  	s11 =	sshra.s32 s4, $0x1F  }
0x2d1: {  	s5 =	sshrl.u32 s11, $0x19  }
0x2d2: {  	s18 =	sadd.s32 s5, s4  }
0x2d3: {  	s5 =	sand.u32 $0xFFFFFF80, s18  }
0x2d4: {  	p3 =	slt.s32 s4, $0x1;
	p4 =	sne.s32 s4, s5  }
0x2d5: {  	p0 =	por !p3, !p4  }
0x2d6: {  	s7 =	simm.s32 $0x1;
	p0 =	por !p0, !p0  }
0x2d7: {  	s6 =	sshrl.u32 s18, $0x7;
	s7 =	simm.s32 @!p0 $0x0  }
0x2d8: {  	s6 =	ssub.s32 s6, s7  }
0x2d9: {  	s6 =	sshll.u32 s6, $0x7  }
0x2da: {  	s6 =	sand.u32 $0x1FFFFF80, s6  }
0x2db: {  	s10 =	simm.s32 $0x1880;
	s6 =	sadd.s32 s0, s6  }
0x2dc: {  	(v2sf) =	vpush v36, $0xF;
	[tilespmem:s10], [sflag:$0x1] =	stream.linear.gather [hbm4b:s6+s3], $0x400, $0x38;
	[tilespmem:$0x12080] =	vst v63  }
0x2dd: {  	s18 =	simm.s32 $0x3880;
	s11 =	sadd.s32 $0xF4280, s6  }
0x2de: {  	[tilespmem:s18], [sflag:$0x1] =	stream.linear.gather [hbm4b:s11+s3], $0x400, $0x38;
	[tilespmem:$0x12080] =	vst v63  }
0x2df: {  	s11 =	sadd.s32 $0x1E8500, s6;
	s18 =	simm.s32 $0x5880  }
0x2e0: {  	[tilespmem:s18], [sflag:$0x1] =	stream.linear.gather [hbm4b:s11+s3], $0x400, $0x38;
	[tilespmem:$0x12080] =	vst v63  }
0x2e1: {  	s11 =	sadd.s32 $0x2DC780, s6;
	s18 =	simm.s32 $0x7880  }
0x2e2: {  	[tilespmem:s18], [sflag:$0x1] =	stream.linear.gather [hbm4b:s11+s3], $0x400, $0x38;
	[tilespmem:$0x12080] =	vst v63  }
0x2e3: {  	s11 =	sadd.s32 $0x3D0A00, s6;
	s18 =	simm.s32 $0x9880  }
0x2e4: {  	[tilespmem:s18], [sflag:$0x1] =	stream.linear.gather [hbm4b:s11+s3], $0x400, $0x38;
	[tilespmem:$0x12080] =	vst v63  }
0x2e5: {  	s11 =	sadd.s32 $0x4C4C80, s6;
	s18 =	simm.s32 $0xB880  }
0x2e6: {  	[tilespmem:s18], [sflag:$0x1] =	stream.linear.gather [hbm4b:s11+s3], $0x400, $0x38;
	[tilespmem:$0x12080] =	vst v63  }
0x2e7: {  	s11 =	sadd.s32 $0x5B8F00, s6;
	s18 =	simm.s32 $0xD880  }
0x2e8: {  	[tilespmem:s18], [sflag:$0x1] =	stream.linear.gather [hbm4b:s11+s3], $0x400, $0x38;
	[tilespmem:$0x12080] =	vst v63  }
0x2e9: {  	s10 =	simm.s32 $0xF880;
	s6 =	sadd.s32 $0x6AD180, s6  }
0x2ea: {  	[tilespmem:s10], [sflag:$0x1] =	stream.linear.gather [hbm4b:s6+s3], $0x400, $0x38;
	[tilespmem:$0x12080] =	vst v63  }
0x2eb: {  	s6 =	spop (v2sf)  }
0x2ec: {  	s11 =	sshra.s32 s6, $0x1F  }
0x2ed: {  	s7 =	sshrl.u32 s11, $0x19  }
0x2ee: {  	s18 =	sadd.s32 s7, s6  }
0x2ef: {  	s7 =	sand.u32 $0xFFFFFF80, s18  }
0x2f0: {  	p5 =	slt.s32 s6, $0x1;
	p6 =	sne.s32 s6, s7  }
0x2f1: {  	p0 =	por !p5, !p6  }
0x2f2: {  	s11 =	simm.s32 $0x1;
	p0 =	por !p0, !p0  }
0x2f3: {  	s10 =	sshrl.u32 s18, $0x7;
	s11 =	simm.s32 @!p0 $0x0  }
0x2f4: {  	s10 =	ssub.s32 s10, s11  }
0x2f5: {  	s10 =	sshll.u32 s10, $0x7  }
0x2f6: {  	s10 =	sand.u32 $0x1FFFFF80, s10  }
0x2f7: {  	s18 =	simm.s32 $0x1C80;
	s10 =	sadd.s32 s0, s10  }
0x2f8: {  	[tilespmem:s18], [sflag:$0x1] =	stream.linear.gather [hbm4b:s10+s3], $0x400, $0x38;
	[tilespmem:$0x12080] =	vst v63  }
0x2f9: {  	s11 =	sadd.s32 $0xF4280, s10;
	s18 =	simm.s32 $0x3C80  }
0x2fa: {  	[tilespmem:s18], [sflag:$0x1] =	stream.linear.gather [hbm4b:s11+s3], $0x400, $0x38;
	[tilespmem:$0x12080] =	vst v63  }
0x2fb: {  	s11 =	sadd.s32 $0x1E8500, s10;
	s18 =	simm.s32 $0x5C80  }
0x2fc: {  	[tilespmem:s18], [sflag:$0x1] =	stream.linear.gather [hbm4b:s11+s3], $0x400, $0x38;
	[tilespmem:$0x12080] =	vst v63  }
0x2fd: {  	s11 =	sadd.s32 $0x2DC780, s10;
	s18 =	simm.s32 $0x7C80  }
0x2fe: {  	[tilespmem:s18], [sflag:$0x1] =	stream.linear.gather [hbm4b:s11+s3], $0x400, $0x38;
	[tilespmem:$0x12080] =	vst v63  }
0x2ff: {  	s11 =	sadd.s32 $0x3D0A00, s10;
	s18 =	simm.s32 $0x9C80  }
0x300: {  	[tilespmem:s18], [sflag:$0x1] =	stream.linear.gather [hbm4b:s11+s3], $0x400, $0x38;
	[tilespmem:$0x12080] =	vst v63  }
0x301: {  	s11 =	sadd.s32 $0x4C4C80, s10;
	s18 =	simm.s32 $0xBC80  }
0x302: {  	[tilespmem:s18], [sflag:$0x1] =	stream.linear.gather [hbm4b:s11+s3], $0x400, $0x38;
	[tilespmem:$0x12080] =	vst v63  }
0x303: {  	s11 =	sadd.s32 $0x5B8F00, s10;
	s18 =	simm.s32 $0xDC80  }
0x304: {  	[tilespmem:s18], [sflag:$0x1] =	stream.linear.gather [hbm4b:s11+s3], $0x400, $0x38;
	[tilespmem:$0x12080] =	vst v63  }
0x305: {  	s10 =	sadd.s32 $0x6AD180, s10;
	s18 =	simm.s32 $0xFC80  }
0x306: {  	[tilespmem:s18], [sflag:$0x1] =	stream.linear.gather [hbm4b:s10+s3], $0x400, $0x38;
	[tilespmem:$0x12080] =	vst v63  }
0x307: {  	_ =	swait.ge [sflag:s8], $0x2000  }
0x308: {  	[sflag:s8] =	ssyncset.done $0x0  }
0x309: {  	[sflag:s8] =	ssyncadd.s32 $0xFFFFE000  }
0x30a: {  	_ =	swait.ge [sflag:s8], $0x2000  }
0x30b: {  	[sflag:s8] =	ssyncset.done $0x0  }
0x30c: {  	[sflag:s8] =	ssyncadd.s32 $0xFFFFE000  }
0x30d: {  	_ =	swait.ge [sflag:s8], $0x2000  }
0x30e: {  	[sflag:s8] =	ssyncset.done $0x0  }
0x30f: {  	[sflag:s8] =	ssyncadd.s32 $0xFFFFE000  }
0x310: {  	_ =	swait.ge [sflag:s8], $0x2000  }
0x311: {  	[sflag:s8] =	ssyncset.done $0x0  }
0x312: {  	[sflag:s8] =	ssyncadd.s32 $0xFFFFE000  }
0x313: {  	_ =	swait.ge [sflag:s8], $0x2000  }
0x314: {  	[sflag:s8] =	ssyncset.done $0x0  }
0x315: {  	[sflag:s8] =	ssyncadd.s32 $0xFFFFE000  }
0x316: {  	_ =	swait.ge [sflag:s8], $0x2000  }
0x317: {  	[sflag:s8] =	ssyncset.done $0x0  }
0x318: {  	[sflag:s8] =	ssyncadd.s32 $0xFFFFE000  }
0x319: {  	s18 =	sand.u32 $0x7F, s22;
	_ =	swait.ge [sflag:s8], $0x2000  }
0x31a: {  	s22 =	sadd.s32 $0xFFFFFFF9, s20;
	v54 =	vor.u32 s18, v1;
	[sflag:s8] =	ssyncset.done $0x0  }
0x31b: {  	v55 =	vmov s22;
	[sflag:s8] =	ssyncadd.s32 $0xFFFFE000  }
0x31c: {  	v37 =	vand.u32 $0x78, v55;
	_ =	swait.ge [sflag:s8], $0x2000  }
0x31d: {  	v37 =	vbroadcast v37, $0x0;
	[sflag:s8] =	ssyncset.done $0x0  }
0x31e: {  	[sflag:s8] =	ssyncadd.s32 $0xFFFFE000  }
0x31f: {  	v56 =	vor.u32 v0, v37;
	v36 =	vld.idx.msk [tilespmem:v54+s9+$0x0], $0xffff  }
0x320: {  	v57 =	vor.u32 s18, v2;
	_ =	sdelay $0x3  }
0x321: {  	[tilespmem:v56+s19+$0x0] =	vst.idx.msk $0xffff, v36  }
0x322: {  	v58 =	vor.u32 v3, v37;
	v36 =	vld.idx.msk [tilespmem:v57+s9+$0x0], $0xffff  }
0x323: {  	v59 =	vor.u32 s18, v4;
	_ =	sdelay $0x3  }
0x324: {  	[tilespmem:v58+s19+$0x0] =	vst.idx.msk $0xffff, v36  }
0x325: {  	v60 =	vor.u32 v5, v37;
	v36 =	vld.idx.msk [tilespmem:v59+s9+$0x0], $0xffff  }
0x326: {  	v61 =	vor.u32 s18, v6  }
0x327: {  	s24 =	ssub.s32 s23, s24  }
0x328: {  	v62 =	vmov s24  }
0x329: {  	v40 =	vand.u32 $0x7F, v62  }
0x32a: {  	v63 =	vbroadcast v40, $0x0;
	[tilespmem:v60+s19+$0x0] =	vst.idx.msk $0xffff, v36  }
0x32b: {  	v37 =	vor.u32 v7, v37;
	v38 =	vld.idx.msk [tilespmem:v61+s9+$0x0], $0xffff  }
0x32c: {  	v44 =	vor.u32 v8, v63;
	s18 =	sadd.s32 $0xFFFFFFFA, s20  }
0x32d: {  	v45 =	vmov s18  }
0x32e: {  	v40 =	vand.u32 $0x79, v45  }
0x32f: {  	v40 =	vbroadcast v40, $0x0  }
0x330: {  	[tilespmem:v37+s19+$0x0] =	vst.idx.msk $0xffff, v38  }
0x331: {  	v46 =	vor.u32 v0, v40;
	v37 =	vld.idx.msk [tilespmem:v44+s9+$0x0], $0xffff  }
0x332: {  	v47 =	vor.u32 v9, v63;
	_ =	sdelay $0x3  }
0x333: {  	[tilespmem:v46+s19+$0x0] =	vst.idx.msk $0xffff, v37  }
0x334: {  	v48 =	vor.u32 v3, v40;
	v37 =	vld.idx.msk [tilespmem:v47+s9+$0x0], $0xffff  }
0x335: {  	v49 =	vor.u32 v10, v63;
	_ =	sdelay $0x3  }
0x336: {  	[tilespmem:v48+s19+$0x0] =	vst.idx.msk $0xffff, v37  }
0x337: {  	v50 =	vor.u32 v5, v40;
	v37 =	vld.idx.msk [tilespmem:v49+s9+$0x0], $0xffff  }
0x338: {  	v36 =	vor.u32 v11, v63  }
0x339: {  	s22 =	ssub.s32 s25, s26  }
0x33a: {  	v51 =	vmov s22  }
0x33b: {  	v39 =	vand.u32 $0x7F, v51  }
0x33c: {  	v52 =	vbroadcast v39, $0x0;
	[tilespmem:v50+s19+$0x0] =	vst.idx.msk $0xffff, v37  }
0x33d: {  	v53 =	vor.u32 v7, v40;
	v36 =	vld.idx.msk [tilespmem:v36+s9+$0x0], $0xffff  }
0x33e: {  	s23 =	sadd.s32 $0xFFFFFFFB, s20;
	v39 =	vor.u32 v12, v52  }
0x33f: {  	v54 =	vmov s23  }
0x340: {  	v40 =	vand.u32 $0x7A, v54  }
0x341: {  	v40 =	vbroadcast v40, $0x0  }
0x342: {  	[tilespmem:v53+s19+$0x0] =	vst.idx.msk $0xffff, v36  }
0x343: {  	v55 =	vor.u32 v0, v40;
	v36 =	vld.idx.msk [tilespmem:v39+s9+$0x0], $0xffff  }
0x344: {  	v56 =	vor.u32 v13, v52;
	_ =	sdelay $0x3  }
0x345: {  	[tilespmem:v55+s19+$0x0] =	vst.idx.msk $0xffff, v36  }
0x346: {  	v57 =	vor.u32 v3, v40;
	v36 =	vld.idx.msk [tilespmem:v56+s9+$0x0], $0xffff  }
0x347: {  	v58 =	vor.u32 v14, v52;
	_ =	sdelay $0x3  }
0x348: {  	[tilespmem:v57+s19+$0x0] =	vst.idx.msk $0xffff, v36  }
0x349: {  	v59 =	vor.u32 v5, v40;
	v36 =	vld.idx.msk [tilespmem:v58+s9+$0x0], $0xffff  }
0x34a: {  	v37 =	vor.u32 v15, v52  }
0x34b: {  	s24 =	ssub.s32 s28, s29  }
0x34c: {  	v60 =	vmov s24  }
0x34d: {  	v39 =	vand.u32 $0x7F, v60  }
0x34e: {  	v61 =	vbroadcast v39, $0x0;
	[tilespmem:v59+s19+$0x0] =	vst.idx.msk $0xffff, v36  }
0x34f: {  	v62 =	vor.u32 v7, v40;
	v37 =	vld.idx.msk [tilespmem:v37+s9+$0x0], $0xffff  }
0x350: {  	s22 =	sadd.s32 $0xFFFFFFFC, s20;
	v39 =	vor.u32 v16, v61  }
0x351: {  	v63 =	vmov s22  }
0x352: {  	v40 =	vand.u32 $0x7B, v63  }
0x353: {  	v40 =	vbroadcast v40, $0x0  }
0x354: {  	[tilespmem:v62+s19+$0x0] =	vst.idx.msk $0xffff, v37  }
0x355: {  	v44 =	vor.u32 v0, v40;
	v37 =	vld.idx.msk [tilespmem:v39+s9+$0x0], $0xffff  }
0x356: {  	v45 =	vor.u32 v17, v61;
	_ =	sdelay $0x3  }
0x357: {  	[tilespmem:v44+s19+$0x0] =	vst.idx.msk $0xffff, v37  }
0x358: {  	v46 =	vor.u32 v3, v40;
	v37 =	vld.idx.msk [tilespmem:v45+s9+$0x0], $0xffff  }
0x359: {  	v47 =	vor.u32 v18, v61;
	_ =	sdelay $0x3  }
0x35a: {  	[tilespmem:v46+s19+$0x0] =	vst.idx.msk $0xffff, v37  }
0x35b: {  	v48 =	vor.u32 v5, v40;
	v37 =	vld.idx.msk [tilespmem:v47+s9+$0x0], $0xffff  }
0x35c: {  	v36 =	vor.u32 v19, v61  }
0x35d: {  	s23 =	ssub.s32 s30, s31  }
0x35e: {  	v49 =	vmov s23  }
0x35f: {  	v39 =	vand.u32 $0x7F, v49  }
0x360: {  	v50 =	vbroadcast v39, $0x0;
	[tilespmem:v48+s19+$0x0] =	vst.idx.msk $0xffff, v37  }
0x361: {  	v51 =	vor.u32 v7, v40;
	v36 =	vld.idx.msk [tilespmem:v36+s9+$0x0], $0xffff  }
0x362: {  	s24 =	sadd.s32 $0xFFFFFFFD, s20;
	v39 =	vor.u32 v20, v50  }
0x363: {  	v52 =	vmov s24  }
0x364: {  	v40 =	vand.u32 $0x7C, v52  }
0x365: {  	v40 =	vbroadcast v40, $0x0  }
0x366: {  	[tilespmem:v51+s19+$0x0] =	vst.idx.msk $0xffff, v36  }
0x367: {  	v53 =	vor.u32 v0, v40;
	v36 =	vld.idx.msk [tilespmem:v39+s9+$0x0], $0xffff  }
0x368: {  	v54 =	vor.u32 v21, v50;
	_ =	sdelay $0x3  }
0x369: {  	[tilespmem:v53+s19+$0x0] =	vst.idx.msk $0xffff, v36  }
0x36a: {  	v55 =	vor.u32 v3, v40;
	v36 =	vld.idx.msk [tilespmem:v54+s9+$0x0], $0xffff  }
0x36b: {  	v56 =	vor.u32 v22, v50;
	_ =	sdelay $0x3  }
0x36c: {  	[tilespmem:v55+s19+$0x0] =	vst.idx.msk $0xffff, v36  }
0x36d: {  	v57 =	vor.u32 v5, v40;
	v36 =	vld.idx.msk [tilespmem:v56+s9+$0x0], $0xffff  }
0x36e: {  	v37 =	vor.u32 v23, v50  }
0x36f: {  	s1 =	ssub.s32 s1, s2  }
0x370: {  	v58 =	vmov s1  }
0x371: {  	v39 =	vand.u32 $0x7F, v58  }
0x372: {  	v59 =	vbroadcast v39, $0x0;
	[tilespmem:v57+s19+$0x0] =	vst.idx.msk $0xffff, v36  }
0x373: {  	v60 =	vor.u32 v7, v40;
	v37 =	vld.idx.msk [tilespmem:v37+s9+$0x0], $0xffff  }
0x374: {  	s2 =	sadd.s32 $0xFFFFFFFE, s20;
	v39 =	vor.u32 v24, v59  }
0x375: {  	v61 =	vmov s2  }
0x376: {  	v40 =	vand.u32 $0x7D, v61  }
0x377: {  	v40 =	vbroadcast v40, $0x0  }
0x378: {  	[tilespmem:v60+s19+$0x0] =	vst.idx.msk $0xffff, v37  }
0x379: {  	v62 =	vor.u32 v0, v40;
	v37 =	vld.idx.msk [tilespmem:v39+s9+$0x0], $0xffff  }
0x37a: {  	v63 =	vor.u32 v25, v59;
	_ =	sdelay $0x3  }
0x37b: {  	[tilespmem:v62+s19+$0x0] =	vst.idx.msk $0xffff, v37  }
0x37c: {  	v42 =	vor.u32 v3, v40;
	v37 =	vld.idx.msk [tilespmem:v63+s9+$0x0], $0xffff  }
0x37d: {  	v43 =	vor.u32 v26, v59;
	_ =	sdelay $0x3  }
0x37e: {  	[tilespmem:v42+s19+$0x0] =	vst.idx.msk $0xffff, v37  }
0x37f: {  	v44 =	vor.u32 v5, v40;
	v37 =	vld.idx.msk [tilespmem:v43+s9+$0x0], $0xffff  }
0x380: {  	v36 =	vor.u32 v27, v59  }
0x381: {  	s22 =	ssub.s32 s4, s5  }
0x382: {  	v45 =	vmov s22  }
0x383: {  	v39 =	vand.u32 $0x7F, v45  }
0x384: {  	v46 =	vbroadcast v39, $0x0;
	[tilespmem:v44+s19+$0x0] =	vst.idx.msk $0xffff, v37  }
0x385: {  	v47 =	vor.u32 v7, v40;
	v36 =	vld.idx.msk [tilespmem:v36+s9+$0x0], $0xffff  }
0x386: {  	s23 =	sadd.s32 $0xFFFFFFFF, s20;
	v39 =	vor.u32 v28, v46  }
0x387: {  	v48 =	vmov s23  }
0x388: {  	v40 =	vand.u32 $0x7E, v48  }
0x389: {  	v40 =	vbroadcast v40, $0x0  }
0x38a: {  	[tilespmem:v47+s19+$0x0] =	vst.idx.msk $0xffff, v36  }
0x38b: {  	v49 =	vor.u32 v0, v40;
	v36 =	vld.idx.msk [tilespmem:v39+s9+$0x0], $0xffff  }
0x38c: {  	v50 =	vor.u32 v29, v46;
	_ =	sdelay $0x3  }
0x38d: {  	[tilespmem:v49+s19+$0x0] =	vst.idx.msk $0xffff, v36  }
0x38e: {  	v51 =	vor.u32 v3, v40;
	v36 =	vld.idx.msk [tilespmem:v50+s9+$0x0], $0xffff  }
0x38f: {  	v52 =	vor.u32 v30, v46;
	_ =	sdelay $0x3  }
0x390: {  	[tilespmem:v51+s19+$0x0] =	vst.idx.msk $0xffff, v36  }
0x391: {  	v53 =	vor.u32 v5, v40;
	v36 =	vld.idx.msk [tilespmem:v52+s9+$0x0], $0xffff  }
0x392: {  	v37 =	vor.u32 v31, v46  }
0x393: {  	s24 =	ssub.s32 s6, s7  }
0x394: {  	v54 =	vmov s24  }
0x395: {  	v39 =	vand.u32 $0x7F, v54  }
0x396: {  	v55 =	vbroadcast v39, $0x0;
	[tilespmem:v53+s19+$0x0] =	vst.idx.msk $0xffff, v36  }
0x397: {  	v56 =	vor.u32 v7, v40;
	v37 =	vld.idx.msk [tilespmem:v37+s9+$0x0], $0xffff  }
0x398: {  	v39 =	vor.u32 v32, v55  }
0x399: {  	v57 =	vmov s20  }
0x39a: {  	v40 =	vand.u32 $0x7F, v57  }
0x39b: {  	v40 =	vbroadcast v40, $0x0  }
0x39c: {  	[tilespmem:v56+s19+$0x0] =	vst.idx.msk $0xffff, v37  }
0x39d: {  	v58 =	vor.u32 v0, v40;
	v37 =	vld.idx.msk [tilespmem:v39+s9+$0x0], $0xffff  }
0x39e: {  	v59 =	vor.u32 v33, v55;
	_ =	sdelay $0x3  }
0x39f: {  	[tilespmem:v58+s19+$0x0] =	vst.idx.msk $0xffff, v37  }
0x3a0: {  	v60 =	vor.u32 v3, v40;
	v37 =	vld.idx.msk [tilespmem:v59+s9+$0x0], $0xffff  }
0x3a1: {  	v61 =	vor.u32 v34, v55;
	_ =	sdelay $0x3  }
0x3a2: {  	[tilespmem:v60+s19+$0x0] =	vst.idx.msk $0xffff, v37  }
0x3a3: {  	v62 =	vor.u32 v5, v40;
	v37 =	vld.idx.msk [tilespmem:v61+s9+$0x0], $0xffff  }
0x3a4: {  	v36 =	vor.u32 v35, v55;
	_ =	sdelay $0x3  }
0x3a5: {  	[tilespmem:v62+s19+$0x0] =	vst.idx.msk $0xffff, v37  }
0x3a6: {  	s21 =	sadd.s32 $0x10, s21;
	p0 =	sne.s32 s20, $0x7F;
	v63 =	vor.u32 v7, v40;
	v36 =	vld.idx.msk [tilespmem:v36+s9+$0x0], $0xffff  }
.Ltmp0:
0x3a7: {  	s29 =	simm.s32 $0x2880;
	s28 =	simm.s32 $0x880;
	(pc) =	sbr.rel @p0 .LBB2_2-.Ltmp0, $4  }
0x3a8: {  	s11 =	simm.s32 $0x6480;
	s10 =	simm.s32 $0x2480;
	s26 =	simm.s32 $0xE480  }
0x3a9: {  	s25 =	simm.s32 $0xC480;
	s18 =	simm.s32 $0xA480;
	s31 =	simm.s32 $0x6880  }
0x3aa: {  	s30 =	simm.s32 $0x4880;
	s5 =	simm.s32 $0x6080;
	s4 =	simm.s32 $0x2080  }
0x3ab: {  	s7 =	simm.s32 $0xE080;
	s6 =	simm.s32 $0xA080;
	s20 =	sadd.s32 $0x10, s20;
	[tilespmem:v63+s19+$0x0] =	vst.idx.msk $0xffff, v36  }
0x3ac: {  	s1 =	rddreg [dreg:$0x5];
	s2 =	simm.s32 $0x400;
	s20 =	simm.s32 $0x8000  }
0x3ad: {  	[hbm4b:s1+s2] =	stream.strided.scatter [tilespmem:s19], [sflag:$0x2], $0x2000, s20, s2, $0x38;
	[tilespmem:$0x12080] =	vst v63  }
0x3ae: {  	s2 =	simm.s32 $0x2  }
0x3af: {  	_ =	swait.ge [sflag:s2], $0x2000  }
0x3b0: {  	s23 =	rddreg [dreg:$0x7]  }
0x3b1: {  	s24 =	rddreg [dreg:$0x6];
	s20 =	sadd.s32 $0x1, s23  }
0x3b2: {  	p0 =	sne.s32 s20, s24  }
.Ltmp1:
0x3b3: {  	_ = 	snop;
	(pc) =	sbr.rel @p0 .LBB2_1-.Ltmp1, $3  }
0x3b4: {  	_ =	sdelay $0x1  }
0x3b5: {  	[sflag:s2] =	ssyncset.done $0x0  }
0x3b6: {  	[sflag:s2] =	ssyncadd.s32 $0xFFFFE000  }
0x3b7: {  	_ =	sfence.sel $0x180000  }
0x3b8: {  	[bflag:$0x0] =	sbarrier.arrive $0xFFFF  }
0x3b9: {  	_ =	strace $0x90000047  }
0x3ba: {  	s0 =	stileid.u32;
	[bflag:$0x2] =	sbarrier.arrive $0xFFFF  }
0x3bb: {  	p0 =	sne.s32 s0, $0x0;
	s0 =	rddreg [dreg:$0x3]  }
0x3bc: {  	s0 =	sadd.s32 @!p0 $0x100000, s0  }
0x3bd: {  	[sflag:s0] =	ssyncadd.tile.s32 @!p0 $0x1;
	_ =	shalt  }
.Lfunc_end2:
_tile_overlayer_lowered:
.L_overlay_start_2:
0x3be: {  	(tag) =	ssettag $0x2  }
0x3bf: {  	s0 =	rddreg [dreg:$0x0];
	s2 =	stileid.u32  }
0x3c0: {  	s1 =	rddreg [dreg:$0x1];
	p0 =	sne.s32 s2, $0x0  }
0x3c1: {  	s3 =	rddreg [dreg:$0x2];
	[bflag:$0x3] =	sbarrier.arrive $0xFFFF;
	s2 =	simm.s32 @!p0 $0x1C02  }
0x3c2: {  	[timem:s3], [sflag:s2] =	dma.local @!p0 [hbm:s0], s1  }
0x3c3: {  	s0 =	simm.s32 @!p0 $0x2  }
0x3c4: {  	_ =	swait.ge @!p0 [sflag:s0], s1  }
0x3c5: {  	s1 =	ssub.s32 @!p0 $0x0, s1;
	[sflag:s0] =	ssyncset.done @!p0 $0x0  }
0x3c6: {  	[sflag:s0] =	ssyncadd.s32 @!p0 s1  }
0x3c7: {  	[bflag:$0x3] =	sbarrier.arrive $0xFFFF  }
0x3c8: {  	_ =	shalt  }

</sc_bundles>
